<compile_context>
chip_gen: v7x
topology: tpu7x:2x2x1
jax: 0.10.2.dev20260603
libtpu: 0.0.44.dev20260713+nightly
codegen_flags: <defaults>
</compile_context>

<pallas_src>
import functools

import jax
import jax.numpy as jnp
from jax import lax
from jax.experimental import pallas as pl
from jax.experimental.pallas import tpu as pltpu
from jax.experimental.pallas import tpu_sc as plsc

_NT = 7300
_NG = 2000
_DAYS = 365
_NY = _NT // _DAYS
_NGTC = 1024
_GTC = 128
_GB = 8
_GG = 4
_NTASK = (_NG - _NGTC) // _GB
_NWORK = 32
_TPW = -(-_NTASK // _NWORK)
_SPLIT = 3712
_LA = _SPLIT
_LB = _NT - _SPLIT
_YSPLIT = _SPLIT // _DAYS
_L10A = _SPLIT - _YSPLIT * _DAYS
_L10B = _DAYS - _L10A
_LB1 = ((_NT // 128) * 128) - _SPLIT
_NTAIL = _NT - _SPLIT - _LB1
_TAILW = 128
_LBPAD = _LB1 + _TAILW


def _sc_partials(o3, t3, otail, ttail):
    mesh = plsc.VectorSubcoreMesh(core_axis_name="c", subcore_axis_name="s")

    @functools.partial(
        pl.kernel,
        out_type=jax.ShapeDtypeStruct((_NWORK, 8, 16), jnp.float32),
        mesh=mesh,
        scratch_types=[
            pltpu.VMEM((_GB, _LA), jnp.float32),
            pltpu.VMEM((_GB, _LA), jnp.float32),
            pltpu.VMEM((_GB, _LBPAD), jnp.float32),
            pltpu.VMEM((_GB, _LBPAD), jnp.float32),
            pltpu.VMEM((8, 16), jnp.float32),
            pltpu.SMEM((_GB,), jnp.float32),
            pltpu.SemaphoreType.DMA,
            pltpu.SemaphoreType.DMA,
            pltpu.SemaphoreType.DMA,
            pltpu.SemaphoreType.DMA,
        ],
        compiler_params=pltpu.CompilerParams(needs_layout_passes=False),
    )
    def body(o_hbm, t_hbm, otail_hbm, ttail_hbm, out_hbm, pa, ta, pb, tb,
             obuf, y10s, sa0, sa1, sb0, sb1):
        wid = lax.axis_index("s") * 2 + lax.axis_index("c")
        lane = lax.broadcasted_iota(jnp.int32, (16,), 0)
        zero16 = jnp.zeros((16,), jnp.float32)

        def g0_of(k):
            return pl.multiple_of(
                jnp.minimum(wid + _NWORK * k, _NTASK - 1) * _GB + _NGTC, _GB)

        def copies_a(k):
            g0 = g0_of(k)
            return (pltpu.make_async_copy(
                        o_hbm.at[0, pl.ds(g0, _GB), pl.ds(0, _LA)], pa, sa0),
                    pltpu.make_async_copy(
                        t_hbm.at[0, pl.ds(g0, _GB), pl.ds(0, _LA)], ta, sa1))

        def copies_b(k):
            g0 = g0_of(k)
            return (pltpu.make_async_copy(
                        o_hbm.at[0, pl.ds(g0, _GB), pl.ds(_SPLIT, _LB1)],
                        pb.at[:, pl.ds(0, _LB1)], sb0),
                    pltpu.make_async_copy(
                        t_hbm.at[0, pl.ds(g0, _GB), pl.ds(_SPLIT, _LB1)],
                        tb.at[:, pl.ds(0, _LB1)], sb1),
                    pltpu.make_async_copy(
                        otail_hbm.at[pl.ds(g0, _GB)],
                        pb.at[:, pl.ds(_LB1, _TAILW)], sb0),
                    pltpu.make_async_copy(
                        ttail_hbm.at[pl.ds(g0, _GB)],
                        tb.at[:, pl.ds(_LB1, _TAILW)], sb1))

        def sum_range4(pbuf, tbuf, g4, start, length, buflen):
            nch = (length + 15) // 16 + 1
            c0 = pl.multiple_of(
                jnp.clip((start // 16) * 16, 0, buflen - nch * 16), 16)
            gs = [g4 + j for j in range(_GG)]

            def load(g, o):
                return pbuf[g, pl.ds(o, 16)] - tbuf[g, pl.ds(o, 16)]

            if length == _DAYS:
                mf0 = jnp.clip(lane + (c0 - start + 1), 0, 1)
                mf0 = mf0.astype(jnp.float32)
                regs = tuple(load(g, c0) * mf0 for g in gs)

                def chunk7(i, rs):
                    for u in range(7):
                        o = pl.multiple_of(c0 + 16 + (i * 7 + u) * 16, 16)
                        rs = tuple(r + load(g, o) for r, g in zip(rs, gs))
                    return rs
                regs = lax.fori_loop(0, (nch - 3) // 7, chunk7, regs)
                for i in (nch - 2, nch - 1):
                    mfr = jnp.clip((start + length - c0 - 16 * i) - lane,
                                   0, 1).astype(jnp.float32)
                    o = pl.multiple_of(c0 + 16 * i, 16)
                    regs = tuple(r + load(g, o) * mfr
                                 for r, g in zip(regs, gs))
                return regs
            def chunk_m(i, rs):
                o = pl.multiple_of(c0 + i * 16, 16)
                a = lane + (c0 + 16 * i - start + 1)
                b = (start + length - c0 - 16 * i) - lane
                mf = jnp.clip(jnp.minimum(a, b), 0, 1).astype(jnp.float32)
                return tuple(r + load(g, o) * mf for r, g in zip(rs, gs))
            return lax.fori_loop(0, nch, chunk_m, (zero16,) * _GG)

        def task_body(k, sq):
            task = wid + _NWORK * k
            validf = jnp.where(task < _NTASK, jnp.float32(1.0),
                               jnp.float32(0.0))
            ca = copies_a(k)
            for h in ca:
                h.wait()
            cb = copies_b(k)
            for h in cb:
                h.start()

            def gauge_a4(gp, sq_in):
                g4 = gp * _GG

                def year_a(y, s_in):
                    regs = sum_range4(pa, ta, g4, y * _DAYS, _DAYS, _LA)
                    for r in regs:
                        s = jnp.sum(r)
                        s_in = s_in + s * s
                    return s_in
                sq_g = lax.fori_loop(0, _YSPLIT, year_a, sq_in)
                r10 = sum_range4(pa, ta, g4, _YSPLIT * _DAYS, _L10A, _LA)
                for j in range(_GG):
                    y10s[g4 + j] = jnp.sum(r10[j])
                return sq_g
            sq_a = lax.fori_loop(0, _GB // _GG, gauge_a4, jnp.float32(0.0))

            for h in cb:
                h.wait()
            na = copies_a(k + 1)
            for h in na:
                h.start()

            def gauge_b4(gp, sq_in):
                g4 = gp * _GG
                r10 = sum_range4(pb, tb, g4, 0, _L10B, _LBPAD)
                for j in range(_GG):
                    s10 = y10s[g4 + j] + jnp.sum(r10[j])
                    sq_in = sq_in + s10 * s10

                def year_b(y, s_in):
                    start = (_YSPLIT + 1 + y) * _DAYS - _SPLIT
                    regs = sum_range4(pb, tb, g4, start, _DAYS, _LBPAD)
                    for r in regs:
                        s = jnp.sum(r)
                        s_in = s_in + s * s
                    return s_in
                return lax.fori_loop(0, _NY - _YSPLIT - 1, year_b, sq_in)
            sq_b = lax.fori_loop(0, _GB // _GG, gauge_b4, jnp.float32(0.0))
            return sq + (sq_a + sq_b) * validf

        for h in copies_a(0):
            h.start()
        sq = lax.fori_loop(0, _TPW, task_body, jnp.float32(0.0))
        for h in copies_a(_TPW):
            h.wait()

        def zero_o(r, c):
            obuf[r] = zero16
            return c
        lax.fori_loop(0, 8, zero_o, 0)
        lane0 = (1 - jnp.clip(lane, 0, 1)).astype(jnp.float32)
        obuf[0] = jnp.full((16,), sq, jnp.float32) * lane0
        pltpu.sync_copy(obuf, out_hbm.at[wid])

    return body(o3, t3, otail, ttail)


def _tc_partial(o3, t3):

    def tcbody(o_ref, t_ref, out_ref):
        d = o_ref[0] - t_ref[0]
        day = lax.broadcasted_iota(jnp.int32, (_NT, _NY), 0) // _DAYS
        yid = lax.broadcasted_iota(jnp.int32, (_NT, _NY), 1)
        ymat = (day == yid).astype(jnp.float32)
        s = lax.dot_general(d, ymat, (((1,), (0,)), ((), ())),
                            preferred_element_type=jnp.float32,
                            precision=lax.Precision.HIGHEST)
        ps = jnp.sum(s * s)

        @pl.when(pl.program_id(0) == 0)
        def _init():
            out_ref[...] = jnp.zeros((1, 1), jnp.float32)
        out_ref[...] += jnp.full((1, 1), ps, jnp.float32)

    return pl.pallas_call(
        tcbody,
        grid=(_NGTC // _GTC,),
        in_specs=[pl.BlockSpec((1, _GTC, _NT), lambda i: (0, i, 0)),
                  pl.BlockSpec((1, _GTC, _NT), lambda i: (0, i, 0))],
        out_specs=pl.BlockSpec((1, 1), lambda i: (0, 0)),
        out_shape=jax.ShapeDtypeStruct((1, 1), jnp.float32),
    )(o3, t3)


def kernel(output, target):
    o3 = jnp.transpose(output, (2, 1, 0))
    t3 = jnp.transpose(target, (2, 1, 0))
    otail = jnp.pad(o3[0, :, _NT - _NTAIL:], ((0, 0), (0, _TAILW - _NTAIL)))
    ttail = jnp.pad(t3[0, :, _NT - _NTAIL:], ((0, 0), (0, _TAILW - _NTAIL)))
    partials = _sc_partials(o3, t3, otail, ttail)
    tc_part = _tc_partial(o3, t3)
    scale = 1.0 / (float(_DAYS) * float(_DAYS) * float(_NY) * float(_NG))
    return (jnp.sum(partials) + tc_part[0, 0]) * scale

# --- scband reference (transcript-rebuilt; emitter-appended) ---
"""Pipeline reference for scband-modify-trend-15513421873613 (READ-ONLY COPY).

The authoritative reference and input builder live on the scoring server;
editing this copy changes nothing except your own understanding.
"""

import jax, jax.numpy as jnp
import numpy as np


def setup_inputs(seed: int = 0) -> dict:
    key = jax.random.key(seed)
    k1, k2 = jax.random.split(key)
    output = jax.random.normal(k1, (7300, 2000, 3), dtype=jnp.float32)
    target = jax.random.normal(k2, (7300, 2000, 3), dtype=jnp.float32)
    return {"output": output, "target": target}


def reference(output, target):
    # PercentLst default = [-1] -> only the mean-flow branch is taken.
    nt, ngage, ny = target.shape
    p0 = output[:, :, 0]
    t0 = target[:, :, 0]
    # (mask-selected p, t are computed in the torch code but never used; they
    # do not affect the returned loss, so they are omitted here.)
    p1 = p0.reshape(-1, 365, ngage)
    t1 = t0.reshape(-1, 365, ngage)
    # PercentLst[0] == -1 < 0 -> annual mean flow
    pQ = jnp.mean(p1, axis=1)
    tQ = jnp.mean(t1, axis=1)
    temptrendloss = jnp.mean((pQ - tQ) ** 2)
    loss = temptrendloss
    return loss

if __name__ == "__main__":
    import jax
    _d = setup_inputs()
    print(jax.jit(kernel)(*tuple(_d.values())))

</pallas_src>

<mosaic_0001>
#map = affine_map<(d0, d1) -> (0, 0, 0)>
#map1 = affine_map<(d0, d1) -> (0, 0)>
module attributes {stable_mosaic.version = 14 : i64} {
  func.func @body(%arg0: i32, %arg1: i32, %arg2: memref<3x2000x7300xf32, #tpu.memory_space<hbm>>, %arg3: memref<3x2000x7300xf32, #tpu.memory_space<hbm>>, %arg4: memref<2000x128xf32, #tpu.memory_space<hbm>>, %arg5: memref<2000x128xf32, #tpu.memory_space<hbm>>, %arg6: memref<32x8x16xf32, #tpu.memory_space<hbm>>, %arg7: memref<8x3712xf32, #tpu.memory_space<vmem>>, %arg8: memref<8x3712xf32, #tpu.memory_space<vmem>>, %arg9: memref<8x3712xf32, #tpu.memory_space<vmem>>, %arg10: memref<8x3712xf32, #tpu.memory_space<vmem>>, %arg11: memref<8x16xf32, #tpu.memory_space<vmem>>, %arg12: memref<8xf32, #tpu.memory_space<smem>>, %arg13: memref<!tpu.dma_semaphore, #tpu.memory_space<semaphore_mem>>, %arg14: memref<!tpu.dma_semaphore, #tpu.memory_space<semaphore_mem>>, %arg15: memref<!tpu.dma_semaphore, #tpu.memory_space<semaphore_mem>>, %arg16: memref<!tpu.dma_semaphore, #tpu.memory_space<semaphore_mem>>) attributes {dimension_semantics = [#tpu.dimension_semantics<core_parallel>, #tpu.dimension_semantics<subcore_parallel>], iteration_bounds = array<i64: 2, 16>, scalar_prefetch = 0 : i64, scratch_operands = 10 : i64, tpu.core_type = #tpu.core_type<sc_vector_subcore>, window_params = [{transform_indices = #map}, {transform_indices = #map}, {transform_indices = #map1}, {transform_indices = #map1}, {transform_indices = #map}]} {
    %mul3A = arith.constant 2 : i32
    %mul3A_0 = arith.muli %arg1, %mul3A : i32
    %add3A = arith.addi %mul3A_0, %arg0 : i32
    %iota3A = tpu.iota {dimensions = array<i32: 0>} : vector<16xi32>
    %broadcast_in_dim3A = arith.constant 0.000000e+00 : f32
    %broadcast_in_dim3A_1 = vector.broadcast %broadcast_in_dim3A : f32 to vector<16xf32>
    %add3A_2 = arith.constant 0 : i32
    %add3A_3 = arith.addi %add3A, %add3A_2 : i32
    %min3A = arith.constant 121 : i32
    %min3A_4 = arith.minsi %add3A_3, %min3A : i32
    %mul3A_5 = arith.constant 8 : i32
    %mul3A_6 = arith.muli %min3A_4, %mul3A_5 : i32
    %add3A_7 = arith.constant 1024 : i32
    %add3A_8 = arith.addi %mul3A_6, %add3A_7 : i32
    %multiple_of3A = tpu.assume_multiple %add3A_8, 8 : i32
    %dma_start3A = arith.constant 0 : i32
    %dma_start3A_9 = arith.constant 0 : i32
    %dma_start3A_10 = tpu.memref_slice %arg2[%dma_start3A, %multiple_of3A, %dma_start3A_9] : memref<3x2000x7300xf32, #tpu.memory_space<hbm>> -> memref<1x8x3712xf32, #tpu.memory_space<hbm>>
    %dma_start3A_11 = tpu.memref_squeeze %dma_start3A_10 : memref<1x8x3712xf32, #tpu.memory_space<hbm>> -> memref<8x3712xf32, #tpu.memory_space<hbm>>
    %dma_start3A_12 = arith.constant 0 : i32
    %dma_start3A_13 = tpu.memref_slice %arg2[%dma_start3A, %multiple_of3A, %dma_start3A_12] : memref<3x2000x7300xf32, #tpu.memory_space<hbm>> -> memref<1x8x3712xf32, #tpu.memory_space<hbm>>
    %dma_start3A_14 = tpu.memref_squeeze %dma_start3A_13 : memref<1x8x3712xf32, #tpu.memory_space<hbm>> -> memref<8x3712xf32, #tpu.memory_space<hbm>>
    tpu.enqueue_dma source(%dma_start3A_14 : memref<8x3712xf32, #tpu.memory_space<hbm>>) target(%arg7 : memref<8x3712xf32, #tpu.memory_space<vmem>>) target_semaphore(%arg13 : memref<!tpu.dma_semaphore, #tpu.memory_space<semaphore_mem>>)
    %dma_start3A_15 = arith.constant 0 : i32
    %dma_start3A_16 = arith.constant 0 : i32
    %dma_start3A_17 = tpu.memref_slice %arg3[%dma_start3A_15, %multiple_of3A, %dma_start3A_16] : memref<3x2000x7300xf32, #tpu.memory_space<hbm>> -> memref<1x8x3712xf32, #tpu.memory_space<hbm>>
    %dma_start3A_18 = tpu.memref_squeeze %dma_start3A_17 : memref<1x8x3712xf32, #tpu.memory_space<hbm>> -> memref<8x3712xf32, #tpu.memory_space<hbm>>
    %dma_start3A_19 = arith.constant 0 : i32
    %dma_start3A_20 = tpu.memref_slice %arg3[%dma_start3A_15, %multiple_of3A, %dma_start3A_19] : memref<3x2000x7300xf32, #tpu.memory_space<hbm>> -> memref<1x8x3712xf32, #tpu.memory_space<hbm>>
    %dma_start3A_21 = tpu.memref_squeeze %dma_start3A_20 : memref<1x8x3712xf32, #tpu.memory_space<hbm>> -> memref<8x3712xf32, #tpu.memory_space<hbm>>
    tpu.enqueue_dma source(%dma_start3A_21 : memref<8x3712xf32, #tpu.memory_space<hbm>>) target(%arg8 : memref<8x3712xf32, #tpu.memory_space<vmem>>) target_semaphore(%arg14 : memref<!tpu.dma_semaphore, #tpu.memory_space<semaphore_mem>>)
    %scan3A = arith.constant 0.000000e+00 : f32
    %scan3A_22 = arith.constant 0 : i32
    %scan3A_23 = arith.constant 4 : i32
    %scan3A_24 = arith.addi %scan3A_22, %scan3A_23 : i32
    %scan3A_25 = arith.constant 1 : i32
    %scan3A_26 = scf.for %scan3A_67 = %scan3A_22 to %scan3A_24 step %scan3A_25 iter_args(%scan3A_68 = %scan3A) -> (f32)  : i32 {
      %mul3A_69 = arith.constant 32 : i32
      %mul3A_70 = arith.muli %mul3A_69, %scan3A_67 : i32
      %add3A_71 = arith.addi %add3A, %mul3A_70 : i32
      %lt3A = arith.constant 122 : i32
      %lt3A_72 = arith.cmpi slt, %add3A_71, %lt3A : i32
      %jit3A_73 = arith.constant 1.000000e+00 : f32
      %jit3A_74 = arith.constant 0.000000e+00 : f32
      %select_n3A = arith.select %lt3A_72, %jit3A_73, %jit3A_74 : f32
      %mul3A_75 = arith.constant 32 : i32
      %mul3A_76 = arith.muli %mul3A_75, %scan3A_67 : i32
      %add3A_77 = arith.addi %add3A, %mul3A_76 : i32
      %min3A_78 = arith.constant 121 : i32
      %min3A_79 = arith.minsi %add3A_77, %min3A_78 : i32
      %mul3A_80 = arith.constant 8 : i32
      %mul3A_81 = arith.muli %min3A_79, %mul3A_80 : i32
      %add3A_82 = arith.constant 1024 : i32
      %add3A_83 = arith.addi %mul3A_81, %add3A_82 : i32
      %multiple_of3A_84 = tpu.assume_multiple %add3A_83, 8 : i32
      %dma_wait3A_85 = arith.constant 0 : i32
      %dma_wait3A_86 = arith.constant 0 : i32
      %dma_wait3A_87 = tpu.memref_slice %arg2[%dma_wait3A_85, %multiple_of3A_84, %dma_wait3A_86] : memref<3x2000x7300xf32, #tpu.memory_space<hbm>> -> memref<1x8x3712xf32, #tpu.memory_space<hbm>>
      %dma_wait3A_88 = tpu.memref_squeeze %dma_wait3A_87 : memref<1x8x3712xf32, #tpu.memory_space<hbm>> -> memref<8x3712xf32, #tpu.memory_space<hbm>>
      %dma_wait3A_89 = arith.constant 0 : i32
      %dma_wait3A_90 = tpu.memref_slice %arg2[%dma_wait3A_85, %multiple_of3A_84, %dma_wait3A_89] : memref<3x2000x7300xf32, #tpu.memory_space<hbm>> -> memref<1x8x3712xf32, #tpu.memory_space<hbm>>
      %dma_wait3A_91 = tpu.memref_squeeze %dma_wait3A_90 : memref<1x8x3712xf32, #tpu.memory_space<hbm>> -> memref<8x3712xf32, #tpu.memory_space<hbm>>
      tpu.wait_dma2 semaphore(%arg13 : memref<!tpu.dma_semaphore, #tpu.memory_space<semaphore_mem>>) src(%dma_wait3A_91 : memref<8x3712xf32, #tpu.memory_space<hbm>>) dst(%arg7 : memref<8x3712xf32, #tpu.memory_space<vmem>>)
      %dma_wait3A_92 = arith.constant 0 : i32
      %dma_wait3A_93 = arith.constant 0 : i32
      %dma_wait3A_94 = tpu.memref_slice %arg3[%dma_wait3A_92, %multiple_of3A_84, %dma_wait3A_93] : memref<3x2000x7300xf32, #tpu.memory_space<hbm>> -> memref<1x8x3712xf32, #tpu.memory_space<hbm>>
      %dma_wait3A_95 = tpu.memref_squeeze %dma_wait3A_94 : memref<1x8x3712xf32, #tpu.memory_space<hbm>> -> memref<8x3712xf32, #tpu.memory_space<hbm>>
      %dma_wait3A_96 = arith.constant 0 : i32
      %dma_wait3A_97 = tpu.memref_slice %arg3[%dma_wait3A_92, %multiple_of3A_84, %dma_wait3A_96] : memref<3x2000x7300xf32, #tpu.memory_space<hbm>> -> memref<1x8x3712xf32, #tpu.memory_space<hbm>>
      %dma_wait3A_98 = tpu.memref_squeeze %dma_wait3A_97 : memref<1x8x3712xf32, #tpu.memory_space<hbm>> -> memref<8x3712xf32, #tpu.memory_space<hbm>>
      tpu.wait_dma2 semaphore(%arg14 : memref<!tpu.dma_semaphore, #tpu.memory_space<semaphore_mem>>) src(%dma_wait3A_98 : memref<8x3712xf32, #tpu.memory_space<hbm>>) dst(%arg8 : memref<8x3712xf32, #tpu.memory_space<vmem>>)
      %mul3A_99 = arith.constant 32 : i32
      %mul3A_100 = arith.muli %mul3A_99, %scan3A_67 : i32
      %add3A_101 = arith.addi %add3A, %mul3A_100 : i32
      %min3A_102 = arith.constant 121 : i32
      %min3A_103 = arith.minsi %add3A_101, %min3A_102 : i32
      %mul3A_104 = arith.constant 8 : i32
      %mul3A_105 = arith.muli %min3A_103, %mul3A_104 : i32
      %add3A_106 = arith.constant 1024 : i32
      %add3A_107 = arith.addi %mul3A_105, %add3A_106 : i32
      %multiple_of3A_108 = tpu.assume_multiple %add3A_107, 8 : i32
      %dma_start3A_109 = arith.constant 0 : i32
      %dma_start3A_110 = arith.constant 0 : i32
      %dma_start3A_111 = arith.constant 0 : i32
      %dma_start3A_112 = tpu.memref_slice %arg9[%dma_start3A_110, %dma_start3A_111] : memref<8x3712xf32, #tpu.memory_space<vmem>> -> memref<8x3584xf32, #tpu.memory_space<vmem>>
      %dma_start3A_113 = arith.constant 3712 : i32
      %dma_start3A_114 = tpu.memref_slice %arg2[%dma_start3A_109, %multiple_of3A_108, %dma_start3A_113] : memref<3x2000x7300xf32, #tpu.memory_space<hbm>> -> memref<1x8x3584xf32, #tpu.memory_space<hbm>>
      %dma_start3A_115 = tpu.memref_squeeze %dma_start3A_114 : memref<1x8x3584xf32, #tpu.memory_space<hbm>> -> memref<8x3584xf32, #tpu.memory_space<hbm>>
      %dma_start3A_116 = arith.constant 0 : i32
      %dma_start3A_117 = arith.constant 0 : i32
      %dma_start3A_118 = tpu.memref_slice %arg9[%dma_start3A_116, %dma_start3A_117] : memref<8x3712xf32, #tpu.memory_space<vmem>> -> memref<8x3584xf32, #tpu.memory_space<vmem>>
      %dma_start3A_119 = arith.constant 3712 : i32
      %dma_start3A_120 = tpu.memref_slice %arg2[%dma_start3A_109, %multiple_of3A_108, %dma_start3A_119] : memref<3x2000x7300xf32, #tpu.memory_space<hbm>> -> memref<1x8x3584xf32, #tpu.memory_space<hbm>>
      %dma_start3A_121 = tpu.memref_squeeze %dma_start3A_120 : memref<1x8x3584xf32, #tpu.memory_space<hbm>> -> memref<8x3584xf32, #tpu.memory_space<hbm>>
      tpu.enqueue_dma source(%dma_start3A_121 : memref<8x3584xf32, #tpu.memory_space<hbm>>) target(%dma_start3A_118 : memref<8x3584xf32, #tpu.memory_space<vmem>>) target_semaphore(%arg15 : memref<!tpu.dma_semaphore, #tpu.memory_space<semaphore_mem>>)
      %dma_start3A_122 = arith.constant 0 : i32
      %dma_start3A_123 = arith.constant 0 : i32
      %dma_start3A_124 = arith.constant 0 : i32
      %dma_start3A_125 = tpu.memref_slice %arg10[%dma_start3A_123, %dma_start3A_124] : memref<8x3712xf32, #tpu.memory_space<vmem>> -> memref<8x3584xf32, #tpu.memory_space<vmem>>
      %dma_start3A_126 = arith.constant 3712 : i32
      %dma_start3A_127 = tpu.memref_slice %arg3[%dma_start3A_122, %multiple_of3A_108, %dma_start3A_126] : memref<3x2000x7300xf32, #tpu.memory_space<hbm>> -> memref<1x8x3584xf32, #tpu.memory_space<hbm>>
      %dma_start3A_128 = tpu.memref_squeeze %dma_start3A_127 : memref<1x8x3584xf32, #tpu.memory_space<hbm>> -> memref<8x3584xf32, #tpu.memory_space<hbm>>
      %dma_start3A_129 = arith.constant 0 : i32
      %dma_start3A_130 = arith.constant 0 : i32
      %dma_start3A_131 = tpu.memref_slice %arg10[%dma_start3A_129, %dma_start3A_130] : memref<8x3712xf32, #tpu.memory_space<vmem>> -> memref<8x3584xf32, #tpu.memory_space<vmem>>
      %dma_start3A_132 = arith.constant 3712 : i32
      %dma_start3A_133 = tpu.memref_slice %arg3[%dma_start3A_122, %multiple_of3A_108, %dma_start3A_132] : memref<3x2000x7300xf32, #tpu.memory_space<hbm>> -> memref<1x8x3584xf32, #tpu.memory_space<hbm>>
      %dma_start3A_134 = tpu.memref_squeeze %dma_start3A_133 : memref<1x8x3584xf32, #tpu.memory_space<hbm>> -> memref<8x3584xf32, #tpu.memory_space<hbm>>
      tpu.enqueue_dma source(%dma_start3A_134 : memref<8x3584xf32, #tpu.memory_space<hbm>>) target(%dma_start3A_131 : memref<8x3584xf32, #tpu.memory_space<vmem>>) target_semaphore(%arg16 : memref<!tpu.dma_semaphore, #tpu.memory_space<semaphore_mem>>)
      %dma_start3A_135 = arith.constant 0 : i32
      %dma_start3A_136 = arith.constant 3584 : i32
      %dma_start3A_137 = tpu.memref_slice %arg9[%dma_start3A_135, %dma_start3A_136] : memref<8x3712xf32, #tpu.memory_space<vmem>> -> memref<8x128xf32, #tpu.memory_space<vmem>>
      %dma_start3A_138 = arith.constant 0 : i32
      %dma_start3A_139 = tpu.memref_slice %arg4[%multiple_of3A_108, %dma_start3A_138] : memref<2000x128xf32, #tpu.memory_space<hbm>> -> memref<8x128xf32, #tpu.memory_space<hbm>>
      %dma_start3A_140 = arith.constant 0 : i32
      %dma_start3A_141 = arith.constant 3584 : i32
      %dma_start3A_142 = tpu.memref_slice %arg9[%dma_start3A_140, %dma_start3A_141] : memref<8x3712xf32, #tpu.memory_space<vmem>> -> memref<8x128xf32, #tpu.memory_space<vmem>>
      %dma_start3A_143 = arith.constant 0 : i32
      %dma_start3A_144 = tpu.memref_slice %arg4[%multiple_of3A_108, %dma_start3A_143] : memref<2000x128xf32, #tpu.memory_space<hbm>> -> memref<8x128xf32, #tpu.memory_space<hbm>>
      tpu.enqueue_dma source(%dma_start3A_144 : memref<8x128xf32, #tpu.memory_space<hbm>>) target(%dma_start3A_142 : memref<8x128xf32, #tpu.memory_space<vmem>>) target_semaphore(%arg15 : memref<!tpu.dma_semaphore, #tpu.memory_space<semaphore_mem>>)
      %dma_start3A_145 = arith.constant 0 : i32
      %dma_start3A_146 = arith.constant 3584 : i32
      %dma_start3A_147 = tpu.memref_slice %arg10[%dma_start3A_145, %dma_start3A_146] : memref<8x3712xf32, #tpu.memory_space<vmem>> -> memref<8x128xf32, #tpu.memory_space<vmem>>
      %dma_start3A_148 = arith.constant 0 : i32
      %dma_start3A_149 = tpu.memref_slice %arg5[%multiple_of3A_108, %dma_start3A_148] : memref<2000x128xf32, #tpu.memory_space<hbm>> -> memref<8x128xf32, #tpu.memory_space<hbm>>
      %dma_start3A_150 = arith.constant 0 : i32
      %dma_start3A_151 = arith.constant 3584 : i32
      %dma_start3A_152 = tpu.memref_slice %arg10[%dma_start3A_150, %dma_start3A_151] : memref<8x3712xf32, #tpu.memory_space<vmem>> -> memref<8x128xf32, #tpu.memory_space<vmem>>
      %dma_start3A_153 = arith.constant 0 : i32
      %dma_start3A_154 = tpu.memref_slice %arg5[%multiple_of3A_108, %dma_start3A_153] : memref<2000x128xf32, #tpu.memory_space<hbm>> -> memref<8x128xf32, #tpu.memory_space<hbm>>
      tpu.enqueue_dma source(%dma_start3A_154 : memref<8x128xf32, #tpu.memory_space<hbm>>) target(%dma_start3A_152 : memref<8x128xf32, #tpu.memory_space<vmem>>) target_semaphore(%arg16 : memref<!tpu.dma_semaphore, #tpu.memory_space<semaphore_mem>>)
      %scan3A_155 = arith.constant 0.000000e+00 : f32
      %scan3A_156 = arith.constant 0 : i32
      %scan3A_157 = arith.constant 2 : i32
      %scan3A_158 = arith.addi %scan3A_156, %scan3A_157 : i32
      %scan3A_159 = arith.constant 1 : i32
      %scan3A_160 = scf.for %scan3A_244 = %scan3A_156 to %scan3A_158 step %scan3A_159 iter_args(%scan3A_245 = %scan3A_155) -> (f32)  : i32 {
        %mul3A_246 = arith.constant 4 : i32
        %mul3A_247 = arith.muli %scan3A_244, %mul3A_246 : i32
        %scan3A_248 = arith.constant 0 : i32
        %scan3A_249 = arith.constant 10 : i32
        %scan3A_250 = arith.addi %scan3A_248, %scan3A_249 : i32
        %scan3A_251 = arith.constant 1 : i32
        %scan3A_252 = scf.for %scan3A_305 = %scan3A_248 to %scan3A_250 step %scan3A_251 iter_args(%scan3A_306 = %scan3A_245) -> (f32)  : i32 {
          %mul3A_307 = arith.constant 365 : i32
          %mul3A_308 = arith.muli %scan3A_305, %mul3A_307 : i32
          %jit3A_309 = arith.constant 16 : i32
          %div3A = arith.divsi %mul3A_308, %jit3A_309 : i32
          %sign3A = arith.constant 0 : i32
          %sign3A_310 = arith.cmpi sgt, %mul3A_308, %sign3A : i32
          %sign3A_311 = arith.extui %sign3A_310 : i1 to i32
          %sign3A_312 = arith.constant 0 : i32
          %sign3A_313 = arith.cmpi slt, %mul3A_308, %sign3A_312 : i32
          %sign3A_314 = arith.extui %sign3A_313 : i1 to i32
          %sign3A_315 = arith.subi %sign3A_311, %sign3A_314 : i32
          %sign3A_316 = arith.constant 0 : i32
          %sign3A_317 = arith.cmpi sgt, %jit3A_309, %sign3A_316 : i32
          %sign3A_318 = arith.extui %sign3A_317 : i1 to i32
          %sign3A_319 = arith.constant 0 : i32
          %sign3A_320 = arith.cmpi slt, %jit3A_309, %sign3A_319 : i32
          %sign3A_321 = arith.extui %sign3A_320 : i1 to i32
          %sign3A_322 = arith.subi %sign3A_318, %sign3A_321 : i32
          %ne3A = arith.cmpi ne, %sign3A_315, %sign3A_322 : i32
          %rem3A = arith.remsi %mul3A_308, %jit3A_309 : i32
          %ne3A_323 = arith.constant 0 : i32
          %ne3A_324 = arith.cmpi ne, %rem3A, %ne3A_323 : i32
          %and3A = arith.andi %ne3A, %ne3A_324 : i1
          %sub3A_325 = arith.constant 1 : i32
          %sub3A_326 = arith.subi %div3A, %sub3A_325 : i32
          %select_n3A_327 = arith.select %and3A, %sub3A_326, %div3A : i32
          %mul3A_328 = arith.constant 16 : i32
          %mul3A_329 = arith.muli %select_n3A_327, %mul3A_328 : i32
          %jit3A_330 = arith.constant 0 : i32
          %jit3A_331 = arith.constant 3328 : i32
          %max3A_332 = arith.maxsi %jit3A_330, %mul3A_329 : i32
          %min3A_333 = arith.minsi %jit3A_331, %max3A_332 : i32
          %multiple_of3A_334 = tpu.assume_multiple %min3A_333, 16 : i32
          %add3A_335 = arith.constant 0 : i32
          %add3A_336 = arith.addi %mul3A_247, %add3A_335 : i32
          %add3A_337 = arith.constant 1 : i32
          %add3A_338 = arith.addi %mul3A_247, %add3A_337 : i32
          %add3A_339 = arith.constant 2 : i32
          %add3A_340 = arith.addi %mul3A_247, %add3A_339 : i32
          %add3A_341 = arith.constant 3 : i32
          %add3A_342 = arith.addi %mul3A_247, %add3A_341 : i32
          %sub3A_343 = arith.subi %multiple_of3A_334, %mul3A_308 : i32
          %add3A_344 = arith.constant 1 : i32
          %add3A_345 = arith.addi %sub3A_343, %add3A_344 : i32
          %add3A_346 = vector.broadcast %add3A_345 : i32 to vector<16xi32>
          %add3A_347 = arith.addi %iota3A, %add3A_346 : vector<16xi32>
          %jit3A_348 = arith.constant 0 : i32
          %jit3A_349 = arith.constant 1 : i32
          %max3A_350 = vector.broadcast %jit3A_348 : i32 to vector<16xi32>
          %max3A_351 = arith.maxsi %max3A_350, %add3A_347 : vector<16xi32>
          %min3A_352 = vector.broadcast %jit3A_349 : i32 to vector<16xi32>
          %min3A_353 = arith.minsi %min3A_352, %max3A_351 : vector<16xi32>
          %convert_element_type3A_354 = arith.sitofp %min3A_353 : vector<16xi32> to vector<16xf32>
          %get3A = arith.index_cast %add3A_336 : i32 to index
          %get3A_355 = arith.index_cast %multiple_of3A_334 : i32 to index
          %get3A_356 = tpu.vector_load %arg7[%get3A, %get3A_355] {strides = array<i32>} : memref<8x3712xf32, #tpu.memory_space<vmem>>, vector<16xf32>,
          %get3A_357 = arith.index_cast %add3A_336 : i32 to index
          %get3A_358 = arith.index_cast %multiple_of3A_334 : i32 to index
          %get3A_359 = tpu.vector_load %arg8[%get3A_357, %get3A_358] {strides = array<i32>} : memref<8x3712xf32, #tpu.memory_space<vmem>>, vector<16xf32>,
          %sub3A_360 = arith.subf %get3A_356, %get3A_359 : vector<16xf32>
          %mul3A_361 = arith.mulf %sub3A_360, %convert_element_type3A_354 : vector<16xf32>
          %get3A_362 = arith.index_cast %add3A_338 : i32 to index
          %get3A_363 = arith.index_cast %multiple_of3A_334 : i32 to index
          %get3A_364 = tpu.vector_load %arg7[%get3A_362, %get3A_363] {strides = array<i32>} : memref<8x3712xf32, #tpu.memory_space<vmem>>, vector<16xf32>,
          %get3A_365 = arith.index_cast %add3A_338 : i32 to index
          %get3A_366 = arith.index_cast %multiple_of3A_334 : i32 to index
          %get3A_367 = tpu.vector_load %arg8[%get3A_365, %get3A_366] {strides = array<i32>} : memref<8x3712xf32, #tpu.memory_space<vmem>>, vector<16xf32>,
          %sub3A_368 = arith.subf %get3A_364, %get3A_367 : vector<16xf32>
          %mul3A_369 = arith.mulf %sub3A_368, %convert_element_type3A_354 : vector<16xf32>
          %get3A_370 = arith.index_cast %add3A_340 : i32 to index
          %get3A_371 = arith.index_cast %multiple_of3A_334 : i32 to index
          %get3A_372 = tpu.vector_load %arg7[%get3A_370, %get3A_371] {strides = array<i32>} : memref<8x3712xf32, #tpu.memory_space<vmem>>, vector<16xf32>,
          %get3A_373 = arith.index_cast %add3A_340 : i32 to index
          %get3A_374 = arith.index_cast %multiple_of3A_334 : i32 to index
          %get3A_375 = tpu.vector_load %arg8[%get3A_373, %get3A_374] {strides = array<i32>} : memref<8x3712xf32, #tpu.memory_space<vmem>>, vector<16xf32>,
          %sub3A_376 = arith.subf %get3A_372, %get3A_375 : vector<16xf32>
          %mul3A_377 = arith.mulf %sub3A_376, %convert_element_type3A_354 : vector<16xf32>
          %get3A_378 = arith.index_cast %add3A_342 : i32 to index
          %get3A_379 = arith.index_cast %multiple_of3A_334 : i32 to index
          %get3A_380 = tpu.vector_load %arg7[%get3A_378, %get3A_379] {strides = array<i32>} : memref<8x3712xf32, #tpu.memory_space<vmem>>, vector<16xf32>,
          %get3A_381 = arith.index_cast %add3A_342 : i32 to index
          %get3A_382 = arith.index_cast %multiple_of3A_334 : i32 to index
          %get3A_383 = tpu.vector_load %arg8[%get3A_381, %get3A_382] {strides = array<i32>} : memref<8x3712xf32, #tpu.memory_space<vmem>>, vector<16xf32>,
          %sub3A_384 = arith.subf %get3A_380, %get3A_383 : vector<16xf32>
          %mul3A_385 = arith.mulf %sub3A_384, %convert_element_type3A_354 : vector<16xf32>
          %scan3A_386 = arith.constant 0 : i32
          %scan3A_387 = arith.constant 3 : i32
          %scan3A_388 = arith.addi %scan3A_386, %scan3A_387 : i32
          %scan3A_389 = arith.constant 1 : i32
          %scan3A_390:4 = scf.for %scan3A_522 = %scan3A_386 to %scan3A_388 step %scan3A_389 iter_args(%scan3A_523 = %mul3A_361, %scan3A_524 = %mul3A_369, %scan3A_525 = %mul3A_377, %scan3A_526 = %mul3A_385) -> (vector<16xf32>, vector<16xf32>, vector<16xf32>, vector<16xf32>)  : i32 {
            %add3A_527 = arith.constant 16 : i32
            %add3A_528 = arith.addi %multiple_of3A_334, %add3A_527 : i32
            %mul3A_529 = arith.constant 7 : i32
            %mul3A_530 = arith.muli %scan3A_522, %mul3A_529 : i32
            %add3A_531 = arith.constant 0 : i32
            %add3A_532 = arith.addi %mul3A_530, %add3A_531 : i32
            %mul3A_533 = arith.constant 16 : i32
            %mul3A_534 = arith.muli %add3A_532, %mul3A_533 : i32
            %add3A_535 = arith.addi %add3A_528, %mul3A_534 : i32
            %multiple_of3A_536 = tpu.assume_multiple %add3A_535, 16 : i32
            %get3A_537 = arith.index_cast %add3A_336 : i32 to index
            %get3A_538 = arith.index_cast %multiple_of3A_536 : i32 to index
            %get3A_539 = tpu.vector_load %arg7[%get3A_537, %get3A_538] {strides = array<i32>} : memref<8x3712xf32, #tpu.memory_space<vmem>>, vector<16xf32>,
            %get3A_540 = arith.index_cast %add3A_336 : i32 to index
            %get3A_541 = arith.index_cast %multiple_of3A_536 : i32 to index
            %get3A_542 = tpu.vector_load %arg8[%get3A_540, %get3A_541] {strides = array<i32>} : memref<8x3712xf32, #tpu.memory_space<vmem>>, vector<16xf32>,
            %sub3A_543 = arith.subf %get3A_539, %get3A_542 : vector<16xf32>
            %add3A_544 = arith.addf %scan3A_523, %sub3A_543 : vector<16xf32>
            %get3A_545 = arith.index_cast %add3A_338 : i32 to index
            %get3A_546 = arith.index_cast %multiple_of3A_536 : i32 to index
            %get3A_547 = tpu.vector_load %arg7[%get3A_545, %get3A_546] {strides = array<i32>} : memref<8x3712xf32, #tpu.memory_space<vmem>>, vector<16xf32>,
            %get3A_548 = arith.index_cast %add3A_338 : i32 to index
            %get3A_549 = arith.index_cast %multiple_of3A_536 : i32 to index
            %get3A_550 = tpu.vector_load %arg8[%get3A_548, %get3A_549] {strides = array<i32>} : memref<8x3712xf32, #tpu.memory_space<vmem>>, vector<16xf32>,
            %sub3A_551 = arith.subf %get3A_547, %get3A_550 : vector<16xf32>
            %add3A_552 = arith.addf %scan3A_524, %sub3A_551 : vector<16xf32>
            %get3A_553 = arith.index_cast %add3A_340 : i32 to index
            %get3A_554 = arith.index_cast %multiple_of3A_536 : i32 to index
            %get3A_555 = tpu.vector_load %arg7[%get3A_553, %get3A_554] {strides = array<i32>} : memref<8x3712xf32, #tpu.memory_space<vmem>>, vector<16xf32>,
            %get3A_556 = arith.index_cast %add3A_340 : i32 to index
            %get3A_557 = arith.index_cast %multiple_of3A_536 : i32 to index
            %get3A_558 = tpu.vector_load %arg8[%get3A_556, %get3A_557] {strides = array<i32>} : memref<8x3712xf32, #tpu.memory_space<vmem>>, vector<16xf32>,
            %sub3A_559 = arith.subf %get3A_555, %get3A_558 : vector<16xf32>
            %add3A_560 = arith.addf %scan3A_525, %sub3A_559 : vector<16xf32>
            %get3A_561 = arith.index_cast %add3A_342 : i32 to index
            %get3A_562 = arith.index_cast %multiple_of3A_536 : i32 to index
            %get3A_563 = tpu.vector_load %arg7[%get3A_561, %get3A_562] {strides = array<i32>} : memref<8x3712xf32, #tpu.memory_space<vmem>>, vector<16xf32>,
            %get3A_564 = arith.index_cast %add3A_342 : i32 to index
            %get3A_565 = arith.index_cast %multiple_of3A_536 : i32 to index
            %get3A_566 = tpu.vector_load %arg8[%get3A_564, %get3A_565] {strides = array<i32>} : memref<8x3712xf32, #tpu.memory_space<vmem>>, vector<16xf32>,
            %sub3A_567 = arith.subf %get3A_563, %get3A_566 : vector<16xf32>
            %add3A_568 = arith.addf %scan3A_526, %sub3A_567 : vector<16xf32>
            %add3A_569 = arith.constant 16 : i32
            %add3A_570 = arith.addi %multiple_of3A_334, %add3A_569 : i32
            %mul3A_571 = arith.constant 7 : i32
            %mul3A_572 = arith.muli %scan3A_522, %mul3A_571 : i32
            %add3A_573 = arith.constant 1 : i32
            %add3A_574 = arith.addi %mul3A_572, %add3A_573 : i32
            %mul3A_575 = arith.constant 16 : i32
            %mul3A_576 = arith.muli %add3A_574, %mul3A_575 : i32
            %add3A_577 = arith.addi %add3A_570, %mul3A_576 : i32
            %multiple_of3A_578 = tpu.assume_multiple %add3A_577, 16 : i32
            %get3A_579 = arith.index_cast %add3A_336 : i32 to index
            %get3A_580 = arith.index_cast %multiple_of3A_578 : i32 to index
            %get3A_581 = tpu.vector_load %arg7[%get3A_579, %get3A_580] {strides = array<i32>} : memref<8x3712xf32, #tpu.memory_space<vmem>>, vector<16xf32>,
            %get3A_582 = arith.index_cast %add3A_336 : i32 to index
            %get3A_583 = arith.index_cast %multiple_of3A_578 : i32 to index
            %get3A_584 = tpu.vector_load %arg8[%get3A_582, %get3A_583] {strides = array<i32>} : memref<8x3712xf32, #tpu.memory_space<vmem>>, vector<16xf32>,
            %sub3A_585 = arith.subf %get3A_581, %get3A_584 : vector<16xf32>
            %add3A_586 = arith.addf %add3A_544, %sub3A_585 : vector<16xf32>
            %get3A_587 = arith.index_cast %add3A_338 : i32 to index
            %get3A_588 = arith.index_cast %multiple_of3A_578 : i32 to index
            %get3A_589 = tpu.vector_load %arg7[%get3A_587, %get3A_588] {strides = array<i32>} : memref<8x3712xf32, #tpu.memory_space<vmem>>, vector<16xf32>,
            %get3A_590 = arith.index_cast %add3A_338 : i32 to index
            %get3A_591 = arith.index_cast %multiple_of3A_578 : i32 to index
            %get3A_592 = tpu.vector_load %arg8[%get3A_590, %get3A_591] {strides = array<i32>} : memref<8x3712xf32, #tpu.memory_space<vmem>>, vector<16xf32>,
            %sub3A_593 = arith.subf %get3A_589, %get3A_592 : vector<16xf32>
            %add3A_594 = arith.addf %add3A_552, %sub3A_593 : vector<16xf32>
            %get3A_595 = arith.index_cast %add3A_340 : i32 to index
            %get3A_596 = arith.index_cast %multiple_of3A_578 : i32 to index
            %get3A_597 = tpu.vector_load %arg7[%get3A_595, %get3A_596] {strides = array<i32>} : memref<8x3712xf32, #tpu.memory_space<vmem>>, vector<16xf32>,
            %get3A_598 = arith.index_cast %add3A_340 : i32 to index
            %get3A_599 = arith.index_cast %multiple_of3A_578 : i32 to index
            %get3A_600 = tpu.vector_load %arg8[%get3A_598, %get3A_599] {strides = array<i32>} : memref<8x3712xf32, #tpu.memory_space<vmem>>, vector<16xf32>,
            %sub3A_601 = arith.subf %get3A_597, %get3A_600 : vector<16xf32>
            %add3A_602 = arith.addf %add3A_560, %sub3A_601 : vector<16xf32>
            %get3A_603 = arith.index_cast %add3A_342 : i32 to index
            %get3A_604 = arith.index_cast %multiple_of3A_578 : i32 to index
            %get3A_605 = tpu.vector_load %arg7[%get3A_603, %get3A_604] {strides = array<i32>} : memref<8x3712xf32, #tpu.memory_space<vmem>>, vector<16xf32>,
            %get3A_606 = arith.index_cast %add3A_342 : i32 to index
            %get3A_607 = arith.index_cast %multiple_of3A_578 : i32 to index
            %get3A_608 = tpu.vector_load %arg8[%get3A_606, %get3A_607] {strides = array<i32>} : memref<8x3712xf32, #tpu.memory_space<vmem>>, vector<16xf32>,
            %sub3A_609 = arith.subf %get3A_605, %get3A_608 : vector<16xf32>
            %add3A_610 = arith.addf %add3A_568, %sub3A_609 : vector<16xf32>
            %add3A_611 = arith.constant 16 : i32
            %add3A_612 = arith.addi %multiple_of3A_334, %add3A_611 : i32
            %mul3A_613 = arith.constant 7 : i32
            %mul3A_614 = arith.muli %scan3A_522, %mul3A_613 : i32
            %add3A_615 = arith.constant 2 : i32
            %add3A_616 = arith.addi %mul3A_614, %add3A_615 : i32
            %mul3A_617 = arith.constant 16 : i32
            %mul3A_618 = arith.muli %add3A_616, %mul3A_617 : i32
            %add3A_619 = arith.addi %add3A_612, %mul3A_618 : i32
            %multiple_of3A_620 = tpu.assume_multiple %add3A_619, 16 : i32
            %get3A_621 = arith.index_cast %add3A_336 : i32 to index
            %get3A_622 = arith.index_cast %multiple_of3A_620 : i32 to index
            %get3A_623 = tpu.vector_load %arg7[%get3A_621, %get3A_622] {strides = array<i32>} : memref<8x3712xf32, #tpu.memory_space<vmem>>, vector<16xf32>,
            %get3A_624 = arith.index_cast %add3A_336 : i32 to index
            %get3A_625 = arith.index_cast %multiple_of3A_620 : i32 to index
            %get3A_626 = tpu.vector_load %arg8[%get3A_624, %get3A_625] {strides = array<i32>} : memref<8x3712xf32, #tpu.memory_space<vmem>>, vector<16xf32>,
            %sub3A_627 = arith.subf %get3A_623, %get3A_626 : vector<16xf32>
            %add3A_628 = arith.addf %add3A_586, %sub3A_627 : vector<16xf32>
            %get3A_629 = arith.index_cast %add3A_338 : i32 to index
            %get3A_630 = arith.index_cast %multiple_of3A_620 : i32 to index
            %get3A_631 = tpu.vector_load %arg7[%get3A_629, %get3A_630] {strides = array<i32>} : memref<8x3712xf32, #tpu.memory_space<vmem>>, vector<16xf32>,
            %get3A_632 = arith.index_cast %add3A_338 : i32 to index
            %get3A_633 = arith.index_cast %multiple_of3A_620 : i32 to index
            %get3A_634 = tpu.vector_load %arg8[%get3A_632, %get3A_633] {strides = array<i32>} : memref<8x3712xf32, #tpu.memory_space<vmem>>, vector<16xf32>,
            %sub3A_635 = arith.subf %get3A_631, %get3A_634 : vector<16xf32>
            %add3A_636 = arith.addf %add3A_594, %sub3A_635 : vector<16xf32>
            %get3A_637 = arith.index_cast %add3A_340 : i32 to index
            %get3A_638 = arith.index_cast %multiple_of3A_620 : i32 to index
            %get3A_639 = tpu.vector_load %arg7[%get3A_637, %get3A_638] {strides = array<i32>} : memref<8x3712xf32, #tpu.memory_space<vmem>>, vector<16xf32>,
            %get3A_640 = arith.index_cast %add3A_340 : i32 to index
            %get3A_641 = arith.index_cast %multiple_of3A_620 : i32 to index
            %get3A_642 = tpu.vector_load %arg8[%get3A_640, %get3A_641] {strides = array<i32>} : memref<8x3712xf32, #tpu.memory_space<vmem>>, vector<16xf32>,
            %sub3A_643 = arith.subf %get3A_639, %get3A_642 : vector<16xf32>
            %add3A_644 = arith.addf %add3A_602, %sub3A_643 : vector<16xf32>
            %get3A_645 = arith.index_cast %add3A_342 : i32 to index
            %get3A_646 = arith.index_cast %multiple_of3A_620 : i32 to index
            %get3A_647 = tpu.vector_load %arg7[%get3A_645, %get3A_646] {strides = array<i32>} : memref<8x3712xf32, #tpu.memory_space<vmem>>, vector<16xf32>,
            %get3A_648 = arith.index_cast %add3A_342 : i32 to index
            %get3A_649 = arith.index_cast %multiple_of3A_620 : i32 to index
            %get3A_650 = tpu.vector_load %arg8[%get3A_648, %get3A_649] {strides = array<i32>} : memref<8x3712xf32, #tpu.memory_space<vmem>>, vector<16xf32>,
            %sub3A_651 = arith.subf %get3A_647, %get3A_650 : vector<16xf32>
            %add3A_652 = arith.addf %add3A_610, %sub3A_651 : vector<16xf32>
            %add3A_653 = arith.constant 16 : i32
            %add3A_654 = arith.addi %multiple_of3A_334, %add3A_653 : i32
            %mul3A_655 = arith.constant 7 : i32
            %mul3A_656 = arith.muli %scan3A_522, %mul3A_655 : i32
            %add3A_657 = arith.constant 3 : i32
            %add3A_658 = arith.addi %mul3A_656, %add3A_657 : i32
            %mul3A_659 = arith.constant 16 : i32
            %mul3A_660 = arith.muli %add3A_658, %mul3A_659 : i32
            %add3A_661 = arith.addi %add3A_654, %mul3A_660 : i32
            %multiple_of3A_662 = tpu.assume_multiple %add3A_661, 16 : i32
            %get3A_663 = arith.index_cast %add3A_336 : i32 to index
            %get3A_664 = arith.index_cast %multiple_of3A_662 : i32 to index
            %get3A_665 = tpu.vector_load %arg7[%get3A_663, %get3A_664] {strides = array<i32>} : memref<8x3712xf32, #tpu.memory_space<vmem>>, vector<16xf32>,
            %get3A_666 = arith.index_cast %add3A_336 : i32 to index
            %get3A_667 = arith.index_cast %multiple_of3A_662 : i32 to index
            %get3A_668 = tpu.vector_load %arg8[%get3A_666, %get3A_667] {strides = array<i32>} : memref<8x3712xf32, #tpu.memory_space<vmem>>, vector<16xf32>,
            %sub3A_669 = arith.subf %get3A_665, %get3A_668 : vector<16xf32>
            %add3A_670 = arith.addf %add3A_628, %sub3A_669 : vector<16xf32>
            %get3A_671 = arith.index_cast %add3A_338 : i32 to index
            %get3A_672 = arith.index_cast %multiple_of3A_662 : i32 to index
            %get3A_673 = tpu.vector_load %arg7[%get3A_671, %get3A_672] {strides = array<i32>} : memref<8x3712xf32, #tpu.memory_space<vmem>>, vector<16xf32>,
            %get3A_674 = arith.index_cast %add3A_338 : i32 to index
            %get3A_675 = arith.index_cast %multiple_of3A_662 : i32 to index
            %get3A_676 = tpu.vector_load %arg8[%get3A_674, %get3A_675] {strides = array<i32>} : memref<8x3712xf32, #tpu.memory_space<vmem>>, vector<16xf32>,
            %sub3A_677 = arith.subf %get3A_673, %get3A_676 : vector<16xf32>
            %add3A_678 = arith.addf %add3A_636, %sub3A_677 : vector<16xf32>
            %get3A_679 = arith.index_cast %add3A_340 : i32 to index
            %get3A_680 = arith.index_cast %multiple_of3A_662 : i32 to index
            %get3A_681 = tpu.vector_load %arg7[%get3A_679, %get3A_680] {strides = array<i32>} : memref<8x3712xf32, #tpu.memory_space<vmem>>, vector<16xf32>,
            %get3A_682 = arith.index_cast %add3A_340 : i32 to index
            %get3A_683 = arith.index_cast %multiple_of3A_662 : i32 to index
            %get3A_684 = tpu.vector_load %arg8[%get3A_682, %get3A_683] {strides = array<i32>} : memref<8x3712xf32, #tpu.memory_space<vmem>>, vector<16xf32>,
            %sub3A_685 = arith.subf %get3A_681, %get3A_684 : vector<16xf32>
            %add3A_686 = arith.addf %add3A_644, %sub3A_685 : vector<16xf32>
            %get3A_687 = arith.index_cast %add3A_342 : i32 to index
            %get3A_688 = arith.index_cast %multiple_of3A_662 : i32 to index
            %get3A_689 = tpu.vector_load %arg7[%get3A_687, %get3A_688] {strides = array<i32>} : memref<8x3712xf32, #tpu.memory_space<vmem>>, vector<16xf32>,
            %get3A_690 = arith.index_cast %add3A_342 : i32 to index
            %get3A_691 = arith.index_cast %multiple_of3A_662 : i32 to index
            %get3A_692 = tpu.vector_load %arg8[%get3A_690, %get3A_691] {strides = array<i32>} : memref<8x3712xf32, #tpu.memory_space<vmem>>, vector<16xf32>,
            %sub3A_693 = arith.subf %get3A_689, %get3A_692 : vector<16xf32>
            %add3A_694 = arith.addf %add3A_652, %sub3A_693 : vector<16xf32>
            %add3A_695 = arith.constant 16 : i32
            %add3A_696 = arith.addi %multiple_of3A_334, %add3A_695 : i32
            %mul3A_697 = arith.constant 7 : i32
            %mul3A_698 = arith.muli %scan3A_522, %mul3A_697 : i32
            %add3A_699 = arith.constant 4 : i32
            %add3A_700 = arith.addi %mul3A_698, %add3A_699 : i32
            %mul3A_701 = arith.constant 16 : i32
            %mul3A_702 = arith.muli %add3A_700, %mul3A_701 : i32
            %add3A_703 = arith.addi %add3A_696, %mul3A_702 : i32
            %multiple_of3A_704 = tpu.assume_multiple %add3A_703, 16 : i32
            %get3A_705 = arith.index_cast %add3A_336 : i32 to index
            %get3A_706 = arith.index_cast %multiple_of3A_704 : i32 to index
            %get3A_707 = tpu.vector_load %arg7[%get3A_705, %get3A_706] {strides = array<i32>} : memref<8x3712xf32, #tpu.memory_space<vmem>>, vector<16xf32>,
            %get3A_708 = arith.index_cast %add3A_336 : i32 to index
            %get3A_709 = arith.index_cast %multiple_of3A_704 : i32 to index
            %get3A_710 = tpu.vector_load %arg8[%get3A_708, %get3A_709] {strides = array<i32>} : memref<8x3712xf32, #tpu.memory_space<vmem>>, vector<16xf32>,
            %sub3A_711 = arith.subf %get3A_707, %get3A_710 : vector<16xf32>
            %add3A_712 = arith.addf %add3A_670, %sub3A_711 : vector<16xf32>
            %get3A_713 = arith.index_cast %add3A_338 : i32 to index
            %get3A_714 = arith.index_cast %multiple_of3A_704 : i32 to index
            %get3A_715 = tpu.vector_load %arg7[%get3A_713, %get3A_714] {strides = array<i32>} : memref<8x3712xf32, #tpu.memory_space<vmem>>, vector<16xf32>,
            %get3A_716 = arith.index_cast %add3A_338 : i32 to index
            %get3A_717 = arith.index_cast %multiple_of3A_704 : i32 to index
            %get3A_718 = tpu.vector_load %arg8[%get3A_716, %get3A_717] {strides = array<i32>} : memref<8x3712xf32, #tpu.memory_space<vmem>>, vector<16xf32>,
            %sub3A_719 = arith.subf %get3A_715, %get3A_718 : vector<16xf32>
            %add3A_720 = arith.addf %add3A_678, %sub3A_719 : vector<16xf32>
            %get3A_721 = arith.index_cast %add3A_340 : i32 to index
            %get3A_722 = arith.index_cast %multiple_of3A_704 : i32 to index
            %get3A_723 = tpu.vector_load %arg7[%get3A_721, %get3A_722] {strides = array<i32>} : memref<8x3712xf32, #tpu.memory_space<vmem>>, vector<16xf32>,
            %get3A_724 = arith.index_cast %add3A_340 : i32 to index
            %get3A_725 = arith.index_cast %multiple_of3A_704 : i32 to index
            %get3A_726 = tpu.vector_load %arg8[%get3A_724, %get3A_725] {strides = array<i32>} : memref<8x3712xf32, #tpu.memory_space<vmem>>, vector<16xf32>,
            %sub3A_727 = arith.subf %get3A_723, %get3A_726 : vector<16xf32>
            %add3A_728 = arith.addf %add3A_686, %sub3A_727 : vector<16xf32>
            %get3A_729 = arith.index_cast %add3A_342 : i32 to index
            %get3A_730 = arith.index_cast %multiple_of3A_704 : i32 to index
            %get3A_731 = tpu.vector_load %arg7[%get3A_729, %get3A_730] {strides = array<i32>} : memref<8x3712xf32, #tpu.memory_space<vmem>>, vector<16xf32>,
            %get3A_732 = arith.index_cast %add3A_342 : i32 to index
            %get3A_733 = arith.index_cast %multiple_of3A_704 : i32 to index
            %get3A_734 = tpu.vector_load %arg8[%get3A_732, %get3A_733] {strides = array<i32>} : memref<8x3712xf32, #tpu.memory_space<vmem>>, vector<16xf32>,
            %sub3A_735 = arith.subf %get3A_731, %get3A_734 : vector<16xf32>
            %add3A_736 = arith.addf %add3A_694, %sub3A_735 : vector<16xf32>
            %add3A_737 = arith.constant 16 : i32
            %add3A_738 = arith.addi %multiple_of3A_334, %add3A_737 : i32
            %mul3A_739 = arith.constant 7 : i32
            %mul3A_740 = arith.muli %scan3A_522, %mul3A_739 : i32
            %add3A_741 = arith.constant 5 : i32
            %add3A_742 = arith.addi %mul3A_740, %add3A_741 : i32
            %mul3A_743 = arith.constant 16 : i32
            %mul3A_744 = arith.muli %add3A_742, %mul3A_743 : i32
            %add3A_745 = arith.addi %add3A_738, %mul3A_744 : i32
            %multiple_of3A_746 = tpu.assume_multiple %add3A_745, 16 : i32
            %get3A_747 = arith.index_cast %add3A_336 : i32 to index
            %get3A_748 = arith.index_cast %multiple_of3A_746 : i32 to index
            %get3A_749 = tpu.vector_load %arg7[%get3A_747, %get3A_748] {strides = array<i32>} : memref<8x3712xf32, #tpu.memory_space<vmem>>, vector<16xf32>,
            %get3A_750 = arith.index_cast %add3A_336 : i32 to index
            %get3A_751 = arith.index_cast %multiple_of3A_746 : i32 to index
            %get3A_752 = tpu.vector_load %arg8[%get3A_750, %get3A_751] {strides = array<i32>} : memref<8x3712xf32, #tpu.memory_space<vmem>>, vector<16xf32>,
            %sub3A_753 = arith.subf %get3A_749, %get3A_752 : vector<16xf32>
            %add3A_754 = arith.addf %add3A_712, %sub3A_753 : vector<16xf32>
            %get3A_755 = arith.index_cast %add3A_338 : i32 to index
            %get3A_756 = arith.index_cast %multiple_of3A_746 : i32 to index
            %get3A_757 = tpu.vector_load %arg7[%get3A_755, %get3A_756] {strides = array<i32>} : memref<8x3712xf32, #tpu.memory_space<vmem>>, vector<16xf32>,
            %get3A_758 = arith.index_cast %add3A_338 : i32 to index
            %get3A_759 = arith.index_cast %multiple_of3A_746 : i32 to index
            %get3A_760 = tpu.vector_load %arg8[%get3A_758, %get3A_759] {strides = array<i32>} : memref<8x3712xf32, #tpu.memory_space<vmem>>, vector<16xf32>,
            %sub3A_761 = arith.subf %get3A_757, %get3A_760 : vector<16xf32>
            %add3A_762 = arith.addf %add3A_720, %sub3A_761 : vector<16xf32>
            %get3A_763 = arith.index_cast %add3A_340 : i32 to index
            %get3A_764 = arith.index_cast %multiple_of3A_746 : i32 to index
            %get3A_765 = tpu.vector_load %arg7[%get3A_763, %get3A_764] {strides = array<i32>} : memref<8x3712xf32, #tpu.memory_space<vmem>>, vector<16xf32>,
            %get3A_766 = arith.index_cast %add3A_340 : i32 to index
            %get3A_767 = arith.index_cast %multiple_of3A_746 : i32 to index
            %get3A_768 = tpu.vector_load %arg8[%get3A_766, %get3A_767] {strides = array<i32>} : memref<8x3712xf32, #tpu.memory_space<vmem>>, vector<16xf32>,
            %sub3A_769 = arith.subf %get3A_765, %get3A_768 : vector<16xf32>
            %add3A_770 = arith.addf %add3A_728, %sub3A_769 : vector<16xf32>
            %get3A_771 = arith.index_cast %add3A_342 : i32 to index
            %get3A_772 = arith.index_cast %multiple_of3A_746 : i32 to index
            %get3A_773 = tpu.vector_load %arg7[%get3A_771, %get3A_772] {strides = array<i32>} : memref<8x3712xf32, #tpu.memory_space<vmem>>, vector<16xf32>,
            %get3A_774 = arith.index_cast %add3A_342 : i32 to index
            %get3A_775 = arith.index_cast %multiple_of3A_746 : i32 to index
            %get3A_776 = tpu.vector_load %arg8[%get3A_774, %get3A_775] {strides = array<i32>} : memref<8x3712xf32, #tpu.memory_space<vmem>>, vector<16xf32>,
            %sub3A_777 = arith.subf %get3A_773, %get3A_776 : vector<16xf32>
            %add3A_778 = arith.addf %add3A_736, %sub3A_777 : vector<16xf32>
            %add3A_779 = arith.constant 16 : i32
            %add3A_780 = arith.addi %multiple_of3A_334, %add3A_779 : i32
            %mul3A_781 = arith.constant 7 : i32
            %mul3A_782 = arith.muli %scan3A_522, %mul3A_781 : i32
            %add3A_783 = arith.constant 6 : i32
            %add3A_784 = arith.addi %mul3A_782, %add3A_783 : i32
            %mul3A_785 = arith.constant 16 : i32
            %mul3A_786 = arith.muli %add3A_784, %mul3A_785 : i32
            %add3A_787 = arith.addi %add3A_780, %mul3A_786 : i32
            %multiple_of3A_788 = tpu.assume_multiple %add3A_787, 16 : i32
            %get3A_789 = arith.index_cast %add3A_336 : i32 to index
            %get3A_790 = arith.index_cast %multiple_of3A_788 : i32 to index
            %get3A_791 = tpu.vector_load %arg7[%get3A_789, %get3A_790] {strides = array<i32>} : memref<8x3712xf32, #tpu.memory_space<vmem>>, vector<16xf32>,
            %get3A_792 = arith.index_cast %add3A_336 : i32 to index
            %get3A_793 = arith.index_cast %multiple_of3A_788 : i32 to index
            %get3A_794 = tpu.vector_load %arg8[%get3A_792, %get3A_793] {strides = array<i32>} : memref<8x3712xf32, #tpu.memory_space<vmem>>, vector<16xf32>,
            %sub3A_795 = arith.subf %get3A_791, %get3A_794 : vector<16xf32>
            %add3A_796 = arith.addf %add3A_754, %sub3A_795 : vector<16xf32>
            %get3A_797 = arith.index_cast %add3A_338 : i32 to index
            %get3A_798 = arith.index_cast %multiple_of3A_788 : i32 to index
            %get3A_799 = tpu.vector_load %arg7[%get3A_797, %get3A_798] {strides = array<i32>} : memref<8x3712xf32, #tpu.memory_space<vmem>>, vector<16xf32>,
            %get3A_800 = arith.index_cast %add3A_338 : i32 to index
            %get3A_801 = arith.index_cast %multiple_of3A_788 : i32 to index
            %get3A_802 = tpu.vector_load %arg8[%get3A_800, %get3A_801] {strides = array<i32>} : memref<8x3712xf32, #tpu.memory_space<vmem>>, vector<16xf32>,
            %sub3A_803 = arith.subf %get3A_799, %get3A_802 : vector<16xf32>
            %add3A_804 = arith.addf %add3A_762, %sub3A_803 : vector<16xf32>
            %get3A_805 = arith.index_cast %add3A_340 : i32 to index
            %get3A_806 = arith.index_cast %multiple_of3A_788 : i32 to index
            %get3A_807 = tpu.vector_load %arg7[%get3A_805, %get3A_806] {strides = array<i32>} : memref<8x3712xf32, #tpu.memory_space<vmem>>, vector<16xf32>,
            %get3A_808 = arith.index_cast %add3A_340 : i32 to index
            %get3A_809 = arith.index_cast %multiple_of3A_788 : i32 to index
            %get3A_810 = tpu.vector_load %arg8[%get3A_808, %get3A_809] {strides = array<i32>} : memref<8x3712xf32, #tpu.memory_space<vmem>>, vector<16xf32>,
            %sub3A_811 = arith.subf %get3A_807, %get3A_810 : vector<16xf32>
            %add3A_812 = arith.addf %add3A_770, %sub3A_811 : vector<16xf32>
            %get3A_813 = arith.index_cast %add3A_342 : i32 to index
            %get3A_814 = arith.index_cast %multiple_of3A_788 : i32 to index
            %get3A_815 = tpu.vector_load %arg7[%get3A_813, %get3A_814] {strides = array<i32>} : memref<8x3712xf32, #tpu.memory_space<vmem>>, vector<16xf32>,
            %get3A_816 = arith.index_cast %add3A_342 : i32 to index
            %get3A_817 = arith.index_cast %multiple_of3A_788 : i32 to index
            %get3A_818 = tpu.vector_load %arg8[%get3A_816, %get3A_817] {strides = array<i32>} : memref<8x3712xf32, #tpu.memory_space<vmem>>, vector<16xf32>,
            %sub3A_819 = arith.subf %get3A_815, %get3A_818 : vector<16xf32>
            %add3A_820 = arith.addf %add3A_778, %sub3A_819 : vector<16xf32>
            scf.yield %add3A_796, %add3A_804, %add3A_812, %add3A_820 : vector<16xf32>, vector<16xf32>, vector<16xf32>, vector<16xf32>
          }
          %scan3A_391 = arith.constant 3 : i32
          %add3A_392 = arith.constant 365 : i32
          %add3A_393 = arith.addi %mul3A_308, %add3A_392 : i32
          %sub3A_394 = arith.subi %add3A_393, %multiple_of3A_334 : i32
          %sub3A_395 = arith.constant 352 : i32
          %sub3A_396 = arith.subi %sub3A_394, %sub3A_395 : i32
          %sub3A_397 = vector.broadcast %sub3A_396 : i32 to vector<16xi32>
          %sub3A_398 = arith.subi %sub3A_397, %iota3A : vector<16xi32>
          %jit3A_399 = arith.constant 0 : i32
          %jit3A_400 = arith.constant 1 : i32
          %max3A_401 = vector.broadcast %jit3A_399 : i32 to vector<16xi32>
          %max3A_402 = arith.maxsi %max3A_401, %sub3A_398 : vector<16xi32>
          %min3A_403 = vector.broadcast %jit3A_400 : i32 to vector<16xi32>
          %min3A_404 = arith.minsi %min3A_403, %max3A_402 : vector<16xi32>
          %convert_element_type3A_405 = arith.sitofp %min3A_404 : vector<16xi32> to vector<16xf32>
          %add3A_406 = arith.constant 352 : i32
          %add3A_407 = arith.addi %multiple_of3A_334, %add3A_406 : i32
          %multiple_of3A_408 = tpu.assume_multiple %add3A_407, 16 : i32
          %get3A_409 = arith.index_cast %add3A_336 : i32 to index
          %get3A_410 = arith.index_cast %multiple_of3A_408 : i32 to index
          %get3A_411 = tpu.vector_load %arg7[%get3A_409, %get3A_410] {strides = array<i32>} : memref<8x3712xf32, #tpu.memory_space<vmem>>, vector<16xf32>,
          %get3A_412 = arith.index_cast %add3A_336 : i32 to index
          %get3A_413 = arith.index_cast %multiple_of3A_408 : i32 to index
          %get3A_414 = tpu.vector_load %arg8[%get3A_412, %get3A_413] {strides = array<i32>} : memref<8x3712xf32, #tpu.memory_space<vmem>>, vector<16xf32>,
          %sub3A_415 = arith.subf %get3A_411, %get3A_414 : vector<16xf32>
          %mul3A_416 = arith.mulf %sub3A_415, %convert_element_type3A_405 : vector<16xf32>
          %add3A_417 = arith.addf %scan3A_390#0, %mul3A_416 : vector<16xf32>
          %get3A_418 = arith.index_cast %add3A_338 : i32 to index
          %get3A_419 = arith.index_cast %multiple_of3A_408 : i32 to index
          %get3A_420 = tpu.vector_load %arg7[%get3A_418, %get3A_419] {strides = array<i32>} : memref<8x3712xf32, #tpu.memory_space<vmem>>, vector<16xf32>,
          %get3A_421 = arith.index_cast %add3A_338 : i32 to index
          %get3A_422 = arith.index_cast %multiple_of3A_408 : i32 to index
          %get3A_423 = tpu.vector_load %arg8[%get3A_421, %get3A_422] {strides = array<i32>} : memref<8x3712xf32, #tpu.memory_space<vmem>>, vector<16xf32>,
          %sub3A_424 = arith.subf %get3A_420, %get3A_423 : vector<16xf32>
          %mul3A_425 = arith.mulf %sub3A_424, %convert_element_type3A_405 : vector<16xf32>
          %add3A_426 = arith.addf %scan3A_390#1, %mul3A_425 : vector<16xf32>
          %get3A_427 = arith.index_cast %add3A_340 : i32 to index
          %get3A_428 = arith.index_cast %multiple_of3A_408 : i32 to index
          %get3A_429 = tpu.vector_load %arg7[%get3A_427, %get3A_428] {strides = array<i32>} : memref<8x3712xf32, #tpu.memory_space<vmem>>, vector<16xf32>,
          %get3A_430 = arith.index_cast %add3A_340 : i32 to index
          %get3A_431 = arith.index_cast %multiple_of3A_408 : i32 to index
          %get3A_432 = tpu.vector_load %arg8[%get3A_430, %get3A_431] {strides = array<i32>} : memref<8x3712xf32, #tpu.memory_space<vmem>>, vector<16xf32>,
          %sub3A_433 = arith.subf %get3A_429, %get3A_432 : vector<16xf32>
          %mul3A_434 = arith.mulf %sub3A_433, %convert_element_type3A_405 : vector<16xf32>
          %add3A_435 = arith.addf %scan3A_390#2, %mul3A_434 : vector<16xf32>
          %get3A_436 = arith.index_cast %add3A_342 : i32 to index
          %get3A_437 = arith.index_cast %multiple_of3A_408 : i32 to index
          %get3A_438 = tpu.vector_load %arg7[%get3A_436, %get3A_437] {strides = array<i32>} : memref<8x3712xf32, #tpu.memory_space<vmem>>, vector<16xf32>,
          %get3A_439 = arith.index_cast %add3A_342 : i32 to index
          %get3A_440 = arith.index_cast %multiple_of3A_408 : i32 to index
          %get3A_441 = tpu.vector_load %arg8[%get3A_439, %get3A_440] {strides = array<i32>} : memref<8x3712xf32, #tpu.memory_space<vmem>>, vector<16xf32>,
          %sub3A_442 = arith.subf %get3A_438, %get3A_441 : vector<16xf32>
          %mul3A_443 = arith.mulf %sub3A_442, %convert_element_type3A_405 : vector<16xf32>
          %add3A_444 = arith.addf %scan3A_390#3, %mul3A_443 : vector<16xf32>
          %add3A_445 = arith.constant 365 : i32
          %add3A_446 = arith.addi %mul3A_308, %add3A_445 : i32
          %sub3A_447 = arith.subi %add3A_446, %multiple_of3A_334 : i32
          %sub3A_448 = arith.constant 368 : i32
          %sub3A_449 = arith.subi %sub3A_447, %sub3A_448 : i32
          %sub3A_450 = vector.broadcast %sub3A_449 : i32 to vector<16xi32>
          %sub3A_451 = arith.subi %sub3A_450, %iota3A : vector<16xi32>
          %jit3A_452 = arith.constant 0 : i32
          %jit3A_453 = arith.constant 1 : i32
          %max3A_454 = vector.broadcast %jit3A_452 : i32 to vector<16xi32>
          %max3A_455 = arith.maxsi %max3A_454, %sub3A_451 : vector<16xi32>
          %min3A_456 = vector.broadcast %jit3A_453 : i32 to vector<16xi32>
          %min3A_457 = arith.minsi %min3A_456, %max3A_455 : vector<16xi32>
          %convert_element_type3A_458 = arith.sitofp %min3A_457 : vector<16xi32> to vector<16xf32>
          %add3A_459 = arith.constant 368 : i32
          %add3A_460 = arith.addi %multiple_of3A_334, %add3A_459 : i32
          %multiple_of3A_461 = tpu.assume_multiple %add3A_460, 16 : i32
          %get3A_462 = arith.index_cast %add3A_336 : i32 to index
          %get3A_463 = arith.index_cast %multiple_of3A_461 : i32 to index
          %get3A_464 = tpu.vector_load %arg7[%get3A_462, %get3A_463] {strides = array<i32>} : memref<8x3712xf32, #tpu.memory_space<vmem>>, vector<16xf32>,
          %get3A_465 = arith.index_cast %add3A_336 : i32 to index
          %get3A_466 = arith.index_cast %multiple_of3A_461 : i32 to index
          %get3A_467 = tpu.vector_load %arg8[%get3A_465, %get3A_466] {strides = array<i32>} : memref<8x3712xf32, #tpu.memory_space<vmem>>, vector<16xf32>,
          %sub3A_468 = arith.subf %get3A_464, %get3A_467 : vector<16xf32>
          %mul3A_469 = arith.mulf %sub3A_468, %convert_element_type3A_458 : vector<16xf32>
          %add3A_470 = arith.addf %add3A_417, %mul3A_469 : vector<16xf32>
          %get3A_471 = arith.index_cast %add3A_338 : i32 to index
          %get3A_472 = arith.index_cast %multiple_of3A_461 : i32 to index
          %get3A_473 = tpu.vector_load %arg7[%get3A_471, %get3A_472] {strides = array<i32>} : memref<8x3712xf32, #tpu.memory_space<vmem>>, vector<16xf32>,
          %get3A_474 = arith.index_cast %add3A_338 : i32 to index
          %get3A_475 = arith.index_cast %multiple_of3A_461 : i32 to index
          %get3A_476 = tpu.vector_load %arg8[%get3A_474, %get3A_475] {strides = array<i32>} : memref<8x3712xf32, #tpu.memory_space<vmem>>, vector<16xf32>,
          %sub3A_477 = arith.subf %get3A_473, %get3A_476 : vector<16xf32>
          %mul3A_478 = arith.mulf %sub3A_477, %convert_element_type3A_458 : vector<16xf32>
          %add3A_479 = arith.addf %add3A_426, %mul3A_478 : vector<16xf32>
          %get3A_480 = arith.index_cast %add3A_340 : i32 to index
          %get3A_481 = arith.index_cast %multiple_of3A_461 : i32 to index
          %get3A_482 = tpu.vector_load %arg7[%get3A_480, %get3A_481] {strides = array<i32>} : memref<8x3712xf32, #tpu.memory_space<vmem>>, vector<16xf32>,
          %get3A_483 = arith.index_cast %add3A_340 : i32 to index
          %get3A_484 = arith.index_cast %multiple_of3A_461 : i32 to index
          %get3A_485 = tpu.vector_load %arg8[%get3A_483, %get3A_484] {strides = array<i32>} : memref<8x3712xf32, #tpu.memory_space<vmem>>, vector<16xf32>,
          %sub3A_486 = arith.subf %get3A_482, %get3A_485 : vector<16xf32>
          %mul3A_487 = arith.mulf %sub3A_486, %convert_element_type3A_458 : vector<16xf32>
          %add3A_488 = arith.addf %add3A_435, %mul3A_487 : vector<16xf32>
          %get3A_489 = arith.index_cast %add3A_342 : i32 to index
          %get3A_490 = arith.index_cast %multiple_of3A_461 : i32 to index
          %get3A_491 = tpu.vector_load %arg7[%get3A_489, %get3A_490] {strides = array<i32>} : memref<8x3712xf32, #tpu.memory_space<vmem>>, vector<16xf32>,
          %get3A_492 = arith.index_cast %add3A_342 : i32 to index
          %get3A_493 = arith.index_cast %multiple_of3A_461 : i32 to index
          %get3A_494 = tpu.vector_load %arg8[%get3A_492, %get3A_493] {strides = array<i32>} : memref<8x3712xf32, #tpu.memory_space<vmem>>, vector<16xf32>,
          %sub3A_495 = arith.subf %get3A_491, %get3A_494 : vector<16xf32>
          %mul3A_496 = arith.mulf %sub3A_495, %convert_element_type3A_458 : vector<16xf32>
          %add3A_497 = arith.addf %add3A_444, %mul3A_496 : vector<16xf32>
          %reduce_sum3A_498 = arith.constant true
          %reduce_sum3A_499 = vector.broadcast %reduce_sum3A_498 : i1 to vector<16xi1>
          %reduce_sum3A_500 = tpu.scan <sum>, %add3A_470 masked %reduce_sum3A_499 : vector<16xf32>, vector<16xi1> -> vector<16xf32>
          %reduce_sum3A_501 = vector.extract %reduce_sum3A_500[15] : f32 from vector<16xf32>
          %mul3A_502 = arith.mulf %reduce_sum3A_501, %reduce_sum3A_501 : f32
          %add3A_503 = arith.addf %scan3A_306, %mul3A_502 : f32
          %reduce_sum3A_504 = arith.constant true
          %reduce_sum3A_505 = vector.broadcast %reduce_sum3A_504 : i1 to vector<16xi1>
          %reduce_sum3A_506 = tpu.scan <sum>, %add3A_479 masked %reduce_sum3A_505 : vector<16xf32>, vector<16xi1> -> vector<16xf32>
          %reduce_sum3A_507 = vector.extract %reduce_sum3A_506[15] : f32 from vector<16xf32>
          %mul3A_508 = arith.mulf %reduce_sum3A_507, %reduce_sum3A_507 : f32
          %add3A_509 = arith.addf %add3A_503, %mul3A_508 : f32
          %reduce_sum3A_510 = arith.constant true
          %reduce_sum3A_511 = vector.broadcast %reduce_sum3A_510 : i1 to vector<16xi1>
          %reduce_sum3A_512 = tpu.scan <sum>, %add3A_488 masked %reduce_sum3A_511 : vector<16xf32>, vector<16xi1> -> vector<16xf32>
          %reduce_sum3A_513 = vector.extract %reduce_sum3A_512[15] : f32 from vector<16xf32>
          %mul3A_514 = arith.mulf %reduce_sum3A_513, %reduce_sum3A_513 : f32
          %add3A_515 = arith.addf %add3A_509, %mul3A_514 : f32
          %reduce_sum3A_516 = arith.constant true
          %reduce_sum3A_517 = vector.broadcast %reduce_sum3A_516 : i1 to vector<16xi1>
          %reduce_sum3A_518 = tpu.scan <sum>, %add3A_497 masked %reduce_sum3A_517 : vector<16xf32>, vector<16xi1> -> vector<16xf32>
          %reduce_sum3A_519 = vector.extract %reduce_sum3A_518[15] : f32 from vector<16xf32>
          %mul3A_520 = arith.mulf %reduce_sum3A_519, %reduce_sum3A_519 : f32
          %add3A_521 = arith.addf %add3A_515, %mul3A_520 : f32
          scf.yield %add3A_521 : f32
        }
        %scan3A_253 = arith.constant 10 : i32
        %jit3A_254 = arith.constant 3648 : i32
        %jit3A_255 = arith.constant 0 : i32
        %jit3A_256 = arith.constant 3632 : i32
        %max3A_257 = arith.maxsi %jit3A_255, %jit3A_254 : i32
        %min3A_258 = arith.minsi %jit3A_256, %max3A_257 : i32
        %multiple_of3A_259 = tpu.assume_multiple %min3A_258, 16 : i32
        %add3A_260 = arith.constant 0 : i32
        %add3A_261 = arith.addi %mul3A_247, %add3A_260 : i32
        %add3A_262 = arith.constant 1 : i32
        %add3A_263 = arith.addi %mul3A_247, %add3A_262 : i32
        %add3A_264 = arith.constant 2 : i32
        %add3A_265 = arith.addi %mul3A_247, %add3A_264 : i32
        %add3A_266 = arith.constant 3 : i32
        %add3A_267 = arith.addi %mul3A_247, %add3A_266 : i32
        %scan3A_268 = arith.constant 0 : i32
        %scan3A_269 = arith.constant 5 : i32
        %scan3A_270 = arith.addi %scan3A_268, %scan3A_269 : i32
        %scan3A_271 = arith.constant 1 : i32
        %scan3A_272:4 = scf.for %scan3A_305 = %scan3A_268 to %scan3A_270 step %scan3A_271 iter_args(%scan3A_306 = %broadcast_in_dim3A_1, %scan3A_307 = %broadcast_in_dim3A_1, %scan3A_308 = %broadcast_in_dim3A_1, %scan3A_309 = %broadcast_in_dim3A_1) -> (vector<16xf32>, vector<16xf32>, vector<16xf32>, vector<16xf32>)  : i32 {
          %mul3A_310 = arith.constant 16 : i32
          %mul3A_311 = arith.muli %scan3A_305, %mul3A_310 : i32
          %add3A_312 = arith.addi %multiple_of3A_259, %mul3A_311 : i32
          %multiple_of3A_313 = tpu.assume_multiple %add3A_312, 16 : i32
          %mul3A_314 = arith.constant 16 : i32
          %mul3A_315 = arith.muli %mul3A_314, %scan3A_305 : i32
          %add3A_316 = arith.addi %multiple_of3A_259, %mul3A_315 : i32
          %sub3A_317 = arith.constant 3650 : i32
          %sub3A_318 = arith.subi %add3A_316, %sub3A_317 : i32
          %add3A_319 = arith.constant 1 : i32
          %add3A_320 = arith.addi %sub3A_318, %add3A_319 : i32
          %add3A_321 = vector.broadcast %add3A_320 : i32 to vector<16xi32>
          %add3A_322 = arith.addi %iota3A, %add3A_321 : vector<16xi32>
          %sub3A_323 = arith.constant 3712 : i32
          %sub3A_324 = arith.subi %sub3A_323, %multiple_of3A_259 : i32
          %mul3A_325 = arith.constant 16 : i32
          %mul3A_326 = arith.muli %mul3A_325, %scan3A_305 : i32
          %sub3A_327 = arith.subi %sub3A_324, %mul3A_326 : i32
          %sub3A_328 = vector.broadcast %sub3A_327 : i32 to vector<16xi32>
          %sub3A_329 = arith.subi %sub3A_328, %iota3A : vector<16xi32>
          %min3A_330 = arith.minsi %add3A_322, %sub3A_329 : vector<16xi32>
          %jit3A_331 = arith.constant 0 : i32
          %jit3A_332 = arith.constant 1 : i32
          %max3A_333 = vector.broadcast %jit3A_331 : i32 to vector<16xi32>
          %max3A_334 = arith.maxsi %max3A_333, %min3A_330 : vector<16xi32>
          %min3A_335 = vector.broadcast %jit3A_332 : i32 to vector<16xi32>
          %min3A_336 = arith.minsi %min3A_335, %max3A_334 : vector<16xi32>
          %convert_element_type3A_337 = arith.sitofp %min3A_336 : vector<16xi32> to vector<16xf32>
          %get3A = arith.index_cast %add3A_261 : i32 to index
          %get3A_338 = arith.index_cast %multiple_of3A_313 : i32 to index
          %get3A_339 = tpu.vector_load %arg7[%get3A, %get3A_338] {strides = array<i32>} : memref<8x3712xf32, #tpu.memory_space<vmem>>, vector<16xf32>,
          %get3A_340 = arith.index_cast %add3A_261 : i32 to index
          %get3A_341 = arith.index_cast %multiple_of3A_313 : i32 to index
          %get3A_342 = tpu.vector_load %arg8[%get3A_340, %get3A_341] {strides = array<i32>} : memref<8x3712xf32, #tpu.memory_space<vmem>>, vector<16xf32>,
          %sub3A_343 = arith.subf %get3A_339, %get3A_342 : vector<16xf32>
          %mul3A_344 = arith.mulf %sub3A_343, %convert_element_type3A_337 : vector<16xf32>
          %add3A_345 = arith.addf %scan3A_306, %mul3A_344 : vector<16xf32>
          %get3A_346 = arith.index_cast %add3A_263 : i32 to index
          %get3A_347 = arith.index_cast %multiple_of3A_313 : i32 to index
          %get3A_348 = tpu.vector_load %arg7[%get3A_346, %get3A_347] {strides = array<i32>} : memref<8x3712xf32, #tpu.memory_space<vmem>>, vector<16xf32>,
          %get3A_349 = arith.index_cast %add3A_263 : i32 to index
          %get3A_350 = arith.index_cast %multiple_of3A_313 : i32 to index
          %get3A_351 = tpu.vector_load %arg8[%get3A_349, %get3A_350] {strides = array<i32>} : memref<8x3712xf32, #tpu.memory_space<vmem>>, vector<16xf32>,
          %sub3A_352 = arith.subf %get3A_348, %get3A_351 : vector<16xf32>
          %mul3A_353 = arith.mulf %sub3A_352, %convert_element_type3A_337 : vector<16xf32>
          %add3A_354 = arith.addf %scan3A_307, %mul3A_353 : vector<16xf32>
          %get3A_355 = arith.index_cast %add3A_265 : i32 to index
          %get3A_356 = arith.index_cast %multiple_of3A_313 : i32 to index
          %get3A_357 = tpu.vector_load %arg7[%get3A_355, %get3A_356] {strides = array<i32>} : memref<8x3712xf32, #tpu.memory_space<vmem>>, vector<16xf32>,
          %get3A_358 = arith.index_cast %add3A_265 : i32 to index
          %get3A_359 = arith.index_cast %multiple_of3A_313 : i32 to index
          %get3A_360 = tpu.vector_load %arg8[%get3A_358, %get3A_359] {strides = array<i32>} : memref<8x3712xf32, #tpu.memory_space<vmem>>, vector<16xf32>,
          %sub3A_361 = arith.subf %get3A_357, %get3A_360 : vector<16xf32>
          %mul3A_362 = arith.mulf %sub3A_361, %convert_element_type3A_337 : vector<16xf32>
          %add3A_363 = arith.addf %scan3A_308, %mul3A_362 : vector<16xf32>
          %get3A_364 = arith.index_cast %add3A_267 : i32 to index
          %get3A_365 = arith.index_cast %multiple_of3A_313 : i32 to index
          %get3A_366 = tpu.vector_load %arg7[%get3A_364, %get3A_365] {strides = array<i32>} : memref<8x3712xf32, #tpu.memory_space<vmem>>, vector<16xf32>,
          %get3A_367 = arith.index_cast %add3A_267 : i32 to index
          %get3A_368 = arith.index_cast %multiple_of3A_313 : i32 to index
          %get3A_369 = tpu.vector_load %arg8[%get3A_367, %get3A_368] {strides = array<i32>} : memref<8x3712xf32, #tpu.memory_space<vmem>>, vector<16xf32>,
          %sub3A_370 = arith.subf %get3A_366, %get3A_369 : vector<16xf32>
          %mul3A_371 = arith.mulf %sub3A_370, %convert_element_type3A_337 : vector<16xf32>
          %add3A_372 = arith.addf %scan3A_309, %mul3A_371 : vector<16xf32>
          scf.yield %add3A_345, %add3A_354, %add3A_363, %add3A_372 : vector<16xf32>, vector<16xf32>, vector<16xf32>, vector<16xf32>
        }
        %scan3A_273 = arith.constant 5 : i32
        %reduce_sum3A = arith.constant true
        %reduce_sum3A_274 = vector.broadcast %reduce_sum3A : i1 to vector<16xi1>
        %reduce_sum3A_275 = tpu.scan <sum>, %scan3A_272#0 masked %reduce_sum3A_274 : vector<16xf32>, vector<16xi1> -> vector<16xf32>
        %reduce_sum3A_276 = vector.extract %reduce_sum3A_275[15] : f32 from vector<16xf32>
        %add3A_277 = arith.constant 0 : i32
        %add3A_278 = arith.addi %mul3A_247, %add3A_277 : i32
        %swap3A_279 = arith.index_cast %add3A_278 : i32 to index
        %swap3A_280 = memref.load %arg12[%swap3A_279] : memref<8xf32, #tpu.memory_space<smem>>
        memref.store %reduce_sum3A_276, %arg12[%swap3A_279] : memref<8xf32, #tpu.memory_space<smem>>
        %reduce_sum3A_281 = arith.constant true
        %reduce_sum3A_282 = vector.broadcast %reduce_sum3A_281 : i1 to vector<16xi1>
        %reduce_sum3A_283 = tpu.scan <sum>, %scan3A_272#1 masked %reduce_sum3A_282 : vector<16xf32>, vector<16xi1> -> vector<16xf32>
        %reduce_sum3A_284 = vector.extract %reduce_sum3A_283[15] : f32 from vector<16xf32>
        %add3A_285 = arith.constant 1 : i32
        %add3A_286 = arith.addi %mul3A_247, %add3A_285 : i32
        %swap3A_287 = arith.index_cast %add3A_286 : i32 to index
        %swap3A_288 = memref.load %arg12[%swap3A_287] : memref<8xf32, #tpu.memory_space<smem>>
        memref.store %reduce_sum3A_284, %arg12[%swap3A_287] : memref<8xf32, #tpu.memory_space<smem>>
        %reduce_sum3A_289 = arith.constant true
        %reduce_sum3A_290 = vector.broadcast %reduce_sum3A_289 : i1 to vector<16xi1>
        %reduce_sum3A_291 = tpu.scan <sum>, %scan3A_272#2 masked %reduce_sum3A_290 : vector<16xf32>, vector<16xi1> -> vector<16xf32>
        %reduce_sum3A_292 = vector.extract %reduce_sum3A_291[15] : f32 from vector<16xf32>
        %add3A_293 = arith.constant 2 : i32
        %add3A_294 = arith.addi %mul3A_247, %add3A_293 : i32
        %swap3A_295 = arith.index_cast %add3A_294 : i32 to index
        %swap3A_296 = memref.load %arg12[%swap3A_295] : memref<8xf32, #tpu.memory_space<smem>>
        memref.store %reduce_sum3A_292, %arg12[%swap3A_295] : memref<8xf32, #tpu.memory_space<smem>>
        %reduce_sum3A_297 = arith.constant true
        %reduce_sum3A_298 = vector.broadcast %reduce_sum3A_297 : i1 to vector<16xi1>
        %reduce_sum3A_299 = tpu.scan <sum>, %scan3A_272#3 masked %reduce_sum3A_298 : vector<16xf32>, vector<16xi1> -> vector<16xf32>
        %reduce_sum3A_300 = vector.extract %reduce_sum3A_299[15] : f32 from vector<16xf32>
        %add3A_301 = arith.constant 3 : i32
        %add3A_302 = arith.addi %mul3A_247, %add3A_301 : i32
        %swap3A_303 = arith.index_cast %add3A_302 : i32 to index
        %swap3A_304 = memref.load %arg12[%swap3A_303] : memref<8xf32, #tpu.memory_space<smem>>
        memref.store %reduce_sum3A_300, %arg12[%swap3A_303] : memref<8xf32, #tpu.memory_space<smem>>
        scf.yield %scan3A_252 : f32
      }
      %scan3A_161 = arith.constant 2 : i32
      %dma_wait3A_162 = arith.constant 0 : i32
      %dma_wait3A_163 = arith.constant 0 : i32
      %dma_wait3A_164 = arith.constant 0 : i32
      %dma_wait3A_165 = tpu.memref_slice %arg9[%dma_wait3A_163, %dma_wait3A_164] : memref<8x3712xf32, #tpu.memory_space<vmem>> -> memref<8x3584xf32, #tpu.memory_space<vmem>>
      %dma_wait3A_166 = arith.constant 3712 : i32
      %dma_wait3A_167 = tpu.memref_slice %arg2[%dma_wait3A_162, %multiple_of3A_108, %dma_wait3A_166] : memref<3x2000x7300xf32, #tpu.memory_space<hbm>> -> memref<1x8x3584xf32, #tpu.memory_space<hbm>>
      %dma_wait3A_168 = tpu.memref_squeeze %dma_wait3A_167 : memref<1x8x3584xf32, #tpu.memory_space<hbm>> -> memref<8x3584xf32, #tpu.memory_space<hbm>>
      %dma_wait3A_169 = arith.constant 0 : i32
      %dma_wait3A_170 = arith.constant 0 : i32
      %dma_wait3A_171 = tpu.memref_slice %arg9[%dma_wait3A_169, %dma_wait3A_170] : memref<8x3712xf32, #tpu.memory_space<vmem>> -> memref<8x3584xf32, #tpu.memory_space<vmem>>
      %dma_wait3A_172 = arith.constant 3712 : i32
      %dma_wait3A_173 = tpu.memref_slice %arg2[%dma_wait3A_162, %multiple_of3A_108, %dma_wait3A_172] : memref<3x2000x7300xf32, #tpu.memory_space<hbm>> -> memref<1x8x3584xf32, #tpu.memory_space<hbm>>
      %dma_wait3A_174 = tpu.memref_squeeze %dma_wait3A_173 : memref<1x8x3584xf32, #tpu.memory_space<hbm>> -> memref<8x3584xf32, #tpu.memory_space<hbm>>
      tpu.wait_dma2 semaphore(%arg15 : memref<!tpu.dma_semaphore, #tpu.memory_space<semaphore_mem>>) src(%dma_wait3A_174 : memref<8x3584xf32, #tpu.memory_space<hbm>>) dst(%dma_wait3A_171 : memref<8x3584xf32, #tpu.memory_space<vmem>>)
      %dma_wait3A_175 = arith.constant 0 : i32
      %dma_wait3A_176 = arith.constant 0 : i32
      %dma_wait3A_177 = arith.constant 0 : i32
      %dma_wait3A_178 = tpu.memref_slice %arg10[%dma_wait3A_176, %dma_wait3A_177] : memref<8x3712xf32, #tpu.memory_space<vmem>> -> memref<8x3584xf32, #tpu.memory_space<vmem>>
      %dma_wait3A_179 = arith.constant 3712 : i32
      %dma_wait3A_180 = tpu.memref_slice %arg3[%dma_wait3A_175, %multiple_of3A_108, %dma_wait3A_179] : memref<3x2000x7300xf32, #tpu.memory_space<hbm>> -> memref<1x8x3584xf32, #tpu.memory_space<hbm>>
      %dma_wait3A_181 = tpu.memref_squeeze %dma_wait3A_180 : memref<1x8x3584xf32, #tpu.memory_space<hbm>> -> memref<8x3584xf32, #tpu.memory_space<hbm>>
      %dma_wait3A_182 = arith.constant 0 : i32
      %dma_wait3A_183 = arith.constant 0 : i32
      %dma_wait3A_184 = tpu.memref_slice %arg10[%dma_wait3A_182, %dma_wait3A_183] : memref<8x3712xf32, #tpu.memory_space<vmem>> -> memref<8x3584xf32, #tpu.memory_space<vmem>>
      %dma_wait3A_185 = arith.constant 3712 : i32
      %dma_wait3A_186 = tpu.memref_slice %arg3[%dma_wait3A_175, %multiple_of3A_108, %dma_wait3A_185] : memref<3x2000x7300xf32, #tpu.memory_space<hbm>> -> memref<1x8x3584xf32, #tpu.memory_space<hbm>>
      %dma_wait3A_187 = tpu.memref_squeeze %dma_wait3A_186 : memref<1x8x3584xf32, #tpu.memory_space<hbm>> -> memref<8x3584xf32, #tpu.memory_space<hbm>>
      tpu.wait_dma2 semaphore(%arg16 : memref<!tpu.dma_semaphore, #tpu.memory_space<semaphore_mem>>) src(%dma_wait3A_187 : memref<8x3584xf32, #tpu.memory_space<hbm>>) dst(%dma_wait3A_184 : memref<8x3584xf32, #tpu.memory_space<vmem>>)
      %dma_wait3A_188 = arith.constant 0 : i32
      %dma_wait3A_189 = arith.constant 3584 : i32
      %dma_wait3A_190 = tpu.memref_slice %arg9[%dma_wait3A_188, %dma_wait3A_189] : memref<8x3712xf32, #tpu.memory_space<vmem>> -> memref<8x128xf32, #tpu.memory_space<vmem>>
      %dma_wait3A_191 = arith.constant 0 : i32
      %dma_wait3A_192 = tpu.memref_slice %arg4[%multiple_of3A_108, %dma_wait3A_191] : memref<2000x128xf32, #tpu.memory_space<hbm>> -> memref<8x128xf32, #tpu.memory_space<hbm>>
      %dma_wait3A_193 = arith.constant 0 : i32
      %dma_wait3A_194 = arith.constant 3584 : i32
      %dma_wait3A_195 = tpu.memref_slice %arg9[%dma_wait3A_193, %dma_wait3A_194] : memref<8x3712xf32, #tpu.memory_space<vmem>> -> memref<8x128xf32, #tpu.memory_space<vmem>>
      %dma_wait3A_196 = arith.constant 0 : i32
      %dma_wait3A_197 = tpu.memref_slice %arg4[%multiple_of3A_108, %dma_wait3A_196] : memref<2000x128xf32, #tpu.memory_space<hbm>> -> memref<8x128xf32, #tpu.memory_space<hbm>>
      tpu.wait_dma2 semaphore(%arg15 : memref<!tpu.dma_semaphore, #tpu.memory_space<semaphore_mem>>) src(%dma_wait3A_197 : memref<8x128xf32, #tpu.memory_space<hbm>>) dst(%dma_wait3A_195 : memref<8x128xf32, #tpu.memory_space<vmem>>)
      %dma_wait3A_198 = arith.constant 0 : i32
      %dma_wait3A_199 = arith.constant 3584 : i32
      %dma_wait3A_200 = tpu.memref_slice %arg10[%dma_wait3A_198, %dma_wait3A_199] : memref<8x3712xf32, #tpu.memory_space<vmem>> -> memref<8x128xf32, #tpu.memory_space<vmem>>
      %dma_wait3A_201 = arith.constant 0 : i32
      %dma_wait3A_202 = tpu.memref_slice %arg5[%multiple_of3A_108, %dma_wait3A_201] : memref<2000x128xf32, #tpu.memory_space<hbm>> -> memref<8x128xf32, #tpu.memory_space<hbm>>
      %dma_wait3A_203 = arith.constant 0 : i32
      %dma_wait3A_204 = arith.constant 3584 : i32
      %dma_wait3A_205 = tpu.memref_slice %arg10[%dma_wait3A_203, %dma_wait3A_204] : memref<8x3712xf32, #tpu.memory_space<vmem>> -> memref<8x128xf32, #tpu.memory_space<vmem>>
      %dma_wait3A_206 = arith.constant 0 : i32
      %dma_wait3A_207 = tpu.memref_slice %arg5[%multiple_of3A_108, %dma_wait3A_206] : memref<2000x128xf32, #tpu.memory_space<hbm>> -> memref<8x128xf32, #tpu.memory_space<hbm>>
      tpu.wait_dma2 semaphore(%arg16 : memref<!tpu.dma_semaphore, #tpu.memory_space<semaphore_mem>>) src(%dma_wait3A_207 : memref<8x128xf32, #tpu.memory_space<hbm>>) dst(%dma_wait3A_205 : memref<8x128xf32, #tpu.memory_space<vmem>>)
      %add3A_208 = arith.constant 1 : i32
      %add3A_209 = arith.addi %scan3A_67, %add3A_208 : i32
      %mul3A_210 = arith.constant 32 : i32
      %mul3A_211 = arith.muli %mul3A_210, %add3A_209 : i32
      %add3A_212 = arith.addi %add3A, %mul3A_211 : i32
      %min3A_213 = arith.constant 121 : i32
      %min3A_214 = arith.minsi %add3A_212, %min3A_213 : i32
      %mul3A_215 = arith.constant 8 : i32
      %mul3A_216 = arith.muli %min3A_214, %mul3A_215 : i32
      %add3A_217 = arith.constant 1024 : i32
      %add3A_218 = arith.addi %mul3A_216, %add3A_217 : i32
      %multiple_of3A_219 = tpu.assume_multiple %add3A_218, 8 : i32
      %dma_start3A_220 = arith.constant 0 : i32
      %dma_start3A_221 = arith.constant 0 : i32
      %dma_start3A_222 = tpu.memref_slice %arg2[%dma_start3A_220, %multiple_of3A_219, %dma_start3A_221] : memref<3x2000x7300xf32, #tpu.memory_space<hbm>> -> memref<1x8x3712xf32, #tpu.memory_space<hbm>>
      %dma_start3A_223 = tpu.memref_squeeze %dma_start3A_222 : memref<1x8x3712xf32, #tpu.memory_space<hbm>> -> memref<8x3712xf32, #tpu.memory_space<hbm>>
      %dma_start3A_224 = arith.constant 0 : i32
      %dma_start3A_225 = tpu.memref_slice %arg2[%dma_start3A_220, %multiple_of3A_219, %dma_start3A_224] : memref<3x2000x7300xf32, #tpu.memory_space<hbm>> -> memref<1x8x3712xf32, #tpu.memory_space<hbm>>
      %dma_start3A_226 = tpu.memref_squeeze %dma_start3A_225 : memref<1x8x3712xf32, #tpu.memory_space<hbm>> -> memref<8x3712xf32, #tpu.memory_space<hbm>>
      tpu.enqueue_dma source(%dma_start3A_226 : memref<8x3712xf32, #tpu.memory_space<hbm>>) target(%arg7 : memref<8x3712xf32, #tpu.memory_space<vmem>>) target_semaphore(%arg13 : memref<!tpu.dma_semaphore, #tpu.memory_space<semaphore_mem>>)
      %dma_start3A_227 = arith.constant 0 : i32
      %dma_start3A_228 = arith.constant 0 : i32
      %dma_start3A_229 = tpu.memref_slice %arg3[%dma_start3A_227, %multiple_of3A_219, %dma_start3A_228] : memref<3x2000x7300xf32, #tpu.memory_space<hbm>> -> memref<1x8x3712xf32, #tpu.memory_space<hbm>>
      %dma_start3A_230 = tpu.memref_squeeze %dma_start3A_229 : memref<1x8x3712xf32, #tpu.memory_space<hbm>> -> memref<8x3712xf32, #tpu.memory_space<hbm>>
      %dma_start3A_231 = arith.constant 0 : i32
      %dma_start3A_232 = tpu.memref_slice %arg3[%dma_start3A_227, %multiple_of3A_219, %dma_start3A_231] : memref<3x2000x7300xf32, #tpu.memory_space<hbm>> -> memref<1x8x3712xf32, #tpu.memory_space<hbm>>
      %dma_start3A_233 = tpu.memref_squeeze %dma_start3A_232 : memref<1x8x3712xf32, #tpu.memory_space<hbm>> -> memref<8x3712xf32, #tpu.memory_space<hbm>>
      tpu.enqueue_dma source(%dma_start3A_233 : memref<8x3712xf32, #tpu.memory_space<hbm>>) target(%arg8 : memref<8x3712xf32, #tpu.memory_space<vmem>>) target_semaphore(%arg14 : memref<!tpu.dma_semaphore, #tpu.memory_space<semaphore_mem>>)
      %scan3A_234 = arith.constant 0.000000e+00 : f32
      %scan3A_235 = arith.constant 0 : i32
      %scan3A_236 = arith.constant 2 : i32
      %scan3A_237 = arith.addi %scan3A_235, %scan3A_236 : i32
      %scan3A_238 = arith.constant 1 : i32
      %scan3A_239 = scf.for %scan3A_244 = %scan3A_235 to %scan3A_237 step %scan3A_238 iter_args(%scan3A_245 = %scan3A_234) -> (f32)  : i32 {
        %mul3A_246 = arith.constant 4 : i32
        %mul3A_247 = arith.muli %scan3A_244, %mul3A_246 : i32
        %jit3A_248 = arith.constant 0 : i32
        %jit3A_249 = arith.constant 0 : i32
        %jit3A_250 = arith.constant 3392 : i32
        %max3A_251 = arith.maxsi %jit3A_249, %jit3A_248 : i32
        %min3A_252 = arith.minsi %jit3A_250, %max3A_251 : i32
        %multiple_of3A_253 = tpu.assume_multiple %min3A_252, 16 : i32
        %add3A_254 = arith.constant 0 : i32
        %add3A_255 = arith.addi %mul3A_247, %add3A_254 : i32
        %add3A_256 = arith.constant 1 : i32
        %add3A_257 = arith.addi %mul3A_247, %add3A_256 : i32
        %add3A_258 = arith.constant 2 : i32
        %add3A_259 = arith.addi %mul3A_247, %add3A_258 : i32
        %add3A_260 = arith.constant 3 : i32
        %add3A_261 = arith.addi %mul3A_247, %add3A_260 : i32
        %scan3A_262 = arith.constant 0 : i32
        %scan3A_263 = arith.constant 20 : i32
        %scan3A_264 = arith.addi %scan3A_262, %scan3A_263 : i32
        %scan3A_265 = arith.constant 1 : i32
        %scan3A_266:4 = scf.for %scan3A_316 = %scan3A_262 to %scan3A_264 step %scan3A_265 iter_args(%scan3A_317 = %broadcast_in_dim3A_1, %scan3A_318 = %broadcast_in_dim3A_1, %scan3A_319 = %broadcast_in_dim3A_1, %scan3A_320 = %broadcast_in_dim3A_1) -> (vector<16xf32>, vector<16xf32>, vector<16xf32>, vector<16xf32>)  : i32 {
          %mul3A_321 = arith.constant 16 : i32
          %mul3A_322 = arith.muli %scan3A_316, %mul3A_321 : i32
          %add3A_323 = arith.addi %multiple_of3A_253, %mul3A_322 : i32
          %multiple_of3A_324 = tpu.assume_multiple %add3A_323, 16 : i32
          %mul3A_325 = arith.constant 16 : i32
          %mul3A_326 = arith.muli %mul3A_325, %scan3A_316 : i32
          %add3A_327 = arith.addi %multiple_of3A_253, %mul3A_326 : i32
          %sub3A_328 = arith.constant 0 : i32
          %sub3A_329 = arith.subi %add3A_327, %sub3A_328 : i32
          %add3A_330 = arith.constant 1 : i32
          %add3A_331 = arith.addi %sub3A_329, %add3A_330 : i32
          %add3A_332 = vector.broadcast %add3A_331 : i32 to vector<16xi32>
          %add3A_333 = arith.addi %iota3A, %add3A_332 : vector<16xi32>
          %sub3A_334 = arith.constant 303 : i32
          %sub3A_335 = arith.subi %sub3A_334, %multiple_of3A_253 : i32
          %mul3A_336 = arith.constant 16 : i32
          %mul3A_337 = arith.muli %mul3A_336, %scan3A_316 : i32
          %sub3A_338 = arith.subi %sub3A_335, %mul3A_337 : i32
          %sub3A_339 = vector.broadcast %sub3A_338 : i32 to vector<16xi32>
          %sub3A_340 = arith.subi %sub3A_339, %iota3A : vector<16xi32>
          %min3A_341 = arith.minsi %add3A_333, %sub3A_340 : vector<16xi32>
          %jit3A_342 = arith.constant 0 : i32
          %jit3A_343 = arith.constant 1 : i32
          %max3A_344 = vector.broadcast %jit3A_342 : i32 to vector<16xi32>
          %max3A_345 = arith.maxsi %max3A_344, %min3A_341 : vector<16xi32>
          %min3A_346 = vector.broadcast %jit3A_343 : i32 to vector<16xi32>
          %min3A_347 = arith.minsi %min3A_346, %max3A_345 : vector<16xi32>
          %convert_element_type3A_348 = arith.sitofp %min3A_347 : vector<16xi32> to vector<16xf32>
          %get3A_349 = arith.index_cast %add3A_255 : i32 to index
          %get3A_350 = arith.index_cast %multiple_of3A_324 : i32 to index
          %get3A_351 = tpu.vector_load %arg9[%get3A_349, %get3A_350] {strides = array<i32>} : memref<8x3712xf32, #tpu.memory_space<vmem>>, vector<16xf32>,
          %get3A_352 = arith.index_cast %add3A_255 : i32 to index
          %get3A_353 = arith.index_cast %multiple_of3A_324 : i32 to index
          %get3A_354 = tpu.vector_load %arg10[%get3A_352, %get3A_353] {strides = array<i32>} : memref<8x3712xf32, #tpu.memory_space<vmem>>, vector<16xf32>,
          %sub3A_355 = arith.subf %get3A_351, %get3A_354 : vector<16xf32>
          %mul3A_356 = arith.mulf %sub3A_355, %convert_element_type3A_348 : vector<16xf32>
          %add3A_357 = arith.addf %scan3A_317, %mul3A_356 : vector<16xf32>
          %get3A_358 = arith.index_cast %add3A_257 : i32 to index
          %get3A_359 = arith.index_cast %multiple_of3A_324 : i32 to index
          %get3A_360 = tpu.vector_load %arg9[%get3A_358, %get3A_359] {strides = array<i32>} : memref<8x3712xf32, #tpu.memory_space<vmem>>, vector<16xf32>,
          %get3A_361 = arith.index_cast %add3A_257 : i32 to index
          %get3A_362 = arith.index_cast %multiple_of3A_324 : i32 to index
          %get3A_363 = tpu.vector_load %arg10[%get3A_361, %get3A_362] {strides = array<i32>} : memref<8x3712xf32, #tpu.memory_space<vmem>>, vector<16xf32>,
          %sub3A_364 = arith.subf %get3A_360, %get3A_363 : vector<16xf32>
          %mul3A_365 = arith.mulf %sub3A_364, %convert_element_type3A_348 : vector<16xf32>
          %add3A_366 = arith.addf %scan3A_318, %mul3A_365 : vector<16xf32>
          %get3A_367 = arith.index_cast %add3A_259 : i32 to index
          %get3A_368 = arith.index_cast %multiple_of3A_324 : i32 to index
          %get3A_369 = tpu.vector_load %arg9[%get3A_367, %get3A_368] {strides = array<i32>} : memref<8x3712xf32, #tpu.memory_space<vmem>>, vector<16xf32>,
          %get3A_370 = arith.index_cast %add3A_259 : i32 to index
          %get3A_371 = arith.index_cast %multiple_of3A_324 : i32 to index
          %get3A_372 = tpu.vector_load %arg10[%get3A_370, %get3A_371] {strides = array<i32>} : memref<8x3712xf32, #tpu.memory_space<vmem>>, vector<16xf32>,
          %sub3A_373 = arith.subf %get3A_369, %get3A_372 : vector<16xf32>
          %mul3A_374 = arith.mulf %sub3A_373, %convert_element_type3A_348 : vector<16xf32>
          %add3A_375 = arith.addf %scan3A_319, %mul3A_374 : vector<16xf32>
          %get3A_376 = arith.index_cast %add3A_261 : i32 to index
          %get3A_377 = arith.index_cast %multiple_of3A_324 : i32 to index
          %get3A_378 = tpu.vector_load %arg9[%get3A_376, %get3A_377] {strides = array<i32>} : memref<8x3712xf32, #tpu.memory_space<vmem>>, vector<16xf32>,
          %get3A_379 = arith.index_cast %add3A_261 : i32 to index
          %get3A_380 = arith.index_cast %multiple_of3A_324 : i32 to index
          %get3A_381 = tpu.vector_load %arg10[%get3A_379, %get3A_380] {strides = array<i32>} : memref<8x3712xf32, #tpu.memory_space<vmem>>, vector<16xf32>,
          %sub3A_382 = arith.subf %get3A_378, %get3A_381 : vector<16xf32>
          %mul3A_383 = arith.mulf %sub3A_382, %convert_element_type3A_348 : vector<16xf32>
          %add3A_384 = arith.addf %scan3A_320, %mul3A_383 : vector<16xf32>
          scf.yield %add3A_357, %add3A_366, %add3A_375, %add3A_384 : vector<16xf32>, vector<16xf32>, vector<16xf32>, vector<16xf32>
        }
        %scan3A_267 = arith.constant 20 : i32
        %add3A_268 = arith.constant 0 : i32
        %add3A_269 = arith.addi %mul3A_247, %add3A_268 : i32
        %get3A = arith.index_cast %add3A_269 : i32 to index
        %get3A_270 = memref.load %arg12[%get3A] : memref<8xf32, #tpu.memory_space<smem>>
        %reduce_sum3A = arith.constant true
        %reduce_sum3A_271 = vector.broadcast %reduce_sum3A : i1 to vector<16xi1>
        %reduce_sum3A_272 = tpu.scan <sum>, %scan3A_266#0 masked %reduce_sum3A_271 : vector<16xf32>, vector<16xi1> -> vector<16xf32>
        %reduce_sum3A_273 = vector.extract %reduce_sum3A_272[15] : f32 from vector<16xf32>
        %add3A_274 = arith.addf %get3A_270, %reduce_sum3A_273 : f32
        %mul3A_275 = arith.mulf %add3A_274, %add3A_274 : f32
        %add3A_276 = arith.addf %scan3A_245, %mul3A_275 : f32
        %add3A_277 = arith.constant 1 : i32
        %add3A_278 = arith.addi %mul3A_247, %add3A_277 : i32
        %get3A_279 = arith.index_cast %add3A_278 : i32 to index
        %get3A_280 = memref.load %arg12[%get3A_279] : memref<8xf32, #tpu.memory_space<smem>>
        %reduce_sum3A_281 = arith.constant true
        %reduce_sum3A_282 = vector.broadcast %reduce_sum3A_281 : i1 to vector<16xi1>
        %reduce_sum3A_283 = tpu.scan <sum>, %scan3A_266#1 masked %reduce_sum3A_282 : vector<16xf32>, vector<16xi1> -> vector<16xf32>
        %reduce_sum3A_284 = vector.extract %reduce_sum3A_283[15] : f32 from vector<16xf32>
        %add3A_285 = arith.addf %get3A_280, %reduce_sum3A_284 : f32
        %mul3A_286 = arith.mulf %add3A_285, %add3A_285 : f32
        %add3A_287 = arith.addf %add3A_276, %mul3A_286 : f32
        %add3A_288 = arith.constant 2 : i32
        %add3A_289 = arith.addi %mul3A_247, %add3A_288 : i32
        %get3A_290 = arith.index_cast %add3A_289 : i32 to index
        %get3A_291 = memref.load %arg12[%get3A_290] : memref<8xf32, #tpu.memory_space<smem>>
        %reduce_sum3A_292 = arith.constant true
        %reduce_sum3A_293 = vector.broadcast %reduce_sum3A_292 : i1 to vector<16xi1>
        %reduce_sum3A_294 = tpu.scan <sum>, %scan3A_266#2 masked %reduce_sum3A_293 : vector<16xf32>, vector<16xi1> -> vector<16xf32>
        %reduce_sum3A_295 = vector.extract %reduce_sum3A_294[15] : f32 from vector<16xf32>
        %add3A_296 = arith.addf %get3A_291, %reduce_sum3A_295 : f32
        %mul3A_297 = arith.mulf %add3A_296, %add3A_296 : f32
        %add3A_298 = arith.addf %add3A_287, %mul3A_297 : f32
        %add3A_299 = arith.constant 3 : i32
        %add3A_300 = arith.addi %mul3A_247, %add3A_299 : i32
        %get3A_301 = arith.index_cast %add3A_300 : i32 to index
        %get3A_302 = memref.load %arg12[%get3A_301] : memref<8xf32, #tpu.memory_space<smem>>
        %reduce_sum3A_303 = arith.constant true
        %reduce_sum3A_304 = vector.broadcast %reduce_sum3A_303 : i1 to vector<16xi1>
        %reduce_sum3A_305 = tpu.scan <sum>, %scan3A_266#3 masked %reduce_sum3A_304 : vector<16xf32>, vector<16xi1> -> vector<16xf32>
        %reduce_sum3A_306 = vector.extract %reduce_sum3A_305[15] : f32 from vector<16xf32>
        %add3A_307 = arith.addf %get3A_302, %reduce_sum3A_306 : f32
        %mul3A_308 = arith.mulf %add3A_307, %add3A_307 : f32
        %add3A_309 = arith.addf %add3A_298, %mul3A_308 : f32
        %scan3A_310 = arith.constant 0 : i32
        %scan3A_311 = arith.constant 9 : i32
        %scan3A_312 = arith.addi %scan3A_310, %scan3A_311 : i32
        %scan3A_313 = arith.constant 1 : i32
        %scan3A_314 = scf.for %scan3A_316 = %scan3A_310 to %scan3A_312 step %scan3A_313 iter_args(%scan3A_317 = %add3A_309) -> (f32)  : i32 {
          %add3A_318 = arith.constant 11 : i32
          %add3A_319 = arith.addi %add3A_318, %scan3A_316 : i32
          %mul3A_320 = arith.constant 365 : i32
          %mul3A_321 = arith.muli %add3A_319, %mul3A_320 : i32
          %sub3A_322 = arith.constant 3712 : i32
          %sub3A_323 = arith.subi %mul3A_321, %sub3A_322 : i32
          %jit3A_324 = arith.constant 16 : i32
          %div3A = arith.divsi %sub3A_323, %jit3A_324 : i32
          %sign3A = arith.constant 0 : i32
          %sign3A_325 = arith.cmpi sgt, %sub3A_323, %sign3A : i32
          %sign3A_326 = arith.extui %sign3A_325 : i1 to i32
          %sign3A_327 = arith.constant 0 : i32
          %sign3A_328 = arith.cmpi slt, %sub3A_323, %sign3A_327 : i32
          %sign3A_329 = arith.extui %sign3A_328 : i1 to i32
          %sign3A_330 = arith.subi %sign3A_326, %sign3A_329 : i32
          %sign3A_331 = arith.constant 0 : i32
          %sign3A_332 = arith.cmpi sgt, %jit3A_324, %sign3A_331 : i32
          %sign3A_333 = arith.extui %sign3A_332 : i1 to i32
          %sign3A_334 = arith.constant 0 : i32
          %sign3A_335 = arith.cmpi slt, %jit3A_324, %sign3A_334 : i32
          %sign3A_336 = arith.extui %sign3A_335 : i1 to i32
          %sign3A_337 = arith.subi %sign3A_333, %sign3A_336 : i32
          %ne3A = arith.cmpi ne, %sign3A_330, %sign3A_337 : i32
          %rem3A = arith.remsi %sub3A_323, %jit3A_324 : i32
          %ne3A_338 = arith.constant 0 : i32
          %ne3A_339 = arith.cmpi ne, %rem3A, %ne3A_338 : i32
          %and3A = arith.andi %ne3A, %ne3A_339 : i1
          %sub3A_340 = arith.constant 1 : i32
          %sub3A_341 = arith.subi %div3A, %sub3A_340 : i32
          %select_n3A_342 = arith.select %and3A, %sub3A_341, %div3A : i32
          %mul3A_343 = arith.constant 16 : i32
          %mul3A_344 = arith.muli %select_n3A_342, %mul3A_343 : i32
          %jit3A_345 = arith.constant 0 : i32
          %jit3A_346 = arith.constant 3328 : i32
          %max3A_347 = arith.maxsi %jit3A_345, %mul3A_344 : i32
          %min3A_348 = arith.minsi %jit3A_346, %max3A_347 : i32
          %multiple_of3A_349 = tpu.assume_multiple %min3A_348, 16 : i32
          %add3A_350 = arith.constant 0 : i32
          %add3A_351 = arith.addi %mul3A_247, %add3A_350 : i32
          %add3A_352 = arith.constant 1 : i32
          %add3A_353 = arith.addi %mul3A_247, %add3A_352 : i32
          %add3A_354 = arith.constant 2 : i32
          %add3A_355 = arith.addi %mul3A_247, %add3A_354 : i32
          %add3A_356 = arith.constant 3 : i32
          %add3A_357 = arith.addi %mul3A_247, %add3A_356 : i32
          %sub3A_358 = arith.subi %multiple_of3A_349, %sub3A_323 : i32
          %add3A_359 = arith.constant 1 : i32
          %add3A_360 = arith.addi %sub3A_358, %add3A_359 : i32
          %add3A_361 = vector.broadcast %add3A_360 : i32 to vector<16xi32>
          %add3A_362 = arith.addi %iota3A, %add3A_361 : vector<16xi32>
          %jit3A_363 = arith.constant 0 : i32
          %jit3A_364 = arith.constant 1 : i32
          %max3A_365 = vector.broadcast %jit3A_363 : i32 to vector<16xi32>
          %max3A_366 = arith.maxsi %max3A_365, %add3A_362 : vector<16xi32>
          %min3A_367 = vector.broadcast %jit3A_364 : i32 to vector<16xi32>
          %min3A_368 = arith.minsi %min3A_367, %max3A_366 : vector<16xi32>
          %convert_element_type3A_369 = arith.sitofp %min3A_368 : vector<16xi32> to vector<16xf32>
          %get3A_370 = arith.index_cast %add3A_351 : i32 to index
          %get3A_371 = arith.index_cast %multiple_of3A_349 : i32 to index
          %get3A_372 = tpu.vector_load %arg9[%get3A_370, %get3A_371] {strides = array<i32>} : memref<8x3712xf32, #tpu.memory_space<vmem>>, vector<16xf32>,
          %get3A_373 = arith.index_cast %add3A_351 : i32 to index
          %get3A_374 = arith.index_cast %multiple_of3A_349 : i32 to index
          %get3A_375 = tpu.vector_load %arg10[%get3A_373, %get3A_374] {strides = array<i32>} : memref<8x3712xf32, #tpu.memory_space<vmem>>, vector<16xf32>,
          %sub3A_376 = arith.subf %get3A_372, %get3A_375 : vector<16xf32>
          %mul3A_377 = arith.mulf %sub3A_376, %convert_element_type3A_369 : vector<16xf32>
          %get3A_378 = arith.index_cast %add3A_353 : i32 to index
          %get3A_379 = arith.index_cast %multiple_of3A_349 : i32 to index
          %get3A_380 = tpu.vector_load %arg9[%get3A_378, %get3A_379] {strides = array<i32>} : memref<8x3712xf32, #tpu.memory_space<vmem>>, vector<16xf32>,
          %get3A_381 = arith.index_cast %add3A_353 : i32 to index
          %get3A_382 = arith.index_cast %multiple_of3A_349 : i32 to index
          %get3A_383 = tpu.vector_load %arg10[%get3A_381, %get3A_382] {strides = array<i32>} : memref<8x3712xf32, #tpu.memory_space<vmem>>, vector<16xf32>,
          %sub3A_384 = arith.subf %get3A_380, %get3A_383 : vector<16xf32>
          %mul3A_385 = arith.mulf %sub3A_384, %convert_element_type3A_369 : vector<16xf32>
          %get3A_386 = arith.index_cast %add3A_355 : i32 to index
          %get3A_387 = arith.index_cast %multiple_of3A_349 : i32 to index
          %get3A_388 = tpu.vector_load %arg9[%get3A_386, %get3A_387] {strides = array<i32>} : memref<8x3712xf32, #tpu.memory_space<vmem>>, vector<16xf32>,
          %get3A_389 = arith.index_cast %add3A_355 : i32 to index
          %get3A_390 = arith.index_cast %multiple_of3A_349 : i32 to index
          %get3A_391 = tpu.vector_load %arg10[%get3A_389, %get3A_390] {strides = array<i32>} : memref<8x3712xf32, #tpu.memory_space<vmem>>, vector<16xf32>,
          %sub3A_392 = arith.subf %get3A_388, %get3A_391 : vector<16xf32>
          %mul3A_393 = arith.mulf %sub3A_392, %convert_element_type3A_369 : vector<16xf32>
          %get3A_394 = arith.index_cast %add3A_357 : i32 to index
          %get3A_395 = arith.index_cast %multiple_of3A_349 : i32 to index
          %get3A_396 = tpu.vector_load %arg9[%get3A_394, %get3A_395] {strides = array<i32>} : memref<8x3712xf32, #tpu.memory_space<vmem>>, vector<16xf32>,
          %get3A_397 = arith.index_cast %add3A_357 : i32 to index
          %get3A_398 = arith.index_cast %multiple_of3A_349 : i32 to index
          %get3A_399 = tpu.vector_load %arg10[%get3A_397, %get3A_398] {strides = array<i32>} : memref<8x3712xf32, #tpu.memory_space<vmem>>, vector<16xf32>,
          %sub3A_400 = arith.subf %get3A_396, %get3A_399 : vector<16xf32>
          %mul3A_401 = arith.mulf %sub3A_400, %convert_element_type3A_369 : vector<16xf32>
          %scan3A_402 = arith.constant 0 : i32
          %scan3A_403 = arith.constant 3 : i32
          %scan3A_404 = arith.addi %scan3A_402, %scan3A_403 : i32
          %scan3A_405 = arith.constant 1 : i32
          %scan3A_406:4 = scf.for %scan3A_538 = %scan3A_402 to %scan3A_404 step %scan3A_405 iter_args(%scan3A_539 = %mul3A_377, %scan3A_540 = %mul3A_385, %scan3A_541 = %mul3A_393, %scan3A_542 = %mul3A_401) -> (vector<16xf32>, vector<16xf32>, vector<16xf32>, vector<16xf32>)  : i32 {
            %add3A_543 = arith.constant 16 : i32
            %add3A_544 = arith.addi %multiple_of3A_349, %add3A_543 : i32
            %mul3A_545 = arith.constant 7 : i32
            %mul3A_546 = arith.muli %scan3A_538, %mul3A_545 : i32
            %add3A_547 = arith.constant 0 : i32
            %add3A_548 = arith.addi %mul3A_546, %add3A_547 : i32
            %mul3A_549 = arith.constant 16 : i32
            %mul3A_550 = arith.muli %add3A_548, %mul3A_549 : i32
            %add3A_551 = arith.addi %add3A_544, %mul3A_550 : i32
            %multiple_of3A_552 = tpu.assume_multiple %add3A_551, 16 : i32
            %get3A_553 = arith.index_cast %add3A_351 : i32 to index
            %get3A_554 = arith.index_cast %multiple_of3A_552 : i32 to index
            %get3A_555 = tpu.vector_load %arg9[%get3A_553, %get3A_554] {strides = array<i32>} : memref<8x3712xf32, #tpu.memory_space<vmem>>, vector<16xf32>,
            %get3A_556 = arith.index_cast %add3A_351 : i32 to index
            %get3A_557 = arith.index_cast %multiple_of3A_552 : i32 to index
            %get3A_558 = tpu.vector_load %arg10[%get3A_556, %get3A_557] {strides = array<i32>} : memref<8x3712xf32, #tpu.memory_space<vmem>>, vector<16xf32>,
            %sub3A_559 = arith.subf %get3A_555, %get3A_558 : vector<16xf32>
            %add3A_560 = arith.addf %scan3A_539, %sub3A_559 : vector<16xf32>
            %get3A_561 = arith.index_cast %add3A_353 : i32 to index
            %get3A_562 = arith.index_cast %multiple_of3A_552 : i32 to index
            %get3A_563 = tpu.vector_load %arg9[%get3A_561, %get3A_562] {strides = array<i32>} : memref<8x3712xf32, #tpu.memory_space<vmem>>, vector<16xf32>,
            %get3A_564 = arith.index_cast %add3A_353 : i32 to index
            %get3A_565 = arith.index_cast %multiple_of3A_552 : i32 to index
            %get3A_566 = tpu.vector_load %arg10[%get3A_564, %get3A_565] {strides = array<i32>} : memref<8x3712xf32, #tpu.memory_space<vmem>>, vector<16xf32>,
            %sub3A_567 = arith.subf %get3A_563, %get3A_566 : vector<16xf32>
            %add3A_568 = arith.addf %scan3A_540, %sub3A_567 : vector<16xf32>
            %get3A_569 = arith.index_cast %add3A_355 : i32 to index
            %get3A_570 = arith.index_cast %multiple_of3A_552 : i32 to index
            %get3A_571 = tpu.vector_load %arg9[%get3A_569, %get3A_570] {strides = array<i32>} : memref<8x3712xf32, #tpu.memory_space<vmem>>, vector<16xf32>,
            %get3A_572 = arith.index_cast %add3A_355 : i32 to index
            %get3A_573 = arith.index_cast %multiple_of3A_552 : i32 to index
            %get3A_574 = tpu.vector_load %arg10[%get3A_572, %get3A_573] {strides = array<i32>} : memref<8x3712xf32, #tpu.memory_space<vmem>>, vector<16xf32>,
            %sub3A_575 = arith.subf %get3A_571, %get3A_574 : vector<16xf32>
            %add3A_576 = arith.addf %scan3A_541, %sub3A_575 : vector<16xf32>
            %get3A_577 = arith.index_cast %add3A_357 : i32 to index
            %get3A_578 = arith.index_cast %multiple_of3A_552 : i32 to index
            %get3A_579 = tpu.vector_load %arg9[%get3A_577, %get3A_578] {strides = array<i32>} : memref<8x3712xf32, #tpu.memory_space<vmem>>, vector<16xf32>,
            %get3A_580 = arith.index_cast %add3A_357 : i32 to index
            %get3A_581 = arith.index_cast %multiple_of3A_552 : i32 to index
            %get3A_582 = tpu.vector_load %arg10[%get3A_580, %get3A_581] {strides = array<i32>} : memref<8x3712xf32, #tpu.memory_space<vmem>>, vector<16xf32>,
            %sub3A_583 = arith.subf %get3A_579, %get3A_582 : vector<16xf32>
            %add3A_584 = arith.addf %scan3A_542, %sub3A_583 : vector<16xf32>
            %add3A_585 = arith.constant 16 : i32
            %add3A_586 = arith.addi %multiple_of3A_349, %add3A_585 : i32
            %mul3A_587 = arith.constant 7 : i32
            %mul3A_588 = arith.muli %scan3A_538, %mul3A_587 : i32
            %add3A_589 = arith.constant 1 : i32
            %add3A_590 = arith.addi %mul3A_588, %add3A_589 : i32
            %mul3A_591 = arith.constant 16 : i32
            %mul3A_592 = arith.muli %add3A_590, %mul3A_591 : i32
            %add3A_593 = arith.addi %add3A_586, %mul3A_592 : i32
            %multiple_of3A_594 = tpu.assume_multiple %add3A_593, 16 : i32
            %get3A_595 = arith.index_cast %add3A_351 : i32 to index
            %get3A_596 = arith.index_cast %multiple_of3A_594 : i32 to index
            %get3A_597 = tpu.vector_load %arg9[%get3A_595, %get3A_596] {strides = array<i32>} : memref<8x3712xf32, #tpu.memory_space<vmem>>, vector<16xf32>,
            %get3A_598 = arith.index_cast %add3A_351 : i32 to index
            %get3A_599 = arith.index_cast %multiple_of3A_594 : i32 to index
            %get3A_600 = tpu.vector_load %arg10[%get3A_598, %get3A_599] {strides = array<i32>} : memref<8x3712xf32, #tpu.memory_space<vmem>>, vector<16xf32>,
            %sub3A_601 = arith.subf %get3A_597, %get3A_600 : vector<16xf32>
            %add3A_602 = arith.addf %add3A_560, %sub3A_601 : vector<16xf32>
            %get3A_603 = arith.index_cast %add3A_353 : i32 to index
            %get3A_604 = arith.index_cast %multiple_of3A_594 : i32 to index
            %get3A_605 = tpu.vector_load %arg9[%get3A_603, %get3A_604] {strides = array<i32>} : memref<8x3712xf32, #tpu.memory_space<vmem>>, vector<16xf32>,
            %get3A_606 = arith.index_cast %add3A_353 : i32 to index
            %get3A_607 = arith.index_cast %multiple_of3A_594 : i32 to index
            %get3A_608 = tpu.vector_load %arg10[%get3A_606, %get3A_607] {strides = array<i32>} : memref<8x3712xf32, #tpu.memory_space<vmem>>, vector<16xf32>,
            %sub3A_609 = arith.subf %get3A_605, %get3A_608 : vector<16xf32>
            %add3A_610 = arith.addf %add3A_568, %sub3A_609 : vector<16xf32>
            %get3A_611 = arith.index_cast %add3A_355 : i32 to index
            %get3A_612 = arith.index_cast %multiple_of3A_594 : i32 to index
            %get3A_613 = tpu.vector_load %arg9[%get3A_611, %get3A_612] {strides = array<i32>} : memref<8x3712xf32, #tpu.memory_space<vmem>>, vector<16xf32>,
            %get3A_614 = arith.index_cast %add3A_355 : i32 to index
            %get3A_615 = arith.index_cast %multiple_of3A_594 : i32 to index
            %get3A_616 = tpu.vector_load %arg10[%get3A_614, %get3A_615] {strides = array<i32>} : memref<8x3712xf32, #tpu.memory_space<vmem>>, vector<16xf32>,
            %sub3A_617 = arith.subf %get3A_613, %get3A_616 : vector<16xf32>
            %add3A_618 = arith.addf %add3A_576, %sub3A_617 : vector<16xf32>
            %get3A_619 = arith.index_cast %add3A_357 : i32 to index
            %get3A_620 = arith.index_cast %multiple_of3A_594 : i32 to index
            %get3A_621 = tpu.vector_load %arg9[%get3A_619, %get3A_620] {strides = array<i32>} : memref<8x3712xf32, #tpu.memory_space<vmem>>, vector<16xf32>,
            %get3A_622 = arith.index_cast %add3A_357 : i32 to index
            %get3A_623 = arith.index_cast %multiple_of3A_594 : i32 to index
            %get3A_624 = tpu.vector_load %arg10[%get3A_622, %get3A_623] {strides = array<i32>} : memref<8x3712xf32, #tpu.memory_space<vmem>>, vector<16xf32>,
            %sub3A_625 = arith.subf %get3A_621, %get3A_624 : vector<16xf32>
            %add3A_626 = arith.addf %add3A_584, %sub3A_625 : vector<16xf32>
            %add3A_627 = arith.constant 16 : i32
            %add3A_628 = arith.addi %multiple_of3A_349, %add3A_627 : i32
            %mul3A_629 = arith.constant 7 : i32
            %mul3A_630 = arith.muli %scan3A_538, %mul3A_629 : i32
            %add3A_631 = arith.constant 2 : i32
            %add3A_632 = arith.addi %mul3A_630, %add3A_631 : i32
            %mul3A_633 = arith.constant 16 : i32
            %mul3A_634 = arith.muli %add3A_632, %mul3A_633 : i32
            %add3A_635 = arith.addi %add3A_628, %mul3A_634 : i32
            %multiple_of3A_636 = tpu.assume_multiple %add3A_635, 16 : i32
            %get3A_637 = arith.index_cast %add3A_351 : i32 to index
            %get3A_638 = arith.index_cast %multiple_of3A_636 : i32 to index
            %get3A_639 = tpu.vector_load %arg9[%get3A_637, %get3A_638] {strides = array<i32>} : memref<8x3712xf32, #tpu.memory_space<vmem>>, vector<16xf32>,
            %get3A_640 = arith.index_cast %add3A_351 : i32 to index
            %get3A_641 = arith.index_cast %multiple_of3A_636 : i32 to index
            %get3A_642 = tpu.vector_load %arg10[%get3A_640, %get3A_641] {strides = array<i32>} : memref<8x3712xf32, #tpu.memory_space<vmem>>, vector<16xf32>,
            %sub3A_643 = arith.subf %get3A_639, %get3A_642 : vector<16xf32>
            %add3A_644 = arith.addf %add3A_602, %sub3A_643 : vector<16xf32>
            %get3A_645 = arith.index_cast %add3A_353 : i32 to index
            %get3A_646 = arith.index_cast %multiple_of3A_636 : i32 to index
            %get3A_647 = tpu.vector_load %arg9[%get3A_645, %get3A_646] {strides = array<i32>} : memref<8x3712xf32, #tpu.memory_space<vmem>>, vector<16xf32>,
            %get3A_648 = arith.index_cast %add3A_353 : i32 to index
            %get3A_649 = arith.index_cast %multiple_of3A_636 : i32 to index
            %get3A_650 = tpu.vector_load %arg10[%get3A_648, %get3A_649] {strides = array<i32>} : memref<8x3712xf32, #tpu.memory_space<vmem>>, vector<16xf32>,
            %sub3A_651 = arith.subf %get3A_647, %get3A_650 : vector<16xf32>
            %add3A_652 = arith.addf %add3A_610, %sub3A_651 : vector<16xf32>
            %get3A_653 = arith.index_cast %add3A_355 : i32 to index
            %get3A_654 = arith.index_cast %multiple_of3A_636 : i32 to index
            %get3A_655 = tpu.vector_load %arg9[%get3A_653, %get3A_654] {strides = array<i32>} : memref<8x3712xf32, #tpu.memory_space<vmem>>, vector<16xf32>,
            %get3A_656 = arith.index_cast %add3A_355 : i32 to index
            %get3A_657 = arith.index_cast %multiple_of3A_636 : i32 to index
            %get3A_658 = tpu.vector_load %arg10[%get3A_656, %get3A_657] {strides = array<i32>} : memref<8x3712xf32, #tpu.memory_space<vmem>>, vector<16xf32>,
            %sub3A_659 = arith.subf %get3A_655, %get3A_658 : vector<16xf32>
            %add3A_660 = arith.addf %add3A_618, %sub3A_659 : vector<16xf32>
            %get3A_661 = arith.index_cast %add3A_357 : i32 to index
            %get3A_662 = arith.index_cast %multiple_of3A_636 : i32 to index
            %get3A_663 = tpu.vector_load %arg9[%get3A_661, %get3A_662] {strides = array<i32>} : memref<8x3712xf32, #tpu.memory_space<vmem>>, vector<16xf32>,
            %get3A_664 = arith.index_cast %add3A_357 : i32 to index
            %get3A_665 = arith.index_cast %multiple_of3A_636 : i32 to index
            %get3A_666 = tpu.vector_load %arg10[%get3A_664, %get3A_665] {strides = array<i32>} : memref<8x3712xf32, #tpu.memory_space<vmem>>, vector<16xf32>,
            %sub3A_667 = arith.subf %get3A_663, %get3A_666 : vector<16xf32>
            %add3A_668 = arith.addf %add3A_626, %sub3A_667 : vector<16xf32>
            %add3A_669 = arith.constant 16 : i32
            %add3A_670 = arith.addi %multiple_of3A_349, %add3A_669 : i32
            %mul3A_671 = arith.constant 7 : i32
            %mul3A_672 = arith.muli %scan3A_538, %mul3A_671 : i32
            %add3A_673 = arith.constant 3 : i32
            %add3A_674 = arith.addi %mul3A_672, %add3A_673 : i32
            %mul3A_675 = arith.constant 16 : i32
            %mul3A_676 = arith.muli %add3A_674, %mul3A_675 : i32
            %add3A_677 = arith.addi %add3A_670, %mul3A_676 : i32
            %multiple_of3A_678 = tpu.assume_multiple %add3A_677, 16 : i32
            %get3A_679 = arith.index_cast %add3A_351 : i32 to index
            %get3A_680 = arith.index_cast %multiple_of3A_678 : i32 to index
            %get3A_681 = tpu.vector_load %arg9[%get3A_679, %get3A_680] {strides = array<i32>} : memref<8x3712xf32, #tpu.memory_space<vmem>>, vector<16xf32>,
            %get3A_682 = arith.index_cast %add3A_351 : i32 to index
            %get3A_683 = arith.index_cast %multiple_of3A_678 : i32 to index
            %get3A_684 = tpu.vector_load %arg10[%get3A_682, %get3A_683] {strides = array<i32>} : memref<8x3712xf32, #tpu.memory_space<vmem>>, vector<16xf32>,
            %sub3A_685 = arith.subf %get3A_681, %get3A_684 : vector<16xf32>
            %add3A_686 = arith.addf %add3A_644, %sub3A_685 : vector<16xf32>
            %get3A_687 = arith.index_cast %add3A_353 : i32 to index
            %get3A_688 = arith.index_cast %multiple_of3A_678 : i32 to index
            %get3A_689 = tpu.vector_load %arg9[%get3A_687, %get3A_688] {strides = array<i32>} : memref<8x3712xf32, #tpu.memory_space<vmem>>, vector<16xf32>,
            %get3A_690 = arith.index_cast %add3A_353 : i32 to index
            %get3A_691 = arith.index_cast %multiple_of3A_678 : i32 to index
            %get3A_692 = tpu.vector_load %arg10[%get3A_690, %get3A_691] {strides = array<i32>} : memref<8x3712xf32, #tpu.memory_space<vmem>>, vector<16xf32>,
            %sub3A_693 = arith.subf %get3A_689, %get3A_692 : vector<16xf32>
            %add3A_694 = arith.addf %add3A_652, %sub3A_693 : vector<16xf32>
            %get3A_695 = arith.index_cast %add3A_355 : i32 to index
            %get3A_696 = arith.index_cast %multiple_of3A_678 : i32 to index
            %get3A_697 = tpu.vector_load %arg9[%get3A_695, %get3A_696] {strides = array<i32>} : memref<8x3712xf32, #tpu.memory_space<vmem>>, vector<16xf32>,
            %get3A_698 = arith.index_cast %add3A_355 : i32 to index
            %get3A_699 = arith.index_cast %multiple_of3A_678 : i32 to index
            %get3A_700 = tpu.vector_load %arg10[%get3A_698, %get3A_699] {strides = array<i32>} : memref<8x3712xf32, #tpu.memory_space<vmem>>, vector<16xf32>,
            %sub3A_701 = arith.subf %get3A_697, %get3A_700 : vector<16xf32>
            %add3A_702 = arith.addf %add3A_660, %sub3A_701 : vector<16xf32>
            %get3A_703 = arith.index_cast %add3A_357 : i32 to index
            %get3A_704 = arith.index_cast %multiple_of3A_678 : i32 to index
            %get3A_705 = tpu.vector_load %arg9[%get3A_703, %get3A_704] {strides = array<i32>} : memref<8x3712xf32, #tpu.memory_space<vmem>>, vector<16xf32>,
            %get3A_706 = arith.index_cast %add3A_357 : i32 to index
            %get3A_707 = arith.index_cast %multiple_of3A_678 : i32 to index
            %get3A_708 = tpu.vector_load %arg10[%get3A_706, %get3A_707] {strides = array<i32>} : memref<8x3712xf32, #tpu.memory_space<vmem>>, vector<16xf32>,
            %sub3A_709 = arith.subf %get3A_705, %get3A_708 : vector<16xf32>
            %add3A_710 = arith.addf %add3A_668, %sub3A_709 : vector<16xf32>
            %add3A_711 = arith.constant 16 : i32
            %add3A_712 = arith.addi %multiple_of3A_349, %add3A_711 : i32
            %mul3A_713 = arith.constant 7 : i32
            %mul3A_714 = arith.muli %scan3A_538, %mul3A_713 : i32
            %add3A_715 = arith.constant 4 : i32
            %add3A_716 = arith.addi %mul3A_714, %add3A_715 : i32
            %mul3A_717 = arith.constant 16 : i32
            %mul3A_718 = arith.muli %add3A_716, %mul3A_717 : i32
            %add3A_719 = arith.addi %add3A_712, %mul3A_718 : i32
            %multiple_of3A_720 = tpu.assume_multiple %add3A_719, 16 : i32
            %get3A_721 = arith.index_cast %add3A_351 : i32 to index
            %get3A_722 = arith.index_cast %multiple_of3A_720 : i32 to index
            %get3A_723 = tpu.vector_load %arg9[%get3A_721, %get3A_722] {strides = array<i32>} : memref<8x3712xf32, #tpu.memory_space<vmem>>, vector<16xf32>,
            %get3A_724 = arith.index_cast %add3A_351 : i32 to index
            %get3A_725 = arith.index_cast %multiple_of3A_720 : i32 to index
            %get3A_726 = tpu.vector_load %arg10[%get3A_724, %get3A_725] {strides = array<i32>} : memref<8x3712xf32, #tpu.memory_space<vmem>>, vector<16xf32>,
            %sub3A_727 = arith.subf %get3A_723, %get3A_726 : vector<16xf32>
            %add3A_728 = arith.addf %add3A_686, %sub3A_727 : vector<16xf32>
            %get3A_729 = arith.index_cast %add3A_353 : i32 to index
            %get3A_730 = arith.index_cast %multiple_of3A_720 : i32 to index
            %get3A_731 = tpu.vector_load %arg9[%get3A_729, %get3A_730] {strides = array<i32>} : memref<8x3712xf32, #tpu.memory_space<vmem>>, vector<16xf32>,
            %get3A_732 = arith.index_cast %add3A_353 : i32 to index
            %get3A_733 = arith.index_cast %multiple_of3A_720 : i32 to index
            %get3A_734 = tpu.vector_load %arg10[%get3A_732, %get3A_733] {strides = array<i32>} : memref<8x3712xf32, #tpu.memory_space<vmem>>, vector<16xf32>,
            %sub3A_735 = arith.subf %get3A_731, %get3A_734 : vector<16xf32>
            %add3A_736 = arith.addf %add3A_694, %sub3A_735 : vector<16xf32>
            %get3A_737 = arith.index_cast %add3A_355 : i32 to index
            %get3A_738 = arith.index_cast %multiple_of3A_720 : i32 to index
            %get3A_739 = tpu.vector_load %arg9[%get3A_737, %get3A_738] {strides = array<i32>} : memref<8x3712xf32, #tpu.memory_space<vmem>>, vector<16xf32>,
            %get3A_740 = arith.index_cast %add3A_355 : i32 to index
            %get3A_741 = arith.index_cast %multiple_of3A_720 : i32 to index
            %get3A_742 = tpu.vector_load %arg10[%get3A_740, %get3A_741] {strides = array<i32>} : memref<8x3712xf32, #tpu.memory_space<vmem>>, vector<16xf32>,
            %sub3A_743 = arith.subf %get3A_739, %get3A_742 : vector<16xf32>
            %add3A_744 = arith.addf %add3A_702, %sub3A_743 : vector<16xf32>
            %get3A_745 = arith.index_cast %add3A_357 : i32 to index
            %get3A_746 = arith.index_cast %multiple_of3A_720 : i32 to index
            %get3A_747 = tpu.vector_load %arg9[%get3A_745, %get3A_746] {strides = array<i32>} : memref<8x3712xf32, #tpu.memory_space<vmem>>, vector<16xf32>,
            %get3A_748 = arith.index_cast %add3A_357 : i32 to index
            %get3A_749 = arith.index_cast %multiple_of3A_720 : i32 to index
            %get3A_750 = tpu.vector_load %arg10[%get3A_748, %get3A_749] {strides = array<i32>} : memref<8x3712xf32, #tpu.memory_space<vmem>>, vector<16xf32>,
            %sub3A_751 = arith.subf %get3A_747, %get3A_750 : vector<16xf32>
            %add3A_752 = arith.addf %add3A_710, %sub3A_751 : vector<16xf32>
            %add3A_753 = arith.constant 16 : i32
            %add3A_754 = arith.addi %multiple_of3A_349, %add3A_753 : i32
            %mul3A_755 = arith.constant 7 : i32
            %mul3A_756 = arith.muli %scan3A_538, %mul3A_755 : i32
            %add3A_757 = arith.constant 5 : i32
            %add3A_758 = arith.addi %mul3A_756, %add3A_757 : i32
            %mul3A_759 = arith.constant 16 : i32
            %mul3A_760 = arith.muli %add3A_758, %mul3A_759 : i32
            %add3A_761 = arith.addi %add3A_754, %mul3A_760 : i32
            %multiple_of3A_762 = tpu.assume_multiple %add3A_761, 16 : i32
            %get3A_763 = arith.index_cast %add3A_351 : i32 to index
            %get3A_764 = arith.index_cast %multiple_of3A_762 : i32 to index
            %get3A_765 = tpu.vector_load %arg9[%get3A_763, %get3A_764] {strides = array<i32>} : memref<8x3712xf32, #tpu.memory_space<vmem>>, vector<16xf32>,
            %get3A_766 = arith.index_cast %add3A_351 : i32 to index
            %get3A_767 = arith.index_cast %multiple_of3A_762 : i32 to index
            %get3A_768 = tpu.vector_load %arg10[%get3A_766, %get3A_767] {strides = array<i32>} : memref<8x3712xf32, #tpu.memory_space<vmem>>, vector<16xf32>,
            %sub3A_769 = arith.subf %get3A_765, %get3A_768 : vector<16xf32>
            %add3A_770 = arith.addf %add3A_728, %sub3A_769 : vector<16xf32>
            %get3A_771 = arith.index_cast %add3A_353 : i32 to index
            %get3A_772 = arith.index_cast %multiple_of3A_762 : i32 to index
            %get3A_773 = tpu.vector_load %arg9[%get3A_771, %get3A_772] {strides = array<i32>} : memref<8x3712xf32, #tpu.memory_space<vmem>>, vector<16xf32>,
            %get3A_774 = arith.index_cast %add3A_353 : i32 to index
            %get3A_775 = arith.index_cast %multiple_of3A_762 : i32 to index
            %get3A_776 = tpu.vector_load %arg10[%get3A_774, %get3A_775] {strides = array<i32>} : memref<8x3712xf32, #tpu.memory_space<vmem>>, vector<16xf32>,
            %sub3A_777 = arith.subf %get3A_773, %get3A_776 : vector<16xf32>
            %add3A_778 = arith.addf %add3A_736, %sub3A_777 : vector<16xf32>
            %get3A_779 = arith.index_cast %add3A_355 : i32 to index
            %get3A_780 = arith.index_cast %multiple_of3A_762 : i32 to index
            %get3A_781 = tpu.vector_load %arg9[%get3A_779, %get3A_780] {strides = array<i32>} : memref<8x3712xf32, #tpu.memory_space<vmem>>, vector<16xf32>,
            %get3A_782 = arith.index_cast %add3A_355 : i32 to index
            %get3A_783 = arith.index_cast %multiple_of3A_762 : i32 to index
            %get3A_784 = tpu.vector_load %arg10[%get3A_782, %get3A_783] {strides = array<i32>} : memref<8x3712xf32, #tpu.memory_space<vmem>>, vector<16xf32>,
            %sub3A_785 = arith.subf %get3A_781, %get3A_784 : vector<16xf32>
            %add3A_786 = arith.addf %add3A_744, %sub3A_785 : vector<16xf32>
            %get3A_787 = arith.index_cast %add3A_357 : i32 to index
            %get3A_788 = arith.index_cast %multiple_of3A_762 : i32 to index
            %get3A_789 = tpu.vector_load %arg9[%get3A_787, %get3A_788] {strides = array<i32>} : memref<8x3712xf32, #tpu.memory_space<vmem>>, vector<16xf32>,
            %get3A_790 = arith.index_cast %add3A_357 : i32 to index
            %get3A_791 = arith.index_cast %multiple_of3A_762 : i32 to index
            %get3A_792 = tpu.vector_load %arg10[%get3A_790, %get3A_791] {strides = array<i32>} : memref<8x3712xf32, #tpu.memory_space<vmem>>, vector<16xf32>,
            %sub3A_793 = arith.subf %get3A_789, %get3A_792 : vector<16xf32>
            %add3A_794 = arith.addf %add3A_752, %sub3A_793 : vector<16xf32>
            %add3A_795 = arith.constant 16 : i32
            %add3A_796 = arith.addi %multiple_of3A_349, %add3A_795 : i32
            %mul3A_797 = arith.constant 7 : i32
            %mul3A_798 = arith.muli %scan3A_538, %mul3A_797 : i32
            %add3A_799 = arith.constant 6 : i32
            %add3A_800 = arith.addi %mul3A_798, %add3A_799 : i32
            %mul3A_801 = arith.constant 16 : i32
            %mul3A_802 = arith.muli %add3A_800, %mul3A_801 : i32
            %add3A_803 = arith.addi %add3A_796, %mul3A_802 : i32
            %multiple_of3A_804 = tpu.assume_multiple %add3A_803, 16 : i32
            %get3A_805 = arith.index_cast %add3A_351 : i32 to index
            %get3A_806 = arith.index_cast %multiple_of3A_804 : i32 to index
            %get3A_807 = tpu.vector_load %arg9[%get3A_805, %get3A_806] {strides = array<i32>} : memref<8x3712xf32, #tpu.memory_space<vmem>>, vector<16xf32>,
            %get3A_808 = arith.index_cast %add3A_351 : i32 to index
            %get3A_809 = arith.index_cast %multiple_of3A_804 : i32 to index
            %get3A_810 = tpu.vector_load %arg10[%get3A_808, %get3A_809] {strides = array<i32>} : memref<8x3712xf32, #tpu.memory_space<vmem>>, vector<16xf32>,
            %sub3A_811 = arith.subf %get3A_807, %get3A_810 : vector<16xf32>
            %add3A_812 = arith.addf %add3A_770, %sub3A_811 : vector<16xf32>
            %get3A_813 = arith.index_cast %add3A_353 : i32 to index
            %get3A_814 = arith.index_cast %multiple_of3A_804 : i32 to index
            %get3A_815 = tpu.vector_load %arg9[%get3A_813, %get3A_814] {strides = array<i32>} : memref<8x3712xf32, #tpu.memory_space<vmem>>, vector<16xf32>,
            %get3A_816 = arith.index_cast %add3A_353 : i32 to index
            %get3A_817 = arith.index_cast %multiple_of3A_804 : i32 to index
            %get3A_818 = tpu.vector_load %arg10[%get3A_816, %get3A_817] {strides = array<i32>} : memref<8x3712xf32, #tpu.memory_space<vmem>>, vector<16xf32>,
            %sub3A_819 = arith.subf %get3A_815, %get3A_818 : vector<16xf32>
            %add3A_820 = arith.addf %add3A_778, %sub3A_819 : vector<16xf32>
            %get3A_821 = arith.index_cast %add3A_355 : i32 to index
            %get3A_822 = arith.index_cast %multiple_of3A_804 : i32 to index
            %get3A_823 = tpu.vector_load %arg9[%get3A_821, %get3A_822] {strides = array<i32>} : memref<8x3712xf32, #tpu.memory_space<vmem>>, vector<16xf32>,
            %get3A_824 = arith.index_cast %add3A_355 : i32 to index
            %get3A_825 = arith.index_cast %multiple_of3A_804 : i32 to index
            %get3A_826 = tpu.vector_load %arg10[%get3A_824, %get3A_825] {strides = array<i32>} : memref<8x3712xf32, #tpu.memory_space<vmem>>, vector<16xf32>,
            %sub3A_827 = arith.subf %get3A_823, %get3A_826 : vector<16xf32>
            %add3A_828 = arith.addf %add3A_786, %sub3A_827 : vector<16xf32>
            %get3A_829 = arith.index_cast %add3A_357 : i32 to index
            %get3A_830 = arith.index_cast %multiple_of3A_804 : i32 to index
            %get3A_831 = tpu.vector_load %arg9[%get3A_829, %get3A_830] {strides = array<i32>} : memref<8x3712xf32, #tpu.memory_space<vmem>>, vector<16xf32>,
            %get3A_832 = arith.index_cast %add3A_357 : i32 to index
            %get3A_833 = arith.index_cast %multiple_of3A_804 : i32 to index
            %get3A_834 = tpu.vector_load %arg10[%get3A_832, %get3A_833] {strides = array<i32>} : memref<8x3712xf32, #tpu.memory_space<vmem>>, vector<16xf32>,
            %sub3A_835 = arith.subf %get3A_831, %get3A_834 : vector<16xf32>
            %add3A_836 = arith.addf %add3A_794, %sub3A_835 : vector<16xf32>
            scf.yield %add3A_812, %add3A_820, %add3A_828, %add3A_836 : vector<16xf32>, vector<16xf32>, vector<16xf32>, vector<16xf32>
          }
          %scan3A_407 = arith.constant 3 : i32
          %add3A_408 = arith.constant 365 : i32
          %add3A_409 = arith.addi %sub3A_323, %add3A_408 : i32
          %sub3A_410 = arith.subi %add3A_409, %multiple_of3A_349 : i32
          %sub3A_411 = arith.constant 352 : i32
          %sub3A_412 = arith.subi %sub3A_410, %sub3A_411 : i32
          %sub3A_413 = vector.broadcast %sub3A_412 : i32 to vector<16xi32>
          %sub3A_414 = arith.subi %sub3A_413, %iota3A : vector<16xi32>
          %jit3A_415 = arith.constant 0 : i32
          %jit3A_416 = arith.constant 1 : i32
          %max3A_417 = vector.broadcast %jit3A_415 : i32 to vector<16xi32>
          %max3A_418 = arith.maxsi %max3A_417, %sub3A_414 : vector<16xi32>
          %min3A_419 = vector.broadcast %jit3A_416 : i32 to vector<16xi32>
          %min3A_420 = arith.minsi %min3A_419, %max3A_418 : vector<16xi32>
          %convert_element_type3A_421 = arith.sitofp %min3A_420 : vector<16xi32> to vector<16xf32>
          %add3A_422 = arith.constant 352 : i32
          %add3A_423 = arith.addi %multiple_of3A_349, %add3A_422 : i32
          %multiple_of3A_424 = tpu.assume_multiple %add3A_423, 16 : i32
          %get3A_425 = arith.index_cast %add3A_351 : i32 to index
          %get3A_426 = arith.index_cast %multiple_of3A_424 : i32 to index
          %get3A_427 = tpu.vector_load %arg9[%get3A_425, %get3A_426] {strides = array<i32>} : memref<8x3712xf32, #tpu.memory_space<vmem>>, vector<16xf32>,
          %get3A_428 = arith.index_cast %add3A_351 : i32 to index
          %get3A_429 = arith.index_cast %multiple_of3A_424 : i32 to index
          %get3A_430 = tpu.vector_load %arg10[%get3A_428, %get3A_429] {strides = array<i32>} : memref<8x3712xf32, #tpu.memory_space<vmem>>, vector<16xf32>,
          %sub3A_431 = arith.subf %get3A_427, %get3A_430 : vector<16xf32>
          %mul3A_432 = arith.mulf %sub3A_431, %convert_element_type3A_421 : vector<16xf32>
          %add3A_433 = arith.addf %scan3A_406#0, %mul3A_432 : vector<16xf32>
          %get3A_434 = arith.index_cast %add3A_353 : i32 to index
          %get3A_435 = arith.index_cast %multiple_of3A_424 : i32 to index
          %get3A_436 = tpu.vector_load %arg9[%get3A_434, %get3A_435] {strides = array<i32>} : memref<8x3712xf32, #tpu.memory_space<vmem>>, vector<16xf32>,
          %get3A_437 = arith.index_cast %add3A_353 : i32 to index
          %get3A_438 = arith.index_cast %multiple_of3A_424 : i32 to index
          %get3A_439 = tpu.vector_load %arg10[%get3A_437, %get3A_438] {strides = array<i32>} : memref<8x3712xf32, #tpu.memory_space<vmem>>, vector<16xf32>,
          %sub3A_440 = arith.subf %get3A_436, %get3A_439 : vector<16xf32>
          %mul3A_441 = arith.mulf %sub3A_440, %convert_element_type3A_421 : vector<16xf32>
          %add3A_442 = arith.addf %scan3A_406#1, %mul3A_441 : vector<16xf32>
          %get3A_443 = arith.index_cast %add3A_355 : i32 to index
          %get3A_444 = arith.index_cast %multiple_of3A_424 : i32 to index
          %get3A_445 = tpu.vector_load %arg9[%get3A_443, %get3A_444] {strides = array<i32>} : memref<8x3712xf32, #tpu.memory_space<vmem>>, vector<16xf32>,
          %get3A_446 = arith.index_cast %add3A_355 : i32 to index
          %get3A_447 = arith.index_cast %multiple_of3A_424 : i32 to index
          %get3A_448 = tpu.vector_load %arg10[%get3A_446, %get3A_447] {strides = array<i32>} : memref<8x3712xf32, #tpu.memory_space<vmem>>, vector<16xf32>,
          %sub3A_449 = arith.subf %get3A_445, %get3A_448 : vector<16xf32>
          %mul3A_450 = arith.mulf %sub3A_449, %convert_element_type3A_421 : vector<16xf32>
          %add3A_451 = arith.addf %scan3A_406#2, %mul3A_450 : vector<16xf32>
          %get3A_452 = arith.index_cast %add3A_357 : i32 to index
          %get3A_453 = arith.index_cast %multiple_of3A_424 : i32 to index
          %get3A_454 = tpu.vector_load %arg9[%get3A_452, %get3A_453] {strides = array<i32>} : memref<8x3712xf32, #tpu.memory_space<vmem>>, vector<16xf32>,
          %get3A_455 = arith.index_cast %add3A_357 : i32 to index
          %get3A_456 = arith.index_cast %multiple_of3A_424 : i32 to index
          %get3A_457 = tpu.vector_load %arg10[%get3A_455, %get3A_456] {strides = array<i32>} : memref<8x3712xf32, #tpu.memory_space<vmem>>, vector<16xf32>,
          %sub3A_458 = arith.subf %get3A_454, %get3A_457 : vector<16xf32>
          %mul3A_459 = arith.mulf %sub3A_458, %convert_element_type3A_421 : vector<16xf32>
          %add3A_460 = arith.addf %scan3A_406#3, %mul3A_459 : vector<16xf32>
          %add3A_461 = arith.constant 365 : i32
          %add3A_462 = arith.addi %sub3A_323, %add3A_461 : i32
          %sub3A_463 = arith.subi %add3A_462, %multiple_of3A_349 : i32
          %sub3A_464 = arith.constant 368 : i32
          %sub3A_465 = arith.subi %sub3A_463, %sub3A_464 : i32
          %sub3A_466 = vector.broadcast %sub3A_465 : i32 to vector<16xi32>
          %sub3A_467 = arith.subi %sub3A_466, %iota3A : vector<16xi32>
          %jit3A_468 = arith.constant 0 : i32
          %jit3A_469 = arith.constant 1 : i32
          %max3A_470 = vector.broadcast %jit3A_468 : i32 to vector<16xi32>
          %max3A_471 = arith.maxsi %max3A_470, %sub3A_467 : vector<16xi32>
          %min3A_472 = vector.broadcast %jit3A_469 : i32 to vector<16xi32>
          %min3A_473 = arith.minsi %min3A_472, %max3A_471 : vector<16xi32>
          %convert_element_type3A_474 = arith.sitofp %min3A_473 : vector<16xi32> to vector<16xf32>
          %add3A_475 = arith.constant 368 : i32
          %add3A_476 = arith.addi %multiple_of3A_349, %add3A_475 : i32
          %multiple_of3A_477 = tpu.assume_multiple %add3A_476, 16 : i32
          %get3A_478 = arith.index_cast %add3A_351 : i32 to index
          %get3A_479 = arith.index_cast %multiple_of3A_477 : i32 to index
          %get3A_480 = tpu.vector_load %arg9[%get3A_478, %get3A_479] {strides = array<i32>} : memref<8x3712xf32, #tpu.memory_space<vmem>>, vector<16xf32>,
          %get3A_481 = arith.index_cast %add3A_351 : i32 to index
          %get3A_482 = arith.index_cast %multiple_of3A_477 : i32 to index
          %get3A_483 = tpu.vector_load %arg10[%get3A_481, %get3A_482] {strides = array<i32>} : memref<8x3712xf32, #tpu.memory_space<vmem>>, vector<16xf32>,
          %sub3A_484 = arith.subf %get3A_480, %get3A_483 : vector<16xf32>
          %mul3A_485 = arith.mulf %sub3A_484, %convert_element_type3A_474 : vector<16xf32>
          %add3A_486 = arith.addf %add3A_433, %mul3A_485 : vector<16xf32>
          %get3A_487 = arith.index_cast %add3A_353 : i32 to index
          %get3A_488 = arith.index_cast %multiple_of3A_477 : i32 to index
          %get3A_489 = tpu.vector_load %arg9[%get3A_487, %get3A_488] {strides = array<i32>} : memref<8x3712xf32, #tpu.memory_space<vmem>>, vector<16xf32>,
          %get3A_490 = arith.index_cast %add3A_353 : i32 to index
          %get3A_491 = arith.index_cast %multiple_of3A_477 : i32 to index
          %get3A_492 = tpu.vector_load %arg10[%get3A_490, %get3A_491] {strides = array<i32>} : memref<8x3712xf32, #tpu.memory_space<vmem>>, vector<16xf32>,
          %sub3A_493 = arith.subf %get3A_489, %get3A_492 : vector<16xf32>
          %mul3A_494 = arith.mulf %sub3A_493, %convert_element_type3A_474 : vector<16xf32>
          %add3A_495 = arith.addf %add3A_442, %mul3A_494 : vector<16xf32>
          %get3A_496 = arith.index_cast %add3A_355 : i32 to index
          %get3A_497 = arith.index_cast %multiple_of3A_477 : i32 to index
          %get3A_498 = tpu.vector_load %arg9[%get3A_496, %get3A_497] {strides = array<i32>} : memref<8x3712xf32, #tpu.memory_space<vmem>>, vector<16xf32>,
          %get3A_499 = arith.index_cast %add3A_355 : i32 to index
          %get3A_500 = arith.index_cast %multiple_of3A_477 : i32 to index
          %get3A_501 = tpu.vector_load %arg10[%get3A_499, %get3A_500] {strides = array<i32>} : memref<8x3712xf32, #tpu.memory_space<vmem>>, vector<16xf32>,
          %sub3A_502 = arith.subf %get3A_498, %get3A_501 : vector<16xf32>
          %mul3A_503 = arith.mulf %sub3A_502, %convert_element_type3A_474 : vector<16xf32>
          %add3A_504 = arith.addf %add3A_451, %mul3A_503 : vector<16xf32>
          %get3A_505 = arith.index_cast %add3A_357 : i32 to index
          %get3A_506 = arith.index_cast %multiple_of3A_477 : i32 to index
          %get3A_507 = tpu.vector_load %arg9[%get3A_505, %get3A_506] {strides = array<i32>} : memref<8x3712xf32, #tpu.memory_space<vmem>>, vector<16xf32>,
          %get3A_508 = arith.index_cast %add3A_357 : i32 to index
          %get3A_509 = arith.index_cast %multiple_of3A_477 : i32 to index
          %get3A_510 = tpu.vector_load %arg10[%get3A_508, %get3A_509] {strides = array<i32>} : memref<8x3712xf32, #tpu.memory_space<vmem>>, vector<16xf32>,
          %sub3A_511 = arith.subf %get3A_507, %get3A_510 : vector<16xf32>
          %mul3A_512 = arith.mulf %sub3A_511, %convert_element_type3A_474 : vector<16xf32>
          %add3A_513 = arith.addf %add3A_460, %mul3A_512 : vector<16xf32>
          %reduce_sum3A_514 = arith.constant true
          %reduce_sum3A_515 = vector.broadcast %reduce_sum3A_514 : i1 to vector<16xi1>
          %reduce_sum3A_516 = tpu.scan <sum>, %add3A_486 masked %reduce_sum3A_515 : vector<16xf32>, vector<16xi1> -> vector<16xf32>
          %reduce_sum3A_517 = vector.extract %reduce_sum3A_516[15] : f32 from vector<16xf32>
          %mul3A_518 = arith.mulf %reduce_sum3A_517, %reduce_sum3A_517 : f32
          %add3A_519 = arith.addf %scan3A_317, %mul3A_518 : f32
          %reduce_sum3A_520 = arith.constant true
          %reduce_sum3A_521 = vector.broadcast %reduce_sum3A_520 : i1 to vector<16xi1>
          %reduce_sum3A_522 = tpu.scan <sum>, %add3A_495 masked %reduce_sum3A_521 : vector<16xf32>, vector<16xi1> -> vector<16xf32>
          %reduce_sum3A_523 = vector.extract %reduce_sum3A_522[15] : f32 from vector<16xf32>
          %mul3A_524 = arith.mulf %reduce_sum3A_523, %reduce_sum3A_523 : f32
          %add3A_525 = arith.addf %add3A_519, %mul3A_524 : f32
          %reduce_sum3A_526 = arith.constant true
          %reduce_sum3A_527 = vector.broadcast %reduce_sum3A_526 : i1 to vector<16xi1>
          %reduce_sum3A_528 = tpu.scan <sum>, %add3A_504 masked %reduce_sum3A_527 : vector<16xf32>, vector<16xi1> -> vector<16xf32>
          %reduce_sum3A_529 = vector.extract %reduce_sum3A_528[15] : f32 from vector<16xf32>
          %mul3A_530 = arith.mulf %reduce_sum3A_529, %reduce_sum3A_529 : f32
          %add3A_531 = arith.addf %add3A_525, %mul3A_530 : f32
          %reduce_sum3A_532 = arith.constant true
          %reduce_sum3A_533 = vector.broadcast %reduce_sum3A_532 : i1 to vector<16xi1>
          %reduce_sum3A_534 = tpu.scan <sum>, %add3A_513 masked %reduce_sum3A_533 : vector<16xf32>, vector<16xi1> -> vector<16xf32>
          %reduce_sum3A_535 = vector.extract %reduce_sum3A_534[15] : f32 from vector<16xf32>
          %mul3A_536 = arith.mulf %reduce_sum3A_535, %reduce_sum3A_535 : f32
          %add3A_537 = arith.addf %add3A_531, %mul3A_536 : f32
          scf.yield %add3A_537 : f32
        }
        %scan3A_315 = arith.constant 9 : i32
        scf.yield %scan3A_314 : f32
      }
      %scan3A_240 = arith.constant 2 : i32
      %add3A_241 = arith.addf %scan3A_160, %scan3A_239 : f32
      %mul3A_242 = arith.mulf %add3A_241, %select_n3A : f32
      %add3A_243 = arith.addf %scan3A_68, %mul3A_242 : f32
      scf.yield %add3A_243 : f32
    }
    %scan3A_27 = arith.constant 4 : i32
    %add3A_28 = arith.constant 128 : i32
    %add3A_29 = arith.addi %add3A, %add3A_28 : i32
    %min3A_30 = arith.constant 121 : i32
    %min3A_31 = arith.minsi %add3A_29, %min3A_30 : i32
    %mul3A_32 = arith.constant 8 : i32
    %mul3A_33 = arith.muli %min3A_31, %mul3A_32 : i32
    %add3A_34 = arith.constant 1024 : i32
    %add3A_35 = arith.addi %mul3A_33, %add3A_34 : i32
    %multiple_of3A_36 = tpu.assume_multiple %add3A_35, 8 : i32
    %dma_wait3A = arith.constant 0 : i32
    %dma_wait3A_37 = arith.constant 0 : i32
    %dma_wait3A_38 = tpu.memref_slice %arg2[%dma_wait3A, %multiple_of3A_36, %dma_wait3A_37] : memref<3x2000x7300xf32, #tpu.memory_space<hbm>> -> memref<1x8x3712xf32, #tpu.memory_space<hbm>>
    %dma_wait3A_39 = tpu.memref_squeeze %dma_wait3A_38 : memref<1x8x3712xf32, #tpu.memory_space<hbm>> -> memref<8x3712xf32, #tpu.memory_space<hbm>>
    %dma_wait3A_40 = arith.constant 0 : i32
    %dma_wait3A_41 = tpu.memref_slice %arg2[%dma_wait3A, %multiple_of3A_36, %dma_wait3A_40] : memref<3x2000x7300xf32, #tpu.memory_space<hbm>> -> memref<1x8x3712xf32, #tpu.memory_space<hbm>>
    %dma_wait3A_42 = tpu.memref_squeeze %dma_wait3A_41 : memref<1x8x3712xf32, #tpu.memory_space<hbm>> -> memref<8x3712xf32, #tpu.memory_space<hbm>>
    tpu.wait_dma2 semaphore(%arg13 : memref<!tpu.dma_semaphore, #tpu.memory_space<semaphore_mem>>) src(%dma_wait3A_42 : memref<8x3712xf32, #tpu.memory_space<hbm>>) dst(%arg7 : memref<8x3712xf32, #tpu.memory_space<vmem>>)
    %dma_wait3A_43 = arith.constant 0 : i32
    %dma_wait3A_44 = arith.constant 0 : i32
    %dma_wait3A_45 = tpu.memref_slice %arg3[%dma_wait3A_43, %multiple_of3A_36, %dma_wait3A_44] : memref<3x2000x7300xf32, #tpu.memory_space<hbm>> -> memref<1x8x3712xf32, #tpu.memory_space<hbm>>
    %dma_wait3A_46 = tpu.memref_squeeze %dma_wait3A_45 : memref<1x8x3712xf32, #tpu.memory_space<hbm>> -> memref<8x3712xf32, #tpu.memory_space<hbm>>
    %dma_wait3A_47 = arith.constant 0 : i32
    %dma_wait3A_48 = tpu.memref_slice %arg3[%dma_wait3A_43, %multiple_of3A_36, %dma_wait3A_47] : memref<3x2000x7300xf32, #tpu.memory_space<hbm>> -> memref<1x8x3712xf32, #tpu.memory_space<hbm>>
    %dma_wait3A_49 = tpu.memref_squeeze %dma_wait3A_48 : memref<1x8x3712xf32, #tpu.memory_space<hbm>> -> memref<8x3712xf32, #tpu.memory_space<hbm>>
    tpu.wait_dma2 semaphore(%arg14 : memref<!tpu.dma_semaphore, #tpu.memory_space<semaphore_mem>>) src(%dma_wait3A_49 : memref<8x3712xf32, #tpu.memory_space<hbm>>) dst(%arg8 : memref<8x3712xf32, #tpu.memory_space<vmem>>)
    %scan3A_50 = arith.constant 0 : i32
    %scan3A_51 = arith.constant 0 : i32
    %scan3A_52 = arith.constant 8 : i32
    %scan3A_53 = arith.addi %scan3A_51, %scan3A_52 : i32
    %scan3A_54 = arith.constant 1 : i32
    scf.for %scan3A_67 = %scan3A_51 to %scan3A_53 step %scan3A_54  : i32 {
      %swap3A_68 = arith.index_cast %scan3A_67 : i32 to index
      %swap3A_69 = arith.constant 0 : index
      %swap3A_70 = tpu.vector_load %arg11[%swap3A_68, %swap3A_69] {strides = array<i32>} : memref<8x16xf32, #tpu.memory_space<vmem>>, vector<16xf32>,
      tpu.vector_store %arg11[%swap3A_68, %swap3A_69], %broadcast_in_dim3A_1 {strides = array<i32>} : memref<8x16xf32, #tpu.memory_space<vmem>>, vector<16xf32>,
    }
    %scan3A_55 = arith.constant 8 : i32
    %jit3A = arith.constant 0 : i32
    %jit3A_56 = arith.constant 1 : i32
    %max3A = vector.broadcast %jit3A : i32 to vector<16xi32>
    %max3A_57 = arith.maxsi %max3A, %iota3A : vector<16xi32>
    %min3A_58 = vector.broadcast %jit3A_56 : i32 to vector<16xi32>
    %min3A_59 = arith.minsi %min3A_58, %max3A_57 : vector<16xi32>
    %sub3A = arith.constant 1 : i32
    %sub3A_60 = vector.broadcast %sub3A : i32 to vector<16xi32>
    %sub3A_61 = arith.subi %sub3A_60, %min3A_59 : vector<16xi32>
    %convert_element_type3A = arith.sitofp %sub3A_61 : vector<16xi32> to vector<16xf32>
    %broadcast_in_dim3A_62 = vector.broadcast %scan3A_26 : f32 to vector<16xf32>
    %mul3A_63 = arith.mulf %broadcast_in_dim3A_62, %convert_element_type3A : vector<16xf32>
    %swap3A = arith.constant 0 : i32
    %swap3A_64 = arith.index_cast %swap3A : i32 to index
    %swap3A_65 = arith.constant 0 : index
    %swap3A_66 = tpu.vector_load %arg11[%swap3A_64, %swap3A_65] {strides = array<i32>} : memref<8x16xf32, #tpu.memory_space<vmem>>, vector<16xf32>,
    tpu.vector_store %arg11[%swap3A_64, %swap3A_65], %mul3A_63 {strides = array<i32>} : memref<8x16xf32, #tpu.memory_space<vmem>>, vector<16xf32>,
    "tpu.region"() ({
      %run_scoped3A = tpu.sem_alloc : memref<!tpu.dma_semaphore, #tpu.memory_space<semaphore_mem>>
      %dma_start3A_67 = arith.constant 0 : i32
      %dma_start3A_68 = arith.constant 0 : i32
      %dma_start3A_69 = tpu.memref_slice %arg6[%add3A, %dma_start3A_67, %dma_start3A_68] : memref<32x8x16xf32, #tpu.memory_space<hbm>> -> memref<1x8x16xf32, #tpu.memory_space<hbm>>
      %dma_start3A_70 = tpu.memref_squeeze %dma_start3A_69 : memref<1x8x16xf32, #tpu.memory_space<hbm>> -> memref<8x16xf32, #tpu.memory_space<hbm>>
      %dma_start3A_71 = arith.constant 0 : i32
      %dma_start3A_72 = arith.constant 0 : i32
      %dma_start3A_73 = tpu.memref_slice %arg6[%add3A, %dma_start3A_71, %dma_start3A_72] : memref<32x8x16xf32, #tpu.memory_space<hbm>> -> memref<1x8x16xf32, #tpu.memory_space<hbm>>
      %dma_start3A_74 = tpu.memref_squeeze %dma_start3A_73 : memref<1x8x16xf32, #tpu.memory_space<hbm>> -> memref<8x16xf32, #tpu.memory_space<hbm>>
      tpu.enqueue_dma source(%arg11 : memref<8x16xf32, #tpu.memory_space<vmem>>) target(%dma_start3A_74 : memref<8x16xf32, #tpu.memory_space<hbm>>) target_semaphore(%run_scoped3A : memref<!tpu.dma_semaphore, #tpu.memory_space<semaphore_mem>>)
      %dma_wait3A_75 = arith.constant 0 : i32
      %dma_wait3A_76 = arith.constant 0 : i32
      %dma_wait3A_77 = tpu.memref_slice %arg6[%add3A, %dma_wait3A_75, %dma_wait3A_76] : memref<32x8x16xf32, #tpu.memory_space<hbm>> -> memref<1x8x16xf32, #tpu.memory_space<hbm>>
      %dma_wait3A_78 = tpu.memref_squeeze %dma_wait3A_77 : memref<1x8x16xf32, #tpu.memory_space<hbm>> -> memref<8x16xf32, #tpu.memory_space<hbm>>
      %dma_wait3A_79 = arith.constant 0 : i32
      %dma_wait3A_80 = arith.constant 0 : i32
      %dma_wait3A_81 = tpu.memref_slice %arg6[%add3A, %dma_wait3A_79, %dma_wait3A_80] : memref<32x8x16xf32, #tpu.memory_space<hbm>> -> memref<1x8x16xf32, #tpu.memory_space<hbm>>
      %dma_wait3A_82 = tpu.memref_squeeze %dma_wait3A_81 : memref<1x8x16xf32, #tpu.memory_space<hbm>> -> memref<8x16xf32, #tpu.memory_space<hbm>>
      tpu.wait_dma2 semaphore(%run_scoped3A : memref<!tpu.dma_semaphore, #tpu.memory_space<semaphore_mem>>) src(%arg11 : memref<8x16xf32, #tpu.memory_space<vmem>>) dst(%dma_wait3A_82 : memref<8x16xf32, #tpu.memory_space<hbm>>)
      tpu.yield
    }) : () -> ()
    return
  }
}

module attributes {stable_mosaic.version = 14 : i64} {
  func.func @tcbody(%arg0: i32, %arg1: memref<1x128x7300xf32, #tpu.memory_space<vmem>>, %arg2: memref<1x128x7300xf32, #tpu.memory_space<vmem>>, %arg3: memref<1x1xf32, #tpu.memory_space<vmem>>) attributes {dimension_semantics = [#tpu.dimension_semantics<arbitrary>], iteration_bounds = array<i64: 8>, scalar_prefetch = 0 : i64, scratch_operands = 0 : i64, tpu.core_type = #tpu.core_type<tc>, window_params = [{transform_indices = @transform_0, window_bounds = array<i64: 1, 128, 7300>}, {transform_indices = @transform_1, window_bounds = array<i64: 1, 128, 7300>}, {pipeline_mode = #tpu.pipeline_mode<synchronous>, transform_indices = @transform_2, window_bounds = array<i64: 1, 1>}]} {
    %get3A = arith.constant 0 : index
    %get3A_0 = arith.constant 0 : index
    %get3A_1 = arith.constant 0 : index
    %get3A_2 = vector.load %arg1[%get3A, %get3A_0, %get3A_1] : memref<1x128x7300xf32, #tpu.memory_space<vmem>>, vector<1x128x7300xf32>
    %get3A_3 = vector.shape_cast %get3A_2 : vector<1x128x7300xf32> to vector<128x7300xf32>
    %get3A_4 = arith.constant 0 : index
    %get3A_5 = arith.constant 0 : index
    %get3A_6 = arith.constant 0 : index
    %get3A_7 = vector.load %arg2[%get3A_4, %get3A_5, %get3A_6] : memref<1x128x7300xf32, #tpu.memory_space<vmem>>, vector<1x128x7300xf32>
    %get3A_8 = vector.shape_cast %get3A_7 : vector<1x128x7300xf32> to vector<128x7300xf32>
    %sub3A = arith.subf %get3A_3, %get3A_8 : vector<128x7300xf32>
    %iota3A = tpu.iota {dimensions = array<i32: 0>} : vector<7300x20xi32>
    %jit3A = arith.constant 365 : i32
    %div3A = vector.broadcast %jit3A : i32 to vector<7300x20xi32>
    %div3A_9 = arith.divsi %iota3A, %div3A : vector<7300x20xi32>
    %sign3A = arith.constant 0 : i32
    %sign3A_10 = vector.broadcast %sign3A : i32 to vector<7300x20xi32>
    %sign3A_11 = arith.cmpi sgt, %iota3A, %sign3A_10 : vector<7300x20xi32>
    %sign3A_12 = arith.extui %sign3A_11 : vector<7300x20xi1> to vector<7300x20xi32>
    %sign3A_13 = arith.constant 0 : i32
    %sign3A_14 = vector.broadcast %sign3A_13 : i32 to vector<7300x20xi32>
    %sign3A_15 = arith.cmpi slt, %iota3A, %sign3A_14 : vector<7300x20xi32>
    %sign3A_16 = arith.extui %sign3A_15 : vector<7300x20xi1> to vector<7300x20xi32>
    %sign3A_17 = arith.subi %sign3A_12, %sign3A_16 : vector<7300x20xi32>
    %sign3A_18 = arith.constant 0 : i32
    %sign3A_19 = arith.cmpi sgt, %jit3A, %sign3A_18 : i32
    %sign3A_20 = arith.extui %sign3A_19 : i1 to i32
    %sign3A_21 = arith.constant 0 : i32
    %sign3A_22 = arith.cmpi slt, %jit3A, %sign3A_21 : i32
    %sign3A_23 = arith.extui %sign3A_22 : i1 to i32
    %sign3A_24 = arith.subi %sign3A_20, %sign3A_23 : i32
    %ne3A = vector.broadcast %sign3A_24 : i32 to vector<7300x20xi32>
    %ne3A_25 = arith.cmpi ne, %sign3A_17, %ne3A : vector<7300x20xi32>
    %rem3A = vector.broadcast %jit3A : i32 to vector<7300x20xi32>
    %rem3A_26 = arith.remsi %iota3A, %rem3A : vector<7300x20xi32>
    %ne3A_27 = arith.constant 0 : i32
    %ne3A_28 = vector.broadcast %ne3A_27 : i32 to vector<7300x20xi32>
    %ne3A_29 = arith.cmpi ne, %rem3A_26, %ne3A_28 : vector<7300x20xi32>
    %and3A = arith.andi %ne3A_25, %ne3A_29 : vector<7300x20xi1>
    %sub3A_30 = arith.constant 1 : i32
    %sub3A_31 = vector.broadcast %sub3A_30 : i32 to vector<7300x20xi32>
    %sub3A_32 = arith.subi %div3A_9, %sub3A_31 : vector<7300x20xi32>
    %select_n3A = arith.select %and3A, %sub3A_32, %div3A_9 : vector<7300x20xi1>, vector<7300x20xi32>
    %iota3A_33 = tpu.iota {dimensions = array<i32: 1>} : vector<7300x20xi32>
    %eq3A = arith.cmpi eq, %select_n3A, %iota3A_33 : vector<7300x20xi32>
    %convert_element_type3A = arith.extui %eq3A : vector<7300x20xi1> to vector<7300x20xi32>
    %convert_element_type3A_34 = arith.sitofp %convert_element_type3A : vector<7300x20xi32> to vector<7300x20xf32>
    %dot_general3A = arith.constant dense<0.000000e+00> : vector<128x20xf32>
    %dot_general3A_35 = tpu.matmul %sub3A, %convert_element_type3A_34, %dot_general3A {dimension_numbers = #tpu.dot_dimension_numbers<[1], [0], [0], [1], [0, 0, 1, 1], [], []>, precision = #tpu.contract_precision<fp32>, transpose_lhs_hint = false} : vector<128x7300xf32>, vector<7300x20xf32>, vector<128x20xf32> -> vector<128x20xf32>
    %mul3A = arith.mulf %dot_general3A_35, %dot_general3A_35 : vector<128x20xf32>
    %reduce_sum3A = vector.shape_cast %mul3A : vector<128x20xf32> to vector<1x128x20xf32>
    %reduce_sum3A_36 = arith.constant dense<0.000000e+00> : vector<1xf32>
    %reduce_sum3A_37 = vector.multi_reduction <add>, %reduce_sum3A, %reduce_sum3A_36 [1, 2] : vector<1x128x20xf32> to vector<1xf32>
    %reduce_sum3A_38 = vector.shape_cast %reduce_sum3A_37 : vector<1xf32> to vector<1x1x1xf32>
    %reduce_sum3A_39 = vector.extract %reduce_sum3A_38[0, 0, 0] : f32 from vector<1x1x1xf32>
    %eq3A_40 = arith.constant 0 : i32
    %eq3A_41 = arith.cmpi eq, %arg0, %eq3A_40 : i32
    %convert_element_type3A_42 = arith.extui %eq3A_41 : i1 to i32
    %cond3A = arith.constant 0 : i32
    %cond3A_43 = arith.cmpi ne, %convert_element_type3A_42, %cond3A : i32
    scf.if %cond3A_43 {
      %broadcast_in_dim3A_49 = arith.constant 0.000000e+00 : f32
      %broadcast_in_dim3A_50 = vector.broadcast %broadcast_in_dim3A_49 : f32 to vector<1x1xf32>
      %swap3A_51 = arith.constant 0 : index
      %swap3A_52 = arith.constant 0 : index
      %swap3A_53 = vector.load %arg3[%swap3A_51, %swap3A_52] : memref<1x1xf32, #tpu.memory_space<vmem>>, vector<1x1xf32>
      tpu.vector_store %arg3[%swap3A_51, %swap3A_52], %broadcast_in_dim3A_50 {strides = array<i32>} : memref<1x1xf32, #tpu.memory_space<vmem>>, vector<1x1xf32>,
    } else {
    }
    %get3A_44 = arith.constant 0 : index
    %get3A_45 = arith.constant 0 : index
    %get3A_46 = vector.load %arg3[%get3A_44, %get3A_45] : memref<1x1xf32, #tpu.memory_space<vmem>>, vector<1x1xf32>
    %broadcast_in_dim3A = vector.broadcast %reduce_sum3A_39 : f32 to vector<1x1xf32>
    %add3A = arith.addf %get3A_46, %broadcast_in_dim3A : vector<1x1xf32>
    %swap3A = arith.constant 0 : index
    %swap3A_47 = arith.constant 0 : index
    %swap3A_48 = vector.load %arg3[%swap3A, %swap3A_47] : memref<1x1xf32, #tpu.memory_space<vmem>>, vector<1x1xf32>
    tpu.vector_store %arg3[%swap3A, %swap3A_47], %add3A {strides = array<i32>} : memref<1x1xf32, #tpu.memory_space<vmem>>, vector<1x1xf32>,
    return
  }
  func.func @transform_0(%arg0: i32) -> (i32, i32, i32) {
    %c0_i32 = arith.constant 0 : i32
    %c0_i32_0 = arith.constant 0 : i32
    %c0_i32_1 = arith.constant 0 : i32
    return %c0_i32, %arg0, %c0_i32_0 : i32, i32, i32
  }
  func.func @transform_1(%arg0: i32) -> (i32, i32, i32) {
    %c0_i32 = arith.constant 0 : i32
    %c0_i32_0 = arith.constant 0 : i32
    %c0_i32_1 = arith.constant 0 : i32
    return %c0_i32, %arg0, %c0_i32_0 : i32, i32, i32
  }
  func.func @transform_2(%arg0: i32) -> (i32, i32) {
    %c0_i32 = arith.constant 0 : i32
    %c0_i32_0 = arith.constant 0 : i32
    %c0_i32_1 = arith.constant 0 : i32
    return %c0_i32, %c0_i32_0 : i32, i32
  }
}

</mosaic_0001>

<sc_bundles>
// kernel: kernel.4.cloned.1.call-start
scs
__scs_entry_jumppad:
0x0: {  	(pc) =	sbr.rel $0x88, $3  }
0x1: {  	(tag) =	ssettag $0x0;
	lr =	simm.s32 $0x1  }
0x2: {  	[smem:$0x3F9F] =	sst lr;
	_ =	strace $0xD0000000  }
0x3: {  	_ = 	snop  }
0x4: {  	_ = 	snop  }
0x5: {  	_ = 	snop  }
0x6: {  	_ = 	snop  }
0x7: {  	_ = 	snop  }
__scs_overlays_trampoline_lowered:
0x8: {  	[smem:$0x3FAE] =	sst s0  }
0x9: {  	[smem:$0x3FAF] =	sst s1  }
0xa: {  	[smem:$0x3FB0] =	sst s2  }
0xb: {  	[smem:$0x3FB1] =	sst s3  }
0xc: {  	[smem:$0x3FB2] =	sst s4  }
0xd: {  	[smem:$0x3FB3] =	sst s5  }
0xe: {  	[smem:$0x3FB4] =	sst s6  }
0xf: {  	[smem:$0x3FB5] =	sst s7  }
0x10: {  	[smem:$0x3FB6] =	sst s8  }
0x11: {  	[smem:$0x3FB7] =	sst s9;
	s0 =	simm.s32 @!p0 $0x0  }
0x12: {  	s1 =	sld [smem:$0x3F9D];
	s0 =	simm.s32 @p0 $0x1  }
0x13: {  	[smem:$0x3FB8] =	sst s0;
	s0 =	simm.s32 @!p1 $0x0  }
0x14: {  	s2 =	sld [smem:$0x3F9C];
	s0 =	simm.s32 @p1 $0x1  }
0x15: {  	[smem:$0x3FB9] =	sst s0;
	s0 =	simm.s32 @!p2 $0x0  }
0x16: {  	s3 =	sld [smem:$0x3FDB];
	s0 =	simm.s32 @p2 $0x1  }
0x17: {  	s4 =	simm.s32 $0x1BF5;
	[smem:$0x3FBB] =	sst s0  }
0x18: {  	s0 =	sld [smem:$0x3F9E];
	_ =	swait.ge [sflag:s4], $0x0  }
0x19: {  	s7 =	sld [smem:$0x3F9F]  }
0x1a: {  	s8 =	sadd.s32 $0xFFFFE003, lr  }
0x1b: {  	s9 =	sadd.s32 $0xFFFFFEF7, lr;
	s5 =	simm.s32 $0xFFFFFFFF;
	p2 =	slt.u32 s8, $0xFFFFF086  }
0x1c: {  	p1 =	slt.u32 s9, $0xF7A;
	s5 =	simm.s32 @!p2 $0x0  }
0x1d: {  	s5 =	simm.s32 @p1 $0x1;
	p0 =	seq.s32 s7, s2  }
0x1e: {  	s7 =	smul.u32 @!p0 $0xF7A, s2;
	p2 =	seq.s32 @!p0 s5, $0x0  }
0x1f: {  	s9 =	smul.u32 $0xF7A, s1;
	s8 =	simm.s32 @!p0 $0x1BF5;
	p2 =	por !p2, p0  }
0x20: {  	[sflag:s8] =	ssyncset.s32 @!p0 $0xFFFFF086;
	s6 =	sadd.s32 @!p0 s3, s7;
	s7 =	simm.s32 @!p0 $0x108  }
0x21: {  	s3 =	sadd.s32 s3, s9;
	s6 =	sadd.s32 @!p0 $0x88, s6;
	s7 =	simm.s32 @p2 $0x1082  }
0x22: {  	[simem:s7], [sflag:s8] =	dma.local @!p0 [hbm:s6], $0xF7A  }
0x23: {  	s9 =	sor.u32 $0xD0000000, s2;
	s6 =	simm.s32 $0x108;
	_ =	swait.ge @!p0 [sflag:s8], $0x0  }
0x24: {  	s3 =	sadd.s32 $0x88, s3;
	s6 =	simm.s32 @!p1 $0x1082;
	[sflag:s4] =	ssyncset.s32 $0xFFFFF086  }
0x25: {  	[simem:s6], [sflag:s4] =	dma.local [hbm:s3], $0xF7A  }
0x26: {  	[smem:$0x3F9F] =	sst s1;
	(tag) =	ssettag s2;
	_ =	strace s9  }
0x27: {  	s1 =	sld [smem:$0x3FAF]  }
0x28: {  	s2 =	sld [smem:$0x3FB0]  }
0x29: {  	s4 =	sld [smem:$0x3FB2]  }
0x2a: {  	p0 =	seq.s32 s5, $0x0;
	s5 =	sld [smem:$0x3FB3]  }
0x2b: {  	s6 =	sld [smem:$0x3FB4]  }
0x2c: {  	s7 =	sld [smem:$0x3FB5]  }
0x2d: {  	s3 =	simm.s32 $0x108;
	s8 =	sld [smem:$0x3FB6]  }
0x2e: {  	s3 =	simm.s32 @!p0 $0x1082;
	s9 =	sld [smem:$0x3FB7]  }
0x2f: {  	lr =	sadd.s32 s0, s3;
	s0 =	sld [smem:$0x3FAE]  }
0x30: {  	s3 =	sld [smem:$0x3FB1]  }
0x31: {  	[smem:$0x3FBA] =	sst s10  }
0x32: {  	s10 =	sld [smem:$0x3FB8];
	_ =	sdelay $0x3  }
0x33: {  	p0 =	seq.s32 s10, $0x1;
	s10 =	sld [smem:$0x3FBA];
	_ =	sdelay $0x3  }
0x34: {  	[smem:$0x3FBA] =	sst s10  }
0x35: {  	s10 =	sld [smem:$0x3FB9];
	_ =	sdelay $0x3  }
0x36: {  	p1 =	seq.s32 s10, $0x1;
	s10 =	sld [smem:$0x3FBA];
	_ =	sdelay $0x3  }
0x37: {  	[smem:$0x3FBA] =	sst s10  }
0x38: {  	s10 =	sld [smem:$0x3FBB]  }
0x39: {  	_ = 	snop;
	(pc) =	sbr.ind lr, $3  }
0x3a: {  	_ = 	snop  }
0x3b: {  	_ = 	snop  }
0x3c: {  	p2 =	seq.s32 s10, $0x1;
	s10 =	sld [smem:$0x3FBA]  }
0x3d: {  	_ =	shalt  }
0x3e: {  	_ =	shalt  }
0x3f: {  	_ =	shalt  }
0x40: {  	_ =	shalt  }
0x41: {  	_ =	shalt  }
0x42: {  	_ =	shalt  }
0x43: {  	_ =	shalt  }
0x44: {  	_ =	shalt  }
0x45: {  	_ =	shalt  }
0x46: {  	_ =	shalt  }
0x47: {  	_ =	shalt  }
0x48: {  	_ =	shalt  }
0x49: {  	_ =	shalt  }
0x4a: {  	_ =	shalt  }
0x4b: {  	_ =	shalt  }
0x4c: {  	_ =	shalt  }
0x4d: {  	_ =	shalt  }
0x4e: {  	_ =	shalt  }
0x4f: {  	_ =	shalt  }
0x50: {  	_ =	shalt  }
0x51: {  	_ =	shalt  }
0x52: {  	_ =	shalt  }
0x53: {  	_ =	shalt  }
0x54: {  	_ =	shalt  }
0x55: {  	_ =	shalt  }
0x56: {  	_ =	shalt  }
0x57: {  	_ =	shalt  }
0x58: {  	_ =	shalt  }
0x59: {  	_ =	shalt  }
0x5a: {  	_ =	shalt  }
0x5b: {  	_ =	shalt  }
0x5c: {  	_ =	shalt  }
0x5d: {  	_ =	shalt  }
0x5e: {  	_ =	shalt  }
0x5f: {  	_ =	shalt  }
0x60: {  	_ =	shalt  }
0x61: {  	_ =	shalt  }
0x62: {  	_ =	shalt  }
0x63: {  	_ =	shalt  }
0x64: {  	_ =	shalt  }
0x65: {  	_ =	shalt  }
0x66: {  	_ =	shalt  }
0x67: {  	_ =	shalt  }
0x68: {  	_ =	shalt  }
0x69: {  	_ =	shalt  }
0x6a: {  	_ =	shalt  }
0x6b: {  	_ =	shalt  }
0x6c: {  	_ =	shalt  }
0x6d: {  	_ =	shalt  }
0x6e: {  	_ =	shalt  }
0x6f: {  	_ =	shalt  }
0x70: {  	_ =	shalt  }
0x71: {  	_ =	shalt  }
0x72: {  	_ =	shalt  }
0x73: {  	_ =	shalt  }
0x74: {  	_ =	shalt  }
0x75: {  	_ =	shalt  }
0x76: {  	_ =	shalt  }
0x77: {  	_ =	shalt  }
0x78: {  	_ =	shalt  }
0x79: {  	_ =	shalt  }
0x7a: {  	_ =	shalt  }
0x7b: {  	_ =	shalt  }
0x7c: {  	_ =	shalt  }
0x7d: {  	_ =	shalt  }
0x7e: {  	_ =	shalt  }
0x7f: {  	_ =	shalt  }
0x80: {  	_ =	shalt  }
0x81: {  	_ =	shalt  }
0x82: {  	_ =	shalt  }
0x83: {  	_ =	shalt  }
0x84: {  	_ =	shalt  }
0x85: {  	_ =	shalt  }
0x86: {  	_ =	shalt  }
0x87: {  	_ =	shalt  }
.Lfunc_end0:
.L_simem_size_0:
called_computation_lowered:
.L_overlay_start_0:
0x88: {  	s2 =	sld [smem:$0x3FD9]  }
0x89: {  	s3 =	sld [smem:$0x3FFE];
	_ =	sdelay $0x1  }
0x8a: {  	s1 =	srdreg.scid  }
0x8b: {  	s0 =	sand.u32 $0x1, s1  }
0x8c: {  	s17 =	sshll.u32 s0, $0xA;
	s2 =	sadd.s32 s3, s2  }
0x8d: {  	s2 =	sadd.s32 s2, s17  }
0x8e: {  	[smem:$0x3FC6] =	sst s2  }
0x8f: {  	_ = 	snop  }
0x90: {  	s2 =	sld [smem:$0x3FC9]  }
0x91: {  	s18 =	sld [smem:$0x3FC8];
	(tm) =	ssettm $0x1  }
0x92: {  	s4 =	sld [smem:$0x3FFB];
	_ =	sdelay $0x3  }
0x93: {  	_ =	strace s4  }
0x94: {  	s4 =	sld [smem:$0x3FFC];
	_ =	sdelay $0x3  }
0x95: {  	_ =	strace s4  }
0x96: {  	s4 =	sld [smem:$0x3FFD];
	_ =	sdelay $0x3  }
0x97: {  	_ =	strace s4  }
0x98: {  	_ =	strace $0x8FFFFFFF  }
0x99: {  	s19 =	sld [smem:$0x3FDB];
	_ =	sdelay $0x1  }
0x9a: {  	s5 =	simm.s32 $_scs_section_size  }
0x9b: {  	s6 =	simm.s32 $_size__tile_overlayer_lowered;
	s7 =	simm.s32 $_tile_overlayer_lowered  }
0x9c: {  	s22 =	simm.s32 $0x1BFF;
	s21 =	sshll.u32 s7, $0x1;
	s4 =	sadd.s32 s5, s19  }
0x9d: {  	s8 =	simm.s32 $0x0;
	s20 =	sshll.u32 s6, $0x1;
	s6 =	sadd.s32 s21, s4  }
0x9e: {  	[timem:s8], [sflag:s22] =	dma.local [hbm:s6], s20  }
0x9f: {  	_ =	swait.ge [sflag:s22], s20  }
0xa0: {  	s5 =	ssub.s32 $0x0, s20;
	[sflag:s22] =	ssyncset.done $0x0  }
0xa1: {  	[sflag:s22] =	ssyncadd.s32 s5;
	_ =	sdelay $0x1  }
0xa2: {  	s23 =	simm.s32 $0x1B8B  }
0xa3: {  	_ =	swait.ge [sflag:s23], $0x1  }
0xa4: {  	[sflag:s23] =	ssyncset.done $0x0  }
0xa5: {  	s25 =	simm.s32 $0x1B8E;
	s24 =	sld [smem:$0x3FFE];
	[sflag:s23] =	ssyncadd.s32 $0xFFFFFFFF  }
0xa6: {  	s26 =	simm.s32 $execute0_lowered;
	[smem:$0x3FD2] =	sst s25  }
0xa7: {  	s6 =	sshll.u32 s26, $0x1;
	_ =	strace $0x80000046;
	[dreg:$0x1] =	wrdreg $0xFFFFFFFF  }
0xa8: {  	s28 =	simm.s32 $_size_execute0_lowered;
	s4 =	sadd.s32 s4, s6;
	[dreg:$0x0] =	wrdreg $0x0  }
0xa9: {  	s6 =	sshll.u32 s28, $0x1;
	[dreg:$0x2] =	wrdreg s4  }
0xaa: {  	[dreg:$0x3] =	wrdreg s6  }
0xab: {  	[dreg:$0x4] =	wrdreg $0xC0  }
0xac: {  	_ =	task [dreg:s8], $0x5FFFF  }
0xad: {  	[dreg:$0x1] =	wrdreg $0xFFFFFFFF  }
0xae: {  	[dreg:$0x0] =	wrdreg $0x60  }
0xaf: {  	[dreg:$0x2] =	wrdreg s2  }
0xb0: {  	[dreg:$0x3] =	wrdreg s18  }
0xb1: {  	[dreg:$0x4] =	wrdreg s24  }
0xb2: {  	[dreg:$0x5] =	wrdreg $0x9  }
0xb3: {  	_ =	task.clear_ibuf [dreg:s8], $0x6FFFF;
	_ =	strace $0x90000046  }
0xb4: {  	s29 =	simm.s32 $0x9;
	_ =	strace $0x80000048  }
0xb5: {  	_ =	swait.ge [sflag:s29], $0x1  }
0xb6: {  	[sflag:s29] =	ssyncadd.s32 $0xFFFFFFFF  }
0xb7: {  	_ =	strace $0x90000048  }
0xb8: {  	_ =	sfence  }
0xb9: {  	s30 =	sld [smem:$0x0];
	_ =	sdelay $0x2  }
0xba: {  	s31 =	sshll.u32 s1, $0xD;
	s1 =	sshrl.u32 s1, $0x2  }
0xbb: {  	s3 =	sand.u32 $0x4000, s31;
	s1 =	sadd.s32 s1, s30  }
0xbc: {  	s0 =	sor.u32 s3, s0;
	s1 =	sshll.u32 s1, $0x11  }
0xbd: {  	s0 =	sor.u32 s1, s0  }
0xbe: {  	s0 =	sadd.s32 $0x8F2B, s0  }
0xbf: {  	[sflag:s0] =	ssyncadd.remote.s32 $0x1  }
0xc0: {  	_ =	sfence.sel $0xFFFF  }
0xc1: {  	[dreg:$0x0] =	wrdreg $0xFFFFFFFF;
	(pc) =	sbr.abs _section_cstart, $3  }
0xc2: {  	[dreg:$0x1] =	wrdreg $0xFFFFFFFF  }
0xc3: {  	_ =	task.clear_ibuf [dreg:s8], $0x2FFFF;
	_ =	strace $0x9FFFFFFF  }
0xc4: {  	(tm) =	ssettm $0x7FFFFFFF  }
0xc5: {  	_ =	shalt  }
tec
execute0_lowered:
.L_overlay_start_1:
0x0: {  	(tag) =	ssettag $0x1  }
0x1: {  	s1 =	rddreg [dreg:$0x0]  }
0x2: {  	s3 =	rddreg [dreg:$0x1];
	s0 =	srdreg.scid  }
0x3: {  	s2 =	stileid.u32;
	s8 =	rddreg [dreg:$0x2]  }
0x4: {  	s9 =	simm.s32 $0x0;
	s0 =	sand.u32 $0x1, s0;
	s2 =	sshll.u32 s2, $0x1  }
0x5: {  	s13 =	simm.s32 $0x1;
	s14 =	simm.s32 $0x2;
	s6 =	sor.u32 s0, s2  }
0x6: {  	[smem:$0x7FF] =	sst s9;
	s0 =	ssub.s32 $0x2, s0;
	s4 =	sshll.u32 s6, $0x7  }
0x7: {  	s2 =	smul.u32 $0x1D00, s6;
	s5 =	sshrl.u32 s0, $0x1;
	s4 =	sadd.s32 s4, s8  }
0x8: {  	_ =	strace $0x80000047;
	s0 =	ssub.s32 s0, s5;
	s31 =	sadd.s32 $0xFC00, s4  }
0x9: {  	s2 =	sadd.s32 $0xE8000, s2;
	s0 =	smax.u32 s0, $0x1;
	[dreg:$0x8] =	wrdreg s31  }
0xa: {  	s19 =	simm.s32 $0x3;
	v1 =	vimm.f32 $0.0e+00;
	vm0 =	vcmask $0x300;
	s30 =	sadd.s32 s1, s2;
	[dreg:$0x9] =	wrdreg s0  }
0xb: {  	v0 =	vlaneseq.u32;
	s20 =	simm.s32 $0x4;
	v1 =	vsel vm0, $0x3F800000, v1;
	s2 =	sadd.s32 s3, s2;
	[dreg:$0x6] =	wrdreg s30  }
0xc: {  	v2 =	vimm.s32 $0x0;
	s7 =	sadd.s32 $0x7E00, s8;
	v3 =	vmul.u32 $0xFFFFFFFF, v0;
	[tilespmem:$0x1FFF0] =	vst v1;
	s4 =	simm.s32 $0x0;
	[dreg:$0x7] =	wrdreg s2  }
.LBB2_1:
0xd: {  	[dreg:$0xa] =	wrdreg s4  }
0xe: {  	s0 =	rddreg [dreg:$0x6]  }
0xf: {  	s31 =	rddreg [dreg:$0x7]  }
0x10: {  	[tilespmem:s9], [sflag:$0x1] =	stream.linear.gather [hbm4b:s0+s9], $0x7400, $0x38;
	[tilespmem:$0x1D400] =	vst v63  }
0x11: {  	s2 =	simm.s32 $0x7400;
	s24 =	simm.f32 $0.0e+00;
	s25 =	simm.s32 $0x0  }
0x12: {  	[tilespmem:s2], [sflag:$0x2] =	stream.linear.gather [hbm4b:s31+s9], $0x7400, $0x38;
	[tilespmem:$0x1D400] =	vst v63  }
.LBB2_2:
0x13: {  	s0 =	sshll.u32 s25, $0x5  }
0x14: {  	s26 =	sor.u32 s6, s0  }
0x15: {  	s0 =	smin.u32 s26, $0x79  }
0x16: {  	_ =	swait.ge [sflag:s13], $0x7400;
	s0 =	sor.u32 $0x80, s0  }
0x17: {  	[sflag:s13] =	ssyncset.done $0x0;
	s2 =	smul.u32 $0xE800, s0  }
0x18: {  	[sflag:s13] =	ssyncadd.s32 $0xFFFF8C00  }
0x19: {  	s8 =	simm.s32 $0xE800;
	_ =	swait.ge [sflag:s14], $0x7400;
	s2 =	sshrl.u32 s2, $0x3  }
0x1a: {  	s23 =	simm.s32 $0x15C00;
	[sflag:s14] =	ssyncset.done $0x0;
	s4 =	sadd.s32 $0xE80, s2  }
0x1b: {  	[sflag:s14] =	ssyncadd.s32 $0xFFFF8C00;
	s2 =	simm.s32 $0x0;
	s5 =	sadd.s32 s1, s4  }
0x1c: {  	[tilespmem:s8], [sflag:$0x3] =	stream.linear.gather [hbm4b:s5+s2], $0x7000, $0x38;
	[tilespmem:$0x1D400] =	vst v63  }
0x1d: {  	s0 =	sshll.u32 s0, $0x7;
	s29 =	rddreg [dreg:$0x2];
	s4 =	sadd.s32 s3, s4  }
0x1e: {  	[tilespmem:s23], [sflag:$0x4] =	stream.linear.gather [hbm4b:s4+s2], $0x7000, $0x38;
	[tilespmem:$0x1D400] =	vst v63  }
0x1f: {  	s30 =	simm.s32 $0x15800;
	s31 =	simm.s32 $0x1CC00;
	s4 =	sadd.s32 s29, s0  }
0x20: {  	[tilespmem:s30], [sflag:$0x3] =	stream.linear.gather [hbm4b:s4+s2], $0x400, $0x38;
	[tilespmem:$0x1D400] =	vst v63  }
0x21: {  	p1 =	por $0x1, $0x1;
	s28 =	simm.f32 $0.0e+00;
	s0 =	sadd.s32 s7, s0  }
0x22: {  	[tilespmem:s31], [sflag:$0x4] =	stream.linear.gather [hbm4b:s0+s2], $0x400, $0x38;
	[tilespmem:$0x1D400] =	vst v63  }
.LBB2_3:
0x23: {  	s0 =	sshll.u32 s2, $0x9  }
0x24: {  	p0 =	por p1, p1;
	s8 =	simm.s32 $0x0;
	s9 =	simm.s32 $0x0  }
0x25: {  	s21 =	sor.u32 $0x80, s0;
	s29 =	sor.u32 $0x100, s0;
	s30 =	sor.u32 $0x180, s0  }
.LBB2_4:
0x26: {  	s10 =	smul.u32 $0x16D, s9  }
0x27: {  	s4 =	smul.u32 $0xB68, s9;
	_ =	sdelay $0x1  }
0x28: {  	s5 =	sand.u32 $0x70, s10;
	s4 =	sand.u32 $0x7C00, s4  }
0x29: {  	s4 =	sor.u32 s4, s5  }
0x2a: {  	s5 =	sor.u32 s0, s4  }
0x2b: {  	s11 =	sand.u32 $0xFFFFFFF0, s8;
	v15 =	vld [tilespmem:s5+$0x0]  }
0x2c: {  	[dreg:$0x4] =	wrdreg s11;
	s12 =	sor.u32 s21, s4;
	v16 =	vld [tilespmem:s5+$0x7400]  }
0x2d: {  	s15 =	sshll.u32 s8, $0x3;
	s11 =	rddreg [dreg:$0x4];
	v17 =	vld [tilespmem:s12+$0x0]  }
0x2e: {  	s15 =	sand.u32 $0xFFFFFF80, s15;
	s16 =	sor.u32 s29, s4;
	v18 =	vld [tilespmem:s12+$0x7400];
	s5 =	sadd.s32 $0x0, s11  }
0x2f: {  	s31 =	sadd.s32 $0x380, s15;
	v20 =	vld [tilespmem:s16+$0x0];
	s11 =	sadd.s32 $0x70, s5  }
0x30: {  	s15 =	sand.u32 $0x1FC00, s31;
	s4 =	sor.u32 s30, s4;
	v21 =	vld [tilespmem:s16+$0x7400];
	s11 =	sand.u32 $0x70, s11  }
0x31: {  	v36 =	vld [tilespmem:s4+$0x0];
	s11 =	sor.u32 s11, s15  }
0x32: {  	v37 =	vld [tilespmem:s4+$0x7400];
	s16 =	sor.u32 s0, s11  }
0x33: {  	v39 =	vld [tilespmem:s16+$0x0]  }
0x34: {  	s17 =	sor.u32 s21, s11;
	v41 =	vld [tilespmem:s16+$0x7400]  }
0x35: {  	v54 =	vld [tilespmem:s17+$0x0]  }
0x36: {  	s18 =	sor.u32 s29, s11;
	v55 =	vld [tilespmem:s17+$0x7400]  }
0x37: {  	s23 =	sadd.s32 $0xFFFFFF80, s31;
	s22 =	sadd.s32 $0x60, s5;
	v5 =	vld [tilespmem:s18+$0x0]  }
0x38: {  	s15 =	sand.u32 $0x70, s22;
	s11 =	sor.u32 s30, s11;
	s16 =	sand.u32 $0x1FC00, s23;
	v6 =	vld [tilespmem:s18+$0x7400]  }
0x39: {  	v7 =	vld [tilespmem:s11+$0x0];
	s12 =	sor.u32 s15, s16  }
0x3a: {  	v9 =	vld [tilespmem:s11+$0x7400];
	s15 =	sor.u32 s0, s12  }
0x3b: {  	v8 =	vld [tilespmem:s15+$0x0]  }
0x3c: {  	s17 =	sor.u32 s21, s12;
	v10 =	vld [tilespmem:s15+$0x7400]  }
0x3d: {  	v11 =	vld [tilespmem:s17+$0x0]  }
0x3e: {  	s18 =	sor.u32 s29, s12;
	v12 =	vld [tilespmem:s17+$0x7400]  }
0x3f: {  	s22 =	sadd.s32 $0x50, s5;
	s23 =	sadd.s32 $0xFFFFFF00, s31;
	v13 =	vld [tilespmem:s18+$0x0]  }
0x40: {  	s16 =	sand.u32 $0x1FC00, s23;
	s11 =	sor.u32 s30, s12;
	s15 =	sand.u32 $0x70, s22;
	v14 =	vld [tilespmem:s18+$0x7400]  }
0x41: {  	v19 =	vld [tilespmem:s11+$0x0];
	s12 =	sor.u32 s15, s16  }
0x42: {  	v23 =	vld [tilespmem:s11+$0x7400];
	s15 =	sor.u32 s0, s12  }
0x43: {  	v22 =	vld [tilespmem:s15+$0x0]  }
0x44: {  	s17 =	sor.u32 s21, s12;
	v24 =	vld [tilespmem:s15+$0x7400]  }
0x45: {  	v25 =	vld [tilespmem:s17+$0x0]  }
0x46: {  	s18 =	sor.u32 s29, s12;
	v26 =	vld [tilespmem:s17+$0x7400]  }
0x47: {  	s23 =	sadd.s32 $0xFFFFFE80, s31;
	s22 =	sadd.s32 $0x40, s5;
	v27 =	vld [tilespmem:s18+$0x0]  }
0x48: {  	s16 =	sand.u32 $0x1FC00, s23;
	s11 =	sor.u32 s30, s12;
	s15 =	sand.u32 $0x70, s22;
	v28 =	vld [tilespmem:s18+$0x7400]  }
0x49: {  	v30 =	vld [tilespmem:s11+$0x0];
	s12 =	sor.u32 s15, s16  }
0x4a: {  	v33 =	vld [tilespmem:s11+$0x7400];
	s15 =	sor.u32 s0, s12  }
0x4b: {  	v29 =	vld [tilespmem:s15+$0x0]  }
0x4c: {  	s17 =	sor.u32 s21, s12;
	v31 =	vld [tilespmem:s15+$0x7400]  }
0x4d: {  	v32 =	vld [tilespmem:s17+$0x0]  }
0x4e: {  	s18 =	sor.u32 s29, s12;
	v34 =	vld [tilespmem:s17+$0x7400]  }
0x4f: {  	s23 =	sadd.s32 $0xFFFFFE00, s31;
	s22 =	sadd.s32 $0x30, s5;
	v35 =	vld [tilespmem:s18+$0x0]  }
0x50: {  	s16 =	sand.u32 $0x1FC00, s23;
	s11 =	sor.u32 s30, s12;
	s15 =	sand.u32 $0x70, s22;
	v38 =	vld [tilespmem:s18+$0x7400]  }
0x51: {  	v40 =	vld [tilespmem:s11+$0x0];
	s12 =	sor.u32 s15, s16  }
0x52: {  	v43 =	vld [tilespmem:s11+$0x7400];
	s15 =	sor.u32 s0, s12  }
0x53: {  	v42 =	vld [tilespmem:s15+$0x0]  }
0x54: {  	s17 =	sor.u32 s21, s12;
	v44 =	vld [tilespmem:s15+$0x7400]  }
0x55: {  	v45 =	vld [tilespmem:s17+$0x0]  }
0x56: {  	s18 =	sor.u32 s29, s12;
	v46 =	vld [tilespmem:s17+$0x7400]  }
0x57: {  	s23 =	sadd.s32 $0xFFFFFD80, s31;
	s22 =	sadd.s32 $0x20, s5;
	v47 =	vld [tilespmem:s18+$0x0]  }
0x58: {  	s16 =	sand.u32 $0x1FC00, s23;
	s12 =	sor.u32 s30, s12;
	s15 =	sand.u32 $0x70, s22;
	v48 =	vld [tilespmem:s18+$0x7400]  }
0x59: {  	v49 =	vld [tilespmem:s12+$0x0];
	s15 =	sor.u32 s15, s16  }
0x5a: {  	s11 =	sand.u32 $0x1FF0, s10;
	v51 =	vld [tilespmem:s12+$0x7400];
	s16 =	sor.u32 s0, s15  }
0x5b: {  	s17 =	ssub.s32 s11, s10;
	v50 =	vld [tilespmem:s16+$0x0]  }
0x5c: {  	s4 =	sadd.s32 $0x1, s17;
	s18 =	sor.u32 s21, s15;
	v52 =	vld [tilespmem:s16+$0x7400]  }
0x5d: {  	v56 =	vadd.s32 s4, v0;
	v53 =	vld [tilespmem:s18+$0x0]  }
0x5e: {  	v15 =	vsub.f32 v15, v16;
	s22 =	sor.u32 s29, s15;
	vm0 =	vgt.s32 v56, $0x0;
	v56 =	vld [tilespmem:s18+$0x7400]  }
0x5f: {  	v16 =	vsub.f32 v17, v18;
	v17 =	vsub.f32 v20, v21;
	s5 =	sadd.s32 $0x10, s5;
	s23 =	sadd.s32 $0xFFFFFD00, s31;
	v57 =	vld [tilespmem:s22+$0x0];
	v60 =	vsel vm0, $0x3F800000, v2  }
0x60: {  	v18 =	vsub.f32 v36, v37;
	s5 =	sand.u32 $0x70, s5;
	s15 =	sor.u32 s30, s15;
	s16 =	sand.u32 $0x1FC00, s23;
	v58 =	vld [tilespmem:s22+$0x7400];
	v15 =	vmul.f32 v60, v15  }
0x61: {  	v59 =	vld [tilespmem:s15+$0x0];
	s23 =	sor.u32 s5, s16;
	v20 =	vmul.f32 v60, v16;
	v16 =	vmul.f32 v60, v17  }
0x62: {  	s5 =	simm.s32 $0x70;
	v21 =	vmul.f32 v60, v18;
	s4 =	sor.u32 s0, s23;
	v60 =	vld [tilespmem:s15+$0x7400];
	v17 =	vsub.f32 v39, v41;
	v18 =	vsub.f32 v54, v55  }
.LBB2_5:
0x63: {  	v61 =	vld [tilespmem:s4+$0x0]  }
0x64: {  	v54 =	vsub.f32 v5, v6;
	v5 =	vld [tilespmem:s4+$0x7400];
	s17 =	sor.u32 s21, s23  }
0x65: {  	s15 =	rddreg [dreg:$0x4];
	v55 =	vsub.f32 v7, v9;
	v62 =	vsub.f32 v8, v10;
	v6 =	vld [tilespmem:s17+$0x0]  }
0x66: {  	v63 =	vsub.f32 v11, v12;
	v4 =	vsub.f32 v13, v14;
	s18 =	sor.u32 s29, s23;
	s22 =	sadd.s32 s5, s15;
	v7 =	vld [tilespmem:s17+$0x7400]  }
0x67: {  	v1 =	vsub.f32 v19, v23;
	v19 =	vsub.f32 v22, v24;
	s31 =	sadd.s32 $0x380, s31;
	v8 =	vld [tilespmem:s18+$0x0];
	s15 =	sadd.s32 $0x70, s22  }
0x68: {  	v22 =	vsub.f32 v25, v26;
	v23 =	vsub.f32 v27, v28;
	s12 =	sor.u32 s30, s23;
	s16 =	sand.u32 $0x1FC00, s31;
	v9 =	vld [tilespmem:s18+$0x7400];
	s15 =	sand.u32 $0x70, s15  }
0x69: {  	v24 =	vsub.f32 v30, v33;
	v13 =	vsub.f32 v29, v31;
	v10 =	vld [tilespmem:s12+$0x0];
	s15 =	sor.u32 s15, s16  }
0x6a: {  	v14 =	vsub.f32 v32, v34;
	v25 =	vsub.f32 v35, v38;
	v11 =	vld [tilespmem:s12+$0x7400];
	s16 =	sor.u32 s0, s15  }
0x6b: {  	v26 =	vsub.f32 v40, v43;
	v12 =	vsub.f32 v42, v44;
	v36 =	vld [tilespmem:s16+$0x0]  }
0x6c: {  	v27 =	vsub.f32 v45, v46;
	v28 =	vsub.f32 v47, v48;
	s17 =	sor.u32 s21, s15;
	v37 =	vld [tilespmem:s16+$0x7400]  }
0x6d: {  	v29 =	vsub.f32 v49, v51;
	v30 =	vsub.f32 v50, v52;
	v39 =	vld [tilespmem:s17+$0x0]  }
0x6e: {  	v31 =	vsub.f32 v53, v56;
	v58 =	vsub.f32 v57, v58;
	s18 =	sor.u32 s29, s15;
	v41 =	vld [tilespmem:s17+$0x7400]  }
0x6f: {  	s23 =	sadd.s32 $0x60, s22;
	v61 =	vsub.f32 v61, v5;
	v7 =	vsub.f32 v6, v7;
	s17 =	sadd.s32 $0xFFFFFF80, s31;
	v5 =	vld [tilespmem:s18+$0x0]  }
0x70: {  	s12 =	sor.u32 s30, s15;
	v8 =	vsub.f32 v8, v9;
	v9 =	vsub.f32 v10, v11;
	s16 =	sand.u32 $0x70, s23;
	v6 =	vld [tilespmem:s18+$0x7400];
	s17 =	sand.u32 $0x1FC00, s17  }
0x71: {  	v10 =	vadd.f32 v61, v15;
	v11 =	vadd.f32 v7, v20;
	s15 =	sor.u32 s16, s17;
	v7 =	vld [tilespmem:s12+$0x0]  }
0x72: {  	v15 =	vadd.f32 v8, v16;
	v16 =	vadd.f32 v9, v21;
	v9 =	vld [tilespmem:s12+$0x7400];
	s16 =	sor.u32 s0, s15  }
0x73: {  	v60 =	vsub.f32 v59, v60;
	v20 =	vadd.f32 v30, v10;
	v8 =	vld [tilespmem:s16+$0x0]  }
0x74: {  	s17 =	sor.u32 s21, s15;
	v11 =	vadd.f32 v31, v11;
	v15 =	vadd.f32 v58, v15;
	v10 =	vld [tilespmem:s16+$0x7400]  }
0x75: {  	v16 =	vadd.f32 v60, v16;
	v20 =	vadd.f32 v12, v20;
	v12 =	vld [tilespmem:s17+$0x7400]  }
0x76: {  	s18 =	sor.u32 s29, s15;
	v21 =	vadd.f32 v27, v11;
	v11 =	vld [tilespmem:s17+$0x0];
	v15 =	vadd.f32 v28, v15  }
0x77: {  	s23 =	sadd.s32 $0x50, s22;
	s12 =	sadd.s32 $0xFFFFFF00, s31;
	v16 =	vadd.f32 v29, v16;
	v20 =	vadd.f32 v13, v20;
	v13 =	vld [tilespmem:s18+$0x0]  }
0x78: {  	s16 =	sand.u32 $0x70, s23;
	s17 =	sand.u32 $0x1FC00, s12;
	v21 =	vadd.f32 v14, v21;
	v15 =	vadd.f32 v25, v15;
	v14 =	vld [tilespmem:s18+$0x7400];
	s18 =	sor.u32 s30, s15  }
0x79: {  	s15 =	sor.u32 s16, s17;
	v20 =	vadd.f32 v19, v20;
	v19 =	vld [tilespmem:s18+$0x0]  }
0x7a: {  	v16 =	vadd.f32 v26, v16;
	s16 =	sor.u32 s0, s15;
	v15 =	vadd.f32 v23, v15;
	v23 =	vld [tilespmem:s18+$0x7400]  }
0x7b: {  	v21 =	vadd.f32 v22, v21;
	v22 =	vld [tilespmem:s16+$0x0]  }
0x7c: {  	s23 =	sor.u32 s21, s15;
	v16 =	vadd.f32 v24, v16;
	v24 =	vld [tilespmem:s16+$0x7400]  }
0x7d: {  	v25 =	vld [tilespmem:s23+$0x0]  }
0x7e: {  	s12 =	sor.u32 s29, s15;
	v26 =	vld [tilespmem:s23+$0x7400]  }
0x7f: {  	s18 =	sadd.s32 $0x40, s22;
	s23 =	sadd.s32 $0xFFFFFE80, s31;
	v27 =	vld [tilespmem:s12+$0x0]  }
0x80: {  	v28 =	vld [tilespmem:s12+$0x7400];
	s12 =	sor.u32 s30, s15;
	s16 =	sand.u32 $0x70, s18;
	s17 =	sand.u32 $0x1FC00, s23  }
0x81: {  	v30 =	vld [tilespmem:s12+$0x0];
	s15 =	sor.u32 s16, s17  }
0x82: {  	v33 =	vld [tilespmem:s12+$0x7400];
	s16 =	sor.u32 s0, s15  }
0x83: {  	v29 =	vld [tilespmem:s16+$0x0]  }
0x84: {  	s17 =	sor.u32 s21, s15;
	v31 =	vld [tilespmem:s16+$0x7400]  }
0x85: {  	v32 =	vld [tilespmem:s17+$0x0]  }
0x86: {  	s18 =	sor.u32 s29, s15;
	v34 =	vld [tilespmem:s17+$0x7400]  }
0x87: {  	s23 =	sadd.s32 $0x30, s22;
	s12 =	sadd.s32 $0xFFFFFE00, s31;
	v35 =	vld [tilespmem:s18+$0x0]  }
0x88: {  	s16 =	sand.u32 $0x70, s23;
	s17 =	sand.u32 $0x1FC00, s12;
	v38 =	vld [tilespmem:s18+$0x7400];
	s18 =	sor.u32 s30, s15  }
0x89: {  	s15 =	sor.u32 s16, s17;
	v40 =	vld [tilespmem:s18+$0x0]  }
0x8a: {  	v43 =	vld [tilespmem:s18+$0x7400];
	s16 =	sor.u32 s0, s15  }
0x8b: {  	v42 =	vld [tilespmem:s16+$0x0]  }
0x8c: {  	s23 =	sor.u32 s21, s15;
	v44 =	vld [tilespmem:s16+$0x7400]  }
0x8d: {  	v45 =	vld [tilespmem:s23+$0x0]  }
0x8e: {  	s12 =	sor.u32 s29, s15;
	v46 =	vld [tilespmem:s23+$0x7400]  }
0x8f: {  	s17 =	sadd.s32 $0x20, s22;
	s18 =	sadd.s32 $0xFFFFFD80, s31;
	v47 =	vld [tilespmem:s12+$0x0]  }
0x90: {  	s16 =	sand.u32 $0x70, s17;
	s17 =	sand.u32 $0x1FC00, s18;
	v48 =	vld [tilespmem:s12+$0x7400];
	s23 =	sor.u32 s30, s15  }
0x91: {  	s12 =	sor.u32 s16, s17;
	v49 =	vld [tilespmem:s23+$0x0]  }
0x92: {  	v51 =	vld [tilespmem:s23+$0x7400];
	s16 =	sor.u32 s0, s12  }
0x93: {  	v50 =	vld [tilespmem:s16+$0x0]  }
0x94: {  	s17 =	sor.u32 s21, s12;
	v52 =	vld [tilespmem:s16+$0x7400]  }
0x95: {  	p1 =	sne.s32 s5, $0xE0;
	v53 =	vld [tilespmem:s17+$0x0]  }
.Ltmp0:
0x96: {  	v20 =	vadd.f32 v62, v20;
	v21 =	vadd.f32 v63, v21;
	s18 =	sor.u32 s29, s12;
	v56 =	vld [tilespmem:s17+$0x7400];
	(pc) =	sbr.rel @p1 .LBB2_5-.Ltmp0, $4  }
0x97: {  	v4 =	vadd.f32 v4, v15;
	v1 =	vadd.f32 v1, v16;
	s22 =	sadd.s32 $0x10, s22;
	s23 =	sadd.s32 $0xFFFFFD00, s31;
	v57 =	vld [tilespmem:s18+$0x0]  }
0x98: {  	v15 =	vadd.f32 v17, v20;
	v17 =	vsub.f32 v36, v37;
	s15 =	sor.u32 s30, s12;
	s16 =	sand.u32 $0x70, s22;
	s17 =	sand.u32 $0x1FC00, s23;
	v58 =	vld [tilespmem:s18+$0x7400]  }
0x99: {  	v20 =	vadd.f32 v18, v21;
	v16 =	vadd.f32 v54, v4;
	v59 =	vld [tilespmem:s15+$0x0];
	s23 =	sor.u32 s16, s17  }
0x9a: {  	s5 =	sadd.s32 $0x70, s5;
	v21 =	vadd.f32 v55, v1;
	v18 =	vsub.f32 v39, v41;
	v60 =	vld [tilespmem:s15+$0x7400];
	s4 =	sor.u32 s0, s23  }
0x9b: {  	v1 =	vld [tilespmem:s4+$0x0];
	v4 =	vsub.f32 v5, v6;
	v5 =	vsub.f32 v7, v9  }
0x9c: {  	v6 =	vld [tilespmem:s4+$0x7400];
	s31 =	sor.u32 s21, s23;
	v7 =	vsub.f32 v8, v10;
	v8 =	vsub.f32 v11, v12  }
0x9d: {  	v10 =	vsub.f32 v13, v14;
	v11 =	vsub.f32 v19, v23;
	s5 =	sor.u32 s29, s23;
	v9 =	vld [tilespmem:s31+$0x0]  }
0x9e: {  	v13 =	vsub.f32 v22, v24;
	v14 =	vsub.f32 v25, v26;
	s15 =	sadd.s32 $0x160, s11;
	v61 =	vld [tilespmem:s5+$0x0]  }
0x9f: {  	v22 =	vsub.f32 v27, v28;
	v23 =	vsub.f32 v30, v33;
	v62 =	vld [tilespmem:s5+$0x7400];
	s5 =	sshll.u32 s15, $0x3  }
0xa0: {  	s12 =	sor.u32 s30, s23;
	v25 =	vsub.f32 v29, v31;
	v26 =	vsub.f32 v32, v34;
	v12 =	vld [tilespmem:s31+$0x7400];
	s4 =	sand.u32 $0x70, s15;
	s5 =	sand.u32 $0xFC00, s5  }
0xa1: {  	v28 =	vsub.f32 v35, v38;
	v41 =	vsub.f32 v40, v43;
	v63 =	vld [tilespmem:s12+$0x0];
	s4 =	sor.u32 s4, s5  }
0xa2: {  	v44 =	vsub.f32 v42, v44;
	v46 =	vsub.f32 v45, v46;
	v43 =	vld [tilespmem:s12+$0x7400];
	s16 =	sor.u32 s21, s4  }
0xa3: {  	v48 =	vsub.f32 v47, v48;
	v54 =	vsub.f32 v49, v51;
	v30 =	vld [tilespmem:s16+$0x0]  }
0xa4: {  	v55 =	vsub.f32 v50, v52;
	s15 =	sadd.s32 $0x170, s11;
	v37 =	vsub.f32 v57, v58;
	s17 =	sor.u32 s29, s4;
	v32 =	vld [tilespmem:s16+$0x7400]  }
0xa5: {  	v58 =	vsub.f32 v59, v60;
	s5 =	sor.u32 s0, s4;
	v1 =	vsub.f32 v1, v6;
	v35 =	vld [tilespmem:s17+$0x0];
	s16 =	sshll.u32 s15, $0x3  }
0xa6: {  	s18 =	sand.u32 $0x70, s15;
	v59 =	vsub.f32 v9, v12;
	v60 =	vsub.f32 v61, v62;
	v62 =	vld [tilespmem:s5+$0x0];
	s22 =	sand.u32 $0xFC00, s16  }
0xa7: {  	v36 =	vsub.f32 v53, v56;
	s4 =	sor.u32 s30, s4;
	v61 =	vsub.f32 v63, v43;
	v63 =	vld [tilespmem:s5+$0x7400];
	s5 =	sor.u32 s18, s22  }
0xa8: {  	v38 =	vld [tilespmem:s4+$0x7400];
	v1 =	vadd.f32 v1, v15;
	v6 =	vadd.f32 v59, v20;
	s31 =	sor.u32 s21, s5  }
0xa9: {  	v9 =	vadd.f32 v60, v16;
	v12 =	vadd.f32 v61, v21;
	v43 =	vld [tilespmem:s31+$0x0]  }
0xaa: {  	s12 =	sor.u32 s29, s5;
	v1 =	vadd.f32 v55, v1;
	v45 =	vld [tilespmem:s31+$0x7400];
	v6 =	vadd.f32 v36, v6  }
0xab: {  	v47 =	vld [tilespmem:s12+$0x0];
	v9 =	vadd.f32 v37, v9;
	v12 =	vadd.f32 v58, v12  }
0xac: {  	v51 =	vld [tilespmem:s12+$0x7400];
	v49 =	vsub.f32 v30, v32;
	v1 =	vadd.f32 v44, v1  }
0xad: {  	v36 =	vld [tilespmem:s17+$0x7400];
	v6 =	vadd.f32 v46, v6;
	v9 =	vadd.f32 v48, v9  }
0xae: {  	s10 =	ssub.s32 s10, s11;
	v37 =	vld [tilespmem:s4+$0x0];
	v12 =	vadd.f32 v54, v12;
	v46 =	vsub.f32 v62, v63  }
0xaf: {  	s11 =	sadd.s32 $0xD, s10;
	s10 =	sadd.s32 $0xFFFFFFFD, s10;
	s23 =	sor.u32 s0, s5;
	v1 =	vadd.f32 v25, v1;
	v6 =	vadd.f32 v26, v6  }
0xb0: {  	v50 =	vadd.s32 s10, v3;
	v39 =	vld [tilespmem:s23+$0x0];
	v9 =	vadd.f32 v28, v9;
	v12 =	vadd.f32 v41, v12  }
0xb1: {  	vm15 =	vgt.s32 v50, $0x0;
	v40 =	vld [tilespmem:s23+$0x7400];
	v56 =	vsub.f32 v43, v45;
	v60 =	vsub.f32 v47, v51  }
0xb2: {  	v44 =	vadd.s32 s11, v3;
	v1 =	vadd.f32 v13, v1;
	v53 =	vsub.f32 v35, v36  }
0xb3: {  	vm0 =	vgt.s32 v44, $0x0;
	v58 =	vsub.f32 v37, v38;
	v6 =	vadd.f32 v14, v6  }
0xb4: {  	v54 =	vsel vm15, $0x3F800000, v2;
	v9 =	vadd.f32 v22, v9;
	v1 =	vadd.f32 v7, v1  }
0xb5: {  	s15 =	sor.u32 s30, s5;
	v48 =	vsel vm0, $0x3F800000, v2;
	v12 =	vadd.f32 v23, v12;
	v6 =	vadd.f32 v8, v6  }
0xb6: {  	v52 =	vld [tilespmem:s15+$0x0];
	v7 =	vsub.f32 v39, v40;
	v8 =	vmul.f32 v48, v46;
	v1 =	vadd.f32 v17, v1  }
0xb7: {  	v55 =	vld [tilespmem:s15+$0x7400];
	v16 =	vmul.f32 v48, v49;
	v41 =	vadd.f32 v10, v9;
	v6 =	vadd.f32 v18, v6  }
0xb8: {  	v59 =	vmul.f32 v54, v56;
	v7 =	vmul.f32 v54, v7;
	v1 =	vadd.f32 v8, v1  }
0xb9: {  	v57 =	vmul.f32 v48, v53;
	v4 =	vadd.f32 v4, v41;
	v6 =	vadd.f32 v16, v6  }
0xba: {  	v42 =	vadd.f32 v11, v12;
	v1 =	vadd.f32 v7, v1  }
0xbb: {  	v62 =	vmul.f32 v54, v60;
	v4 =	vadd.f32 v57, v4;
	v6 =	vadd.f32 v59, v6  }
0xbc: {  	v63 =	vsub.f32 v52, v55;
	v61 =	vmul.f32 v48, v58;
	v5 =	vadd.f32 v5, v42;
	(xrf2) =	vadd.scan.msk.f32 $0xffff, v1  }
0xbd: {  	v4 =	vadd.f32 v62, v4;
	(xrf2) =	vadd.scan.msk.f32 $0xffff, v6  }
0xbe: {  	v1 =	vadd.f32 v61, v5;
	v5 =	vmul.f32 v54, v63  }
0xbf: {  	(xrf2) =	vadd.scan.msk.f32 $0xffff, v4  }
0xc0: {  	v1 =	vadd.f32 v5, v1;
	_ =	sdelay $0x1  }
0xc1: {  	(xrf2) =	vadd.scan.msk.f32 $0xffff, v1;
	_ =	sdelay $0x3  }
0xc2: {  	v1, _, _ =	vpop (xrf2)  }
0xc3: {  	(v2sf) =	vpush v1, $0xF;
	v1, _, _ =	vpop (xrf2)  }
0xc4: {  	(v2sf) =	vpush v1, $0xF  }
0xc5: {  	v1, _, _ =	vpop (xrf2)  }
0xc6: {  	(v2sf) =	vpush v1, $0xF;
	_ =	sdelay $0x1  }
0xc7: {  	v1, _, _ =	vpop (xrf2)  }
0xc8: {  	(v2sf) =	vpush v1, $0xF;
	_ =	sdelay $0x8  }
0xc9: {  	s16 =	spop (v2sf)  }
0xca: {  	s4 =	smul.f32 s16, s16;
	s17 =	spop (v2sf)  }
0xcb: {  	s5 =	smul.f32 s17, s17  }
0xcc: {  	s9 =	sadd.s32 $0x1, s9;
	s18 =	spop (v2sf);
	s4 =	sadd.f32 s4, s28  }
0xcd: {  	p1 =	sne.s32 s9, $0xA;
	s22 =	smul.f32 s18, s18  }
.Ltmp1:
0xce: {  	s4 =	sadd.f32 s5, s4;
	(pc) =	sbr.rel @p1 .LBB2_4-.Ltmp1, $4  }
0xcf: {  	s23 =	spop (v2sf)  }
0xd0: {  	s31 =	smul.f32 s23, s23;
	s4 =	sadd.f32 s22, s4  }
0xd1: {  	_ = 	snop  }
0xd2: {  	s8 =	sadd.s32 $0x16D, s8;
	s28 =	sadd.f32 s31, s4  }
0xd3: {  	s4 =	simm.s32 $0x7180  }
0xd4: {  	s5 =	sadd.s32 $0x0, s0;
	s4 =	sand.u32 $0x7400, s4  }
0xd5: {  	s4 =	sadd.s32 s4, s5  }
0xd6: {  	v1 =	vld [tilespmem:s4+$0x1B0]  }
0xd7: {  	v4 =	vld [tilespmem:s4+$0x75B0]  }
0xd8: {  	v5 =	vld [tilespmem:s4+$0x30]  }
0xd9: {  	v7 =	vld [tilespmem:s4+$0x7430]  }
0xda: {  	s22 =	simm.s32 $0x50;
	s8 =	simm.s32 $0xFFFFFFEF;
	v9 =	vld [tilespmem:s4+$0xB0]  }
0xdb: {  	s23 =	simm.s32 $0x7200;
	v6 =	vadd.s32 s8, v0;
	v8 =	vadd.s32 s22, v3;
	v10 =	vld [tilespmem:s4+$0x74B0]  }
0xdc: {  	s29 =	sadd.s32 $0x10, s0;
	vm0 =	vlt.s32 v6, v8;
	s5 =	sand.u32 $0x7400, s23;
	v13 =	vld [tilespmem:s4+$0x130]  }
0xdd: {  	v6 =	vsel vm0, v6, v8;
	s16 =	sadd.s32 s5, s29;
	v14 =	vld [tilespmem:s4+$0x7530]  }
0xde: {  	vm0 =	vgt.s32 v6, $0x0;
	v16 =	vld [tilespmem:s16+$0x75B0]  }
0xdf: {  	s30 =	simm.s32 $0xFFFFFFFF;
	s9 =	simm.s32 $0x40;
	v15 =	vsel vm0, $0x3F800000, v2;
	v1 =	vsub.f32 v1, v4;
	v4 =	vld [tilespmem:s16+$0x1B0];
	v5 =	vsub.f32 v5, v7  }
0xe0: {  	v8 =	vld [tilespmem:s16+$0x30];
	v7 =	vsub.f32 v9, v10;
	v9 =	vadd.s32 s30, v0;
	v10 =	vadd.s32 s9, v3  }
0xe1: {  	v6 =	vimm.f32 $0.0e+00;
	v12 =	vld [tilespmem:s16+$0x7430];
	vm15 =	vlt.s32 v9, v10;
	v1 =	vmul.f32 v15, v1  }
0xe2: {  	v11 =	vld [tilespmem:s16+$0xB0];
	v18 =	vsub.f32 v13, v14;
	v17 =	vmul.f32 v15, v5;
	v9 =	vsel vm15, v9, v10  }
0xe3: {  	s2 =	sshll.u32 s2, $0x2;
	s10 =	simm.s32 $0x7280;
	s15 =	sadd.s32 $0x20, s0;
	v13 =	vld [tilespmem:s16+$0x74B0];
	vm0 =	vgt.s32 v9, $0x0;
	v5 =	vadd.f32 v1, v6;
	v1 =	vmul.f32 v15, v7  }
0xe4: {  	s11 =	simm.s32 $0x20;
	s8 =	sor.u32 $0x2, s2;
	s31 =	sand.u32 $0x7400, s10;
	v14 =	vld [tilespmem:s16+$0x130];
	v7 =	vadd.f32 v17, v6;
	v17 =	vmul.f32 v15, v18;
	v16 =	vsub.f32 v4, v16  }
0xe5: {  	s5 =	sor.u32 $0x1, s2;
	s4 =	sadd.s32 s31, s15;
	s15 =	simm.s32 $0x30;
	v10 =	vsel vm0, $0x3F800000, v2;
	v15 =	vld [tilespmem:s16+$0x7530];
	v9 =	vadd.f32 v1, v6  }
.LBB2_8:
0xe6: {  	p1 =	sne.s32 s15, $0x40;
	v1 =	vld [tilespmem:s4+$0x1B0];
	v4 =	vsub.f32 v8, v12;
	v12 =	vmul.f32 v10, v16;
	v6 =	vadd.f32 v17, v6  }
0xe7: {  	v16 =	vld [tilespmem:s4+$0x75B0]  }
0xe8: {  	s16 =	sadd.s32 $0xFFFFFFEF, s11;
	s9 =	sadd.s32 $0xFFFFFFF0, s9;
	s11 =	smov.u32 s15;
	v8 =	vld [tilespmem:s4+$0x30];
	v4 =	vmul.f32 v10, v4;
	v13 =	vsub.f32 v11, v13;
	v5 =	vadd.f32 v12, v5  }
.Ltmp2:
0xe9: {  	v17 =	vadd.s32 s16, v0;
	v18 =	vadd.s32 s9, v3;
	v12 =	vld [tilespmem:s4+$0x7430];
	(pc) =	sbr.rel @p1 .LBB2_8-.Ltmp2, $4  }
0xea: {  	vm0 =	vlt.s32 v17, v18;
	v11 =	vld [tilespmem:s4+$0xB0];
	v19 =	vmul.f32 v10, v13;
	v15 =	vsub.f32 v14, v15  }
0xeb: {  	s10 =	sadd.s32 $0x80, s10;
	v14 =	vsel vm0, v17, v18;
	v7 =	vadd.f32 v4, v7;
	v13 =	vld [tilespmem:s4+$0x74B0]  }
0xec: {  	s17 =	sadd.s32 s15, s0;
	s16 =	sand.u32 $0x7400, s10;
	vm0 =	vgt.s32 v14, $0x0;
	v14 =	vld [tilespmem:s4+$0x130];
	v16 =	vsub.f32 v1, v16;
	v17 =	vmul.f32 v10, v15  }
0xed: {  	s15 =	sadd.s32 $0x10, s15;
	v10 =	vsel vm0, $0x3F800000, v2;
	v9 =	vadd.f32 v19, v9;
	v15 =	vld [tilespmem:s4+$0x7530];
	s4 =	sadd.s32 s16, s17  }
0xee: {  	v1 =	vld [tilespmem:s4+$0x1B0]  }
0xef: {  	v4 =	vld [tilespmem:s4+$0x30]  }
0xf0: {  	v18 =	vld [tilespmem:s4+$0x7430]  }
0xf1: {  	v19 =	vld [tilespmem:s4+$0xB0]  }
0xf2: {  	v20 =	vld [tilespmem:s4+$0x74B0]  }
0xf3: {  	s0 =	sadd.s32 $0xFFFFFFEF, s11;
	s9 =	sadd.s32 $0xFFFFFFF0, s9;
	v23 =	vld [tilespmem:s4+$0x130];
	v8 =	vsub.f32 v8, v12  }
0xf4: {  	v54 =	vld [tilespmem:s4+$0x7530];
	v6 =	vadd.f32 v17, v6;
	v21 =	vadd.s32 s0, v0;
	v22 =	vadd.s32 s9, v3  }
0xf5: {  	v56 =	vld [tilespmem:s4+$0x75B0];
	v57 =	vmul.f32 v10, v16;
	vm0 =	vlt.s32 v21, v22;
	v11 =	vsub.f32 v11, v13  }
0xf6: {  	v8 =	vmul.f32 v10, v8;
	v55 =	vsel vm0, v21, v22;
	v14 =	vsub.f32 v14, v15  }
0xf7: {  	vm0 =	vgt.s32 v55, $0x0;
	v11 =	vmul.f32 v10, v11;
	v4 =	vsub.f32 v4, v18  }
0xf8: {  	v7 =	vadd.f32 v8, v7;
	v58 =	vsel vm0, $0x3F800000, v2;
	v59 =	vsub.f32 v19, v20  }
0xf9: {  	v12 =	vsub.f32 v23, v54;
	v60 =	vmul.f32 v10, v14;
	v4 =	vmul.f32 v58, v4  }
0xfa: {  	v1 =	vsub.f32 v1, v56;
	v9 =	vadd.f32 v11, v9;
	v61 =	vmul.f32 v58, v59  }
0xfb: {  	v62 =	vmul.f32 v58, v12;
	v6 =	vadd.f32 v60, v6;
	v4 =	vadd.f32 v4, v7  }
0xfc: {  	v5 =	vadd.f32 v57, v5;
	v1 =	vmul.f32 v58, v1;
	v63 =	vadd.f32 v61, v9  }
0xfd: {  	v6 =	vadd.f32 v62, v6;
	(xrf2) =	vadd.scan.msk.f32 $0xffff, v4  }
0xfe: {  	v1 =	vadd.f32 v1, v5;
	(xrf2) =	vadd.scan.msk.f32 $0xffff, v63  }
0xff: {  	(xrf2) =	vadd.scan.msk.f32 $0xffff, v6  }
0x100: {  	(xrf2) =	vadd.scan.msk.f32 $0xffff, v1;
	_ =	sdelay $0x6  }
0x101: {  	v1, _, _ =	vpop (xrf2)  }
0x102: {  	v4, _, _ =	vpop (xrf2);
	(v2sf) =	vpush v1, $0xF  }
0x103: {  	v1, _, _ =	vpop (xrf2);
	(v2sf) =	vpush v4, $0xF  }
0x104: {  	(v2sf) =	vpush v1, $0xF;
	v1, _, _ =	vpop (xrf2)  }
0x105: {  	(v2sf) =	vpush v1, $0xF;
	_ =	sdelay $0xb  }
.Ltmp3:
0x106: {  	s22 =	spop (v2sf);
	(pc) =	sbr.rel @p0 .LBB2_3-.Ltmp3, $4  }
0x107: {  	s23 =	spop (v2sf);
	[smem:s2] =	sst s22  }
0x108: {  	s29 =	spop (v2sf);
	[smem:s5] =	sst s23  }
0x109: {  	s31 =	sadd.s32 $0x3, s2;
	[smem:s8] =	sst s29;
	s30 =	spop (v2sf)  }
0x10a: {  	p1 =	por $0x0, $0x0;
	s2 =	simm.s32 $0x1;
	[smem:s31] =	sst s30  }
0x10b: {  	_ =	swait.ge [sflag:s19], $0x7000  }
0x10c: {  	[sflag:s19] =	ssyncset.done $0x0  }
0x10d: {  	[sflag:s19] =	ssyncadd.s32 $0xFFFF9000  }
0x10e: {  	_ =	swait.ge [sflag:s20], $0x7000  }
0x10f: {  	s25 =	sadd.s32 $0x1, s25;
	[sflag:s20] =	ssyncset.done $0x0  }
0x110: {  	s0 =	sshll.u32 s25, $0x5;
	[sflag:s20] =	ssyncadd.s32 $0xFFFF9000  }
0x111: {  	s0 =	sor.u32 s6, s0;
	_ =	swait.ge [sflag:s19], $0x400  }
0x112: {  	s0 =	smin.u32 s0, $0x79;
	[sflag:s19] =	ssyncset.done $0x0  }
0x113: {  	s0 =	smul.u32 $0x1D00, s0;
	[sflag:s19] =	ssyncadd.s32 $0xFFFFFC00  }
0x114: {  	_ =	swait.ge [sflag:s20], $0x400  }
0x115: {  	s0 =	sadd.s32 $0xE8000, s0;
	[sflag:s20] =	ssyncset.done $0x0  }
0x116: {  	s29 =	simm.s32 $0x0;
	s2 =	sadd.s32 s1, s0;
	[sflag:s20] =	ssyncadd.s32 $0xFFFFFC00  }
0x117: {  	[tilespmem:s29], [sflag:$0x1] =	stream.linear.gather [hbm4b:s2+s29], $0x7400, $0x38;
	[tilespmem:$0x1D400] =	vst v63  }
0x118: {  	s31 =	simm.s32 $0x7400;
	s0 =	sadd.s32 s3, s0  }
0x119: {  	[tilespmem:s31], [sflag:$0x2] =	stream.linear.gather [hbm4b:s0+s29], $0x7400, $0x38;
	[tilespmem:$0x1D400] =	vst v63  }
0x11a: {  	p1 =	por $0x1, $0x1;
	s2 =	simm.f32 $0.0e+00;
	s0 =	simm.s32 $0x0  }
.LBB2_11:
0x11b: {  	s30 =	sshll.u32 s0, $0x9;
	s4 =	sand.u32 $0xC00, s29  }
0x11c: {  	s10 =	sand.u32 $0x70, s29;
	s31 =	sor.u32 $0x180, s30;
	s11 =	sor.u32 s30, s4  }
0x11d: {  	s5 =	sshll.u32 s0, $0x2;
	s8 =	sor.u32 s31, s4;
	s11 =	sor.u32 s10, s11  }
0x11e: {  	s9 =	sor.u32 s10, s8;
	s8 =	sor.u32 $0x1, s5;
	v5 =	vld [tilespmem:s11+$0xE800]  }
0x11f: {  	v1 =	vld [tilespmem:s9+$0xE800];
	s0 =	sshll.u32 s8, $0x7  }
0x120: {  	v4 =	vld [tilespmem:s9+$0x15C00];
	s9 =	sor.u32 $0x2, s5;
	s15 =	sor.u32 s0, s4  }
0x121: {  	v6 =	vld [tilespmem:s11+$0x15C00];
	s21 =	sshll.u32 s9, $0x7;
	s15 =	sor.u32 s10, s15  }
0x122: {  	s22 =	simm.s32 $0x80;
	s4 =	sor.u32 s21, s4;
	v7 =	vld [tilespmem:s15+$0xE800]  }
0x123: {  	s23 =	simm.s32 $0x10;
	s11 =	sand.u32 $0xC00, s22;
	s4 =	sor.u32 s10, s4;
	v8 =	vld [tilespmem:s15+$0x15C00]  }
0x124: {  	s12 =	simm.s32 $0x12F;
	s16 =	sand.u32 $0x70, s23;
	s17 =	sor.u32 s31, s11;
	v11 =	vld [tilespmem:s4+$0xE800]  }
0x125: {  	v9 =	vmov s12;
	s10 =	sor.u32 s16, s17;
	v13 =	vld [tilespmem:s4+$0x15C00]  }
0x126: {  	vm0 =	vgt.s32 v9, v0;
	s18 =	sor.u32 s30, s11;
	v14 =	vld [tilespmem:s10+$0x15C00];
	v1 =	vsub.f32 v1, v4  }
0x127: {  	v16 =	vsel vm0, $0x3F800000, v2;
	s4 =	sor.u32 s16, s18;
	v5 =	vsub.f32 v5, v6;
	v4 =	vld [tilespmem:s10+$0xE800]  }
0x128: {  	s22 =	sor.u32 s0, s11;
	v10 =	vld [tilespmem:s4+$0xE800];
	v1 =	vmul.f32 v16, v1  }
0x129: {  	s23 =	simm.s32 $0x11F;
	s11 =	sor.u32 s21, s11;
	s17 =	sor.u32 s16, s22;
	v6 =	vimm.f32 $0.0e+00;
	v12 =	vld [tilespmem:s4+$0x15C00];
	v15 =	vmul.f32 v16, v5;
	v8 =	vsub.f32 v7, v8  }
0x12a: {  	p0 =	por p1, p1;
	s11 =	sor.u32 s16, s11;
	v9 =	vld [tilespmem:s17+$0xE800];
	s4 =	simm.s32 $0x100;
	v5 =	vadd.f32 v1, v6;
	v1 =	vsub.f32 v11, v13;
	v11 =	vmov s23  }
0x12b: {  	s22 =	simm.s32 $0x20;
	s15 =	simm.s32 $0xFF;
	s16 =	sand.u32 $0xC00, s4;
	v7 =	vadd.f32 v15, v6;
	v13 =	vld [tilespmem:s17+$0x15C00];
	v15 =	vmul.f32 v16, v8;
	vm0 =	vgt.s32 v11, v0  }
0x12c: {  	s10 =	simm.s32 $0x10F;
	s23 =	sand.u32 $0x70, s22;
	s17 =	sor.u32 s31, s16;
	v11 =	vld [tilespmem:s11+$0xE800];
	v14 =	vsub.f32 v4, v14;
	v8 =	vimm.f32 $0.0e+00;
	v16 =	vmul.f32 v16, v1  }
.LBB2_12:
0x12d: {  	p1 =	sne.s32 s15, $0xFFFFFFFF;
	s18 =	sor.u32 s30, s16;
	s17 =	sor.u32 s23, s17;
	v1 =	vsel vm0, $0x3F800000, v2;
	v4 =	vld [tilespmem:s11+$0x15C00];
	v6 =	vadd.f32 v15, v6  }
0x12e: {  	s11 =	sor.u32 s0, s16;
	s16 =	sor.u32 s21, s16;
	s18 =	sor.u32 s23, s18;
	v17 =	vld [tilespmem:s17+$0xE800];
	v12 =	vsub.f32 v10, v12;
	v14 =	vmul.f32 v1, v14;
	v8 =	vadd.f32 v16, v8  }
0x12f: {  	s12 =	sor.u32 s23, s11;
	s11 =	sor.u32 s23, s16;
	v16 =	vld [tilespmem:s17+$0x15C00]  }
.Ltmp4:
0x130: {  	v10 =	vld [tilespmem:s18+$0xE800];
	v15 =	vmul.f32 v1, v12;
	v13 =	vsub.f32 v9, v13;
	v5 =	vadd.f32 v14, v5;
	(pc) =	sbr.rel @p1 .LBB2_12-.Ltmp4, $4  }
0x131: {  	v12 =	vld [tilespmem:s18+$0x15C00]  }
0x132: {  	s4 =	sadd.s32 $0x80, s4;
	v9 =	vld [tilespmem:s12+$0xE800];
	v7 =	vadd.f32 v15, v7;
	v15 =	vmul.f32 v1, v13;
	v4 =	vsub.f32 v11, v4  }
0x133: {  	s22 =	sadd.s32 $0x10, s22;
	s16 =	sand.u32 $0xC00, s4;
	v11 =	vmov s10;
	s10 =	smov.u32 s15;
	v13 =	vld [tilespmem:s12+$0x15C00]  }
0x134: {  	s23 =	sand.u32 $0x70, s22;
	s17 =	sor.u32 s31, s16;
	s15 =	sadd.s32 $0xFFFFFFF0, s15;
	vm0 =	vgt.s32 v11, v0;
	v11 =	vld [tilespmem:s11+$0xE800];
	v14 =	vsub.f32 v17, v16;
	v16 =	vmul.f32 v1, v4  }
0x135: {  	s4 =	sor.u32 s30, s16  }
0x136: {  	s4 =	sor.u32 s23, s4  }
0x137: {  	s12 =	sor.u32 s0, s16;
	v1 =	vld [tilespmem:s4+$0xE800]  }
0x138: {  	s15 =	sor.u32 s23, s12;
	v4 =	vld [tilespmem:s4+$0x15C00]  }
0x139: {  	v17 =	vld [tilespmem:s15+$0xE800]  }
0x13a: {  	v56 =	vld [tilespmem:s15+$0x15C00]  }
0x13b: {  	s18 =	sor.u32 s21, s16  }
0x13c: {  	v18 =	vsel vm0, $0x3F800000, v2;
	v19 =	vld [tilespmem:s11+$0x15C00];
	v10 =	vsub.f32 v10, v12;
	s22 =	sor.u32 s23, s18  }
0x13d: {  	v20 =	vmov s10;
	v6 =	vadd.f32 v15, v6;
	v21 =	vld [tilespmem:s22+$0xE800];
	v9 =	vsub.f32 v9, v13  }
0x13e: {  	s10 =	sor.u32 s23, s17;
	vm15 =	vgt.s32 v20, v0;
	v10 =	vmul.f32 v18, v10;
	v1 =	vsub.f32 v1, v4;
	v4 =	vld [tilespmem:s22+$0x15C00]  }
0x13f: {  	v58 =	vld [tilespmem:s10+$0xE800];
	v57 =	vsel vm15, $0x3F800000, v2;
	v9 =	vmul.f32 v18, v9;
	v12 =	vsub.f32 v17, v56  }
0x140: {  	v59 =	vld [tilespmem:s10+$0x15C00];
	v7 =	vadd.f32 v10, v7;
	v1 =	vmul.f32 v57, v1  }
0x141: {  	v11 =	vsub.f32 v11, v19;
	v6 =	vadd.f32 v9, v6;
	v60 =	vmul.f32 v57, v12  }
0x142: {  	v8 =	vadd.f32 v16, v8;
	v1 =	vadd.f32 v1, v7  }
0x143: {  	v61 =	vmul.f32 v18, v11;
	v6 =	vadd.f32 v60, v6;
	v4 =	vsub.f32 v21, v4  }
0x144: {  	v62 =	vmul.f32 v18, v14;
	(xrf2) =	vadd.scan.msk.f32 $0xffff, v1  }
0x145: {  	v63 =	vsub.f32 v58, v59;
	v1 =	vadd.f32 v61, v8;
	v4 =	vmul.f32 v57, v4;
	(xrf2) =	vadd.scan.msk.f32 $0xffff, v6;
	_ =	sdelay $0x1  }
0x146: {  	v1 =	vadd.f32 v4, v1;
	v4 =	vadd.f32 v62, v5;
	v5 =	vmul.f32 v57, v63;
	_ =	sdelay $0x1  }
0x147: {  	(xrf2) =	vadd.scan.msk.f32 $0xffff, v1;
	v1 =	vadd.f32 v5, v4;
	_ =	sdelay $0x1  }
0x148: {  	(xrf2) =	vadd.scan.msk.f32 $0xffff, v1;
	_ =	sdelay $0x2  }
0x149: {  	v1, _, _ =	vpop (xrf2)  }
0x14a: {  	(v2sf) =	vpush v1, $0xF;
	v1, _, _ =	vpop (xrf2)  }
0x14b: {  	(v2sf) =	vpush v1, $0xF;
	_ =	sdelay $0x2  }
0x14c: {  	v1, _, _ =	vpop (xrf2)  }
0x14d: {  	(v2sf) =	vpush v1, $0xF  }
0x14e: {  	v1, _, _ =	vpop (xrf2)  }
0x14f: {  	(v2sf) =	vpush v1, $0xF;
	_ =	sdelay $0x5  }
0x150: {  	s11 =	sld [smem:s5+$0x0]  }
0x151: {  	s8 =	sld [smem:s8+$0x0]  }
0x152: {  	s12 =	spop (v2sf)  }
0x153: {  	s4 =	sadd.f32 s11, s12;
	s15 =	spop (v2sf)  }
0x154: {  	s8 =	sadd.f32 s8, s15  }
0x155: {  	s9 =	sld [smem:s9+$0x0];
	s4 =	smul.f32 s4, s4  }
0x156: {  	s18 =	sld [smem:s5+$0x3];
	s17 =	smul.f32 s8, s8  }
0x157: {  	s16 =	spop (v2sf);
	s2 =	sadd.f32 s4, s2  }
0x158: {  	s22 =	sadd.f32 s9, s16  }
0x159: {  	s2 =	sadd.f32 s17, s2;
	s23 =	spop (v2sf)  }
0x15a: {  	s8 =	smul.f32 s22, s22;
	s4 =	sadd.f32 s18, s23  }
0x15b: {  	_ = 	snop  }
0x15c: {  	s2 =	sadd.f32 s8, s2;
	s4 =	smul.f32 s4, s4  }
0x15d: {  	_ = 	snop  }
0x15e: {  	s9 =	simm.s32 $0x12F;
	s8 =	simm.s32 $0x0;
	s2 =	sadd.f32 s4, s2  }
.LBB2_14:
0x15f: {  	s10 =	smul.u32 $0x16D, s8;
	_ =	sdelay $0x1  }
0x160: {  	s5 =	sadd.s32 $0x12F, s10  }
0x161: {  	s4 =	sshll.u32 s5, $0x3  }
0x162: {  	s11 =	sand.u32 $0x70, s5;
	s4 =	sand.u32 $0x7C00, s4  }
0x163: {  	s4 =	sor.u32 s11, s4  }
0x164: {  	s11 =	sor.u32 s30, s4  }
0x165: {  	s12 =	sand.u32 $0xFFFFFFF0, s9;
	v1 =	vld [tilespmem:s11+$0xE800]  }
0x166: {  	[dreg:$0x5] =	wrdreg s12;
	s16 =	sor.u32 s0, s4;
	v4 =	vld [tilespmem:s11+$0x15C00]  }
0x167: {  	s15 =	sshll.u32 s9, $0x3;
	s12 =	rddreg [dreg:$0x5];
	v15 =	vld [tilespmem:s16+$0xE800]  }
0x168: {  	s15 =	sand.u32 $0xFFFFFF80, s15;
	s22 =	sadd.s32 $0x0, s12;
	v16 =	vld [tilespmem:s16+$0x15C00];
	s16 =	sor.u32 s21, s4  }
0x169: {  	s12 =	sadd.s32 $0x70, s22;
	s11 =	sadd.s32 $0x380, s15;
	v17 =	vld [tilespmem:s16+$0xE800]  }
0x16a: {  	s12 =	sand.u32 $0x70, s12;
	s4 =	sor.u32 s31, s4;
	v18 =	vld [tilespmem:s16+$0x15C00];
	s15 =	sand.u32 $0x1FC00, s11  }
0x16b: {  	v20 =	vld [tilespmem:s4+$0xE800];
	s12 =	sor.u32 s12, s15  }
0x16c: {  	v21 =	vld [tilespmem:s4+$0x15C00];
	s17 =	sor.u32 s30, s12  }
0x16d: {  	v36 =	vld [tilespmem:s17+$0xE800]  }
0x16e: {  	s18 =	sor.u32 s0, s12;
	v37 =	vld [tilespmem:s17+$0x15C00]  }
0x16f: {  	v39 =	vld [tilespmem:s18+$0xE800]  }
0x170: {  	s23 =	sor.u32 s21, s12;
	v41 =	vld [tilespmem:s18+$0x15C00]  }
0x171: {  	s17 =	sadd.s32 $0x60, s22;
	s18 =	sadd.s32 $0xFFFFFF80, s11;
	v5 =	vld [tilespmem:s23+$0xE800]  }
0x172: {  	v6 =	vld [tilespmem:s23+$0x15C00];
	s23 =	sor.u32 s31, s12;
	s15 =	sand.u32 $0x70, s17;
	s16 =	sand.u32 $0x1FC00, s18  }
0x173: {  	v7 =	vld [tilespmem:s23+$0xE800];
	s12 =	sor.u32 s15, s16  }
0x174: {  	v9 =	vld [tilespmem:s23+$0x15C00];
	s15 =	sor.u32 s30, s12  }
0x175: {  	v8 =	vld [tilespmem:s15+$0xE800]  }
0x176: {  	s16 =	sor.u32 s0, s12;
	v10 =	vld [tilespmem:s15+$0x15C00]  }
0x177: {  	v11 =	vld [tilespmem:s16+$0xE800]  }
0x178: {  	s17 =	sor.u32 s21, s12;
	v12 =	vld [tilespmem:s16+$0x15C00]  }
0x179: {  	s18 =	sadd.s32 $0x50, s22;
	s23 =	sadd.s32 $0xFFFFFF00, s11;
	v13 =	vld [tilespmem:s17+$0xE800]  }
0x17a: {  	s15 =	sand.u32 $0x70, s18;
	s16 =	sand.u32 $0x1FC00, s23;
	v14 =	vld [tilespmem:s17+$0x15C00];
	s17 =	sor.u32 s31, s12  }
0x17b: {  	s12 =	sor.u32 s15, s16;
	v19 =	vld [tilespmem:s17+$0xE800]  }
0x17c: {  	v23 =	vld [tilespmem:s17+$0x15C00];
	s15 =	sor.u32 s30, s12  }
0x17d: {  	v22 =	vld [tilespmem:s15+$0xE800]  }
0x17e: {  	s18 =	sor.u32 s0, s12;
	v24 =	vld [tilespmem:s15+$0x15C00]  }
0x17f: {  	v25 =	vld [tilespmem:s18+$0xE800]  }
0x180: {  	s23 =	sor.u32 s21, s12;
	v26 =	vld [tilespmem:s18+$0x15C00]  }
0x181: {  	s17 =	sadd.s32 $0x40, s22;
	s18 =	sadd.s32 $0xFFFFFE80, s11;
	v27 =	vld [tilespmem:s23+$0xE800]  }
0x182: {  	s15 =	sand.u32 $0x70, s17;
	v28 =	vld [tilespmem:s23+$0x15C00];
	s23 =	sor.u32 s31, s12;
	s16 =	sand.u32 $0x1FC00, s18  }
0x183: {  	v30 =	vld [tilespmem:s23+$0xE800];
	s12 =	sor.u32 s15, s16  }
0x184: {  	v33 =	vld [tilespmem:s23+$0x15C00];
	s15 =	sor.u32 s30, s12  }
0x185: {  	v29 =	vld [tilespmem:s15+$0xE800]  }
0x186: {  	s16 =	sor.u32 s0, s12;
	v31 =	vld [tilespmem:s15+$0x15C00]  }
0x187: {  	v32 =	vld [tilespmem:s16+$0xE800]  }
0x188: {  	s17 =	sor.u32 s21, s12;
	v34 =	vld [tilespmem:s16+$0x15C00]  }
0x189: {  	s18 =	sadd.s32 $0x30, s22;
	s23 =	sadd.s32 $0xFFFFFE00, s11;
	v35 =	vld [tilespmem:s17+$0xE800]  }
0x18a: {  	s15 =	sand.u32 $0x70, s18;
	s16 =	sand.u32 $0x1FC00, s23;
	v38 =	vld [tilespmem:s17+$0x15C00];
	s17 =	sor.u32 s31, s12  }
0x18b: {  	s12 =	sor.u32 s15, s16;
	v40 =	vld [tilespmem:s17+$0xE800]  }
0x18c: {  	v43 =	vld [tilespmem:s17+$0x15C00];
	s15 =	sor.u32 s30, s12  }
0x18d: {  	v42 =	vld [tilespmem:s15+$0xE800]  }
0x18e: {  	s18 =	sor.u32 s0, s12;
	v44 =	vld [tilespmem:s15+$0x15C00]  }
0x18f: {  	v45 =	vld [tilespmem:s18+$0xE800]  }
0x190: {  	s23 =	sor.u32 s21, s12;
	v46 =	vld [tilespmem:s18+$0x15C00]  }
0x191: {  	s17 =	sadd.s32 $0x20, s22;
	s18 =	sadd.s32 $0xFFFFFD80, s11;
	v47 =	vld [tilespmem:s23+$0xE800]  }
0x192: {  	s15 =	sand.u32 $0x70, s17;
	v48 =	vld [tilespmem:s23+$0x15C00];
	s23 =	sor.u32 s31, s12;
	s16 =	sand.u32 $0x1FC00, s18  }
0x193: {  	v49 =	vld [tilespmem:s23+$0xE800];
	s12 =	sor.u32 s15, s16  }
0x194: {  	s5 =	sand.u32 $0x3FF0, s5;
	v51 =	vld [tilespmem:s23+$0x15C00];
	s15 =	sor.u32 s30, s12  }
0x195: {  	s16 =	ssub.s32 s5, s10;
	v50 =	vld [tilespmem:s15+$0xE800]  }
0x196: {  	s4 =	sadd.s32 $0xFFFFFED2, s16;
	s17 =	sor.u32 s0, s12;
	v52 =	vld [tilespmem:s15+$0x15C00]  }
0x197: {  	v54 =	vadd.s32 s4, v0;
	v53 =	vld [tilespmem:s17+$0xE800]  }
0x198: {  	v1 =	vsub.f32 v1, v4;
	s18 =	sor.u32 s21, s12;
	v56 =	vld [tilespmem:s17+$0x15C00];
	vm0 =	vgt.s32 v54, $0x0  }
0x199: {  	v16 =	vsub.f32 v15, v16;
	s22 =	sadd.s32 $0x10, s22;
	s23 =	sadd.s32 $0xFFFFFD00, s11;
	v57 =	vld [tilespmem:s18+$0xE800];
	v4 =	vsel vm0, $0x3F800000, v2  }
0x19a: {  	v17 =	vsub.f32 v17, v18;
	s16 =	sand.u32 $0x1FC00, s23;
	s12 =	sor.u32 s31, s12;
	s15 =	sand.u32 $0x70, s22;
	v58 =	vld [tilespmem:s18+$0x15C00];
	v15 =	vmul.f32 v4, v1;
	v1 =	vsub.f32 v20, v21  }
0x19b: {  	v18 =	vsub.f32 v39, v41;
	v59 =	vld [tilespmem:s12+$0xE800];
	s4 =	sor.u32 s15, s16;
	v20 =	vmul.f32 v4, v16  }
0x19c: {  	v60 =	vld [tilespmem:s12+$0x15C00];
	s22 =	simm.s32 $0x70;
	s15 =	sor.u32 s30, s4;
	v16 =	vmul.f32 v4, v17;
	v17 =	vsub.f32 v36, v37;
	v21 =	vmul.f32 v4, v1  }
.LBB2_15:
0x19d: {  	v1 =	vld [tilespmem:s15+$0xE800]  }
0x19e: {  	v4 =	vld [tilespmem:s15+$0x15C00];
	s17 =	sor.u32 s0, s4  }
0x19f: {  	s12 =	rddreg [dreg:$0x5];
	v54 =	vsub.f32 v5, v6;
	v5 =	vld [tilespmem:s17+$0xE800]  }
0x1a0: {  	v55 =	vsub.f32 v7, v9;
	v61 =	vsub.f32 v8, v10;
	s18 =	sor.u32 s21, s4;
	s23 =	sadd.s32 s22, s12;
	v6 =	vld [tilespmem:s17+$0x15C00]  }
0x1a1: {  	v62 =	vsub.f32 v11, v12;
	v63 =	vsub.f32 v13, v14;
	s11 =	sadd.s32 $0x380, s11;
	v7 =	vld [tilespmem:s18+$0xE800];
	s17 =	sadd.s32 $0x70, s23  }
0x1a2: {  	v0 =	vsub.f32 v19, v23;
	v19 =	vsub.f32 v22, v24;
	s16 =	sand.u32 $0x1FC00, s11;
	v8 =	vld [tilespmem:s18+$0x15C00];
	s18 =	sor.u32 s31, s4;
	s15 =	sand.u32 $0x70, s17  }
0x1a3: {  	v22 =	vsub.f32 v25, v26;
	v23 =	vsub.f32 v27, v28;
	v9 =	vld [tilespmem:s18+$0xE800];
	s12 =	sor.u32 s15, s16  }
0x1a4: {  	v24 =	vsub.f32 v30, v33;
	v13 =	vsub.f32 v29, v31;
	v10 =	vld [tilespmem:s18+$0x15C00];
	s15 =	sor.u32 s30, s12  }
0x1a5: {  	v14 =	vsub.f32 v32, v34;
	v25 =	vsub.f32 v35, v38;
	v36 =	vld [tilespmem:s15+$0xE800]  }
0x1a6: {  	v11 =	vsub.f32 v42, v44;
	v12 =	vsub.f32 v45, v46;
	s17 =	sor.u32 s0, s12;
	v37 =	vld [tilespmem:s15+$0x15C00]  }
0x1a7: {  	v27 =	vsub.f32 v47, v48;
	v29 =	vsub.f32 v50, v52;
	v39 =	vld [tilespmem:s17+$0xE800]  }
0x1a8: {  	v30 =	vsub.f32 v53, v56;
	v31 =	vsub.f32 v57, v58;
	s18 =	sor.u32 s21, s12;
	v41 =	vld [tilespmem:s17+$0x15C00]  }
0x1a9: {  	s16 =	sadd.s32 $0x60, s23;
	v1 =	vsub.f32 v1, v4;
	v4 =	vsub.f32 v5, v6;
	s17 =	sadd.s32 $0xFFFFFF80, s11;
	v5 =	vld [tilespmem:s18+$0xE800]  }
0x1aa: {  	v8 =	vsub.f32 v7, v8;
	s15 =	sand.u32 $0x70, s16;
	v6 =	vld [tilespmem:s18+$0x15C00];
	s18 =	sor.u32 s31, s12;
	v9 =	vsub.f32 v9, v10;
	s16 =	sand.u32 $0x1FC00, s17  }
0x1ab: {  	v1 =	vadd.f32 v1, v15;
	v7 =	vld [tilespmem:s18+$0xE800];
	v4 =	vadd.f32 v4, v20;
	s12 =	sor.u32 s15, s16  }
0x1ac: {  	v10 =	vadd.f32 v8, v16;
	v15 =	vadd.f32 v9, v21;
	s15 =	sor.u32 s30, s12;
	v9 =	vld [tilespmem:s18+$0x15C00]  }
0x1ad: {  	v28 =	vsub.f32 v49, v51;
	v1 =	vadd.f32 v29, v1;
	v8 =	vld [tilespmem:s15+$0xE800]  }
0x1ae: {  	s17 =	sor.u32 s0, s12;
	v4 =	vadd.f32 v30, v4;
	v16 =	vadd.f32 v31, v10;
	v10 =	vld [tilespmem:s15+$0x15C00]  }
0x1af: {  	v60 =	vsub.f32 v59, v60;
	v1 =	vadd.f32 v11, v1;
	v11 =	vld [tilespmem:s17+$0xE800]  }
0x1b0: {  	s18 =	sor.u32 s21, s12;
	v4 =	vadd.f32 v12, v4;
	v16 =	vadd.f32 v27, v16;
	v12 =	vld [tilespmem:s17+$0x15C00]  }
0x1b1: {  	s16 =	sadd.s32 $0x50, s23;
	v15 =	vadd.f32 v60, v15;
	s17 =	sadd.s32 $0xFFFFFF00, s11;
	v1 =	vadd.f32 v13, v1;
	v13 =	vld [tilespmem:s18+$0xE800]  }
0x1b2: {  	s15 =	sand.u32 $0x70, s16;
	s16 =	sand.u32 $0x1FC00, s17;
	v4 =	vadd.f32 v14, v4;
	v16 =	vadd.f32 v25, v16;
	v14 =	vld [tilespmem:s18+$0x15C00];
	s18 =	sor.u32 s31, s12  }
0x1b3: {  	v26 =	vsub.f32 v40, v43;
	s12 =	sor.u32 s15, s16;
	v1 =	vadd.f32 v19, v1;
	v19 =	vld [tilespmem:s18+$0xE800]  }
0x1b4: {  	v15 =	vadd.f32 v28, v15;
	s15 =	sor.u32 s30, s12;
	v16 =	vadd.f32 v23, v16;
	v23 =	vld [tilespmem:s18+$0x15C00]  }
0x1b5: {  	s17 =	sor.u32 s0, s12;
	v4 =	vadd.f32 v22, v4;
	v22 =	vld [tilespmem:s15+$0xE800]  }
0x1b6: {  	v15 =	vadd.f32 v26, v15;
	v25 =	vld [tilespmem:s17+$0xE800]  }
0x1b7: {  	v26 =	vld [tilespmem:s17+$0x15C00]  }
0x1b8: {  	s18 =	sor.u32 s21, s12;
	v15 =	vadd.f32 v24, v15;
	v24 =	vld [tilespmem:s15+$0x15C00]  }
0x1b9: {  	s16 =	sadd.s32 $0x40, s23;
	s17 =	sadd.s32 $0xFFFFFE80, s11;
	v27 =	vld [tilespmem:s18+$0xE800]  }
0x1ba: {  	s15 =	sand.u32 $0x70, s16;
	s16 =	sand.u32 $0x1FC00, s17;
	v28 =	vld [tilespmem:s18+$0x15C00];
	s18 =	sor.u32 s31, s12  }
0x1bb: {  	s12 =	sor.u32 s15, s16;
	v30 =	vld [tilespmem:s18+$0xE800]  }
0x1bc: {  	v33 =	vld [tilespmem:s18+$0x15C00];
	s15 =	sor.u32 s30, s12  }
0x1bd: {  	v29 =	vld [tilespmem:s15+$0xE800]  }
0x1be: {  	s17 =	sor.u32 s0, s12;
	v31 =	vld [tilespmem:s15+$0x15C00]  }
0x1bf: {  	v32 =	vld [tilespmem:s17+$0xE800]  }
0x1c0: {  	s18 =	sor.u32 s21, s12;
	v34 =	vld [tilespmem:s17+$0x15C00]  }
0x1c1: {  	s16 =	sadd.s32 $0x30, s23;
	s17 =	sadd.s32 $0xFFFFFE00, s11;
	v35 =	vld [tilespmem:s18+$0xE800]  }
0x1c2: {  	s15 =	sand.u32 $0x70, s16;
	v38 =	vld [tilespmem:s18+$0x15C00];
	s18 =	sor.u32 s31, s12;
	s16 =	sand.u32 $0x1FC00, s17  }
0x1c3: {  	v40 =	vld [tilespmem:s18+$0xE800];
	s12 =	sor.u32 s15, s16  }
0x1c4: {  	v43 =	vld [tilespmem:s18+$0x15C00];
	s15 =	sor.u32 s30, s12  }
0x1c5: {  	v42 =	vld [tilespmem:s15+$0xE800]  }
0x1c6: {  	s17 =	sor.u32 s0, s12;
	v44 =	vld [tilespmem:s15+$0x15C00]  }
0x1c7: {  	v45 =	vld [tilespmem:s17+$0xE800]  }
0x1c8: {  	s18 =	sor.u32 s21, s12;
	v46 =	vld [tilespmem:s17+$0x15C00]  }
0x1c9: {  	s16 =	sadd.s32 $0x20, s23;
	s17 =	sadd.s32 $0xFFFFFD80, s11;
	v47 =	vld [tilespmem:s18+$0xE800]  }
0x1ca: {  	s15 =	sand.u32 $0x70, s16;
	v48 =	vld [tilespmem:s18+$0x15C00];
	s18 =	sor.u32 s31, s12;
	s16 =	sand.u32 $0x1FC00, s17  }
0x1cb: {  	v49 =	vld [tilespmem:s18+$0xE800];
	s12 =	sor.u32 s15, s16  }
0x1cc: {  	v51 =	vld [tilespmem:s18+$0x15C00];
	s15 =	sor.u32 s30, s12  }
0x1cd: {  	v50 =	vld [tilespmem:s15+$0xE800]  }
0x1ce: {  	s16 =	sor.u32 s0, s12;
	v52 =	vld [tilespmem:s15+$0x15C00]  }
0x1cf: {  	p1 =	sne.s32 s22, $0xE0;
	v53 =	vld [tilespmem:s16+$0xE800]  }
.Ltmp5:
0x1d0: {  	v1 =	vadd.f32 v61, v1;
	v4 =	vadd.f32 v62, v4;
	s17 =	sor.u32 s21, s12;
	v56 =	vld [tilespmem:s16+$0x15C00];
	(pc) =	sbr.rel @p1 .LBB2_15-.Ltmp5, $4  }
0x1d1: {  	v16 =	vadd.f32 v63, v16;
	v0 =	vadd.f32 v0, v15;
	s18 =	sadd.s32 $0x10, s23;
	s23 =	sadd.s32 $0xFFFFFD00, s11;
	v57 =	vld [tilespmem:s17+$0xE800]  }
0x1d2: {  	v15 =	vadd.f32 v17, v1;
	v17 =	vsub.f32 v36, v37;
	s12 =	sor.u32 s31, s12;
	s15 =	sand.u32 $0x70, s18;
	s16 =	sand.u32 $0x1FC00, s23;
	v58 =	vld [tilespmem:s17+$0x15C00]  }
0x1d3: {  	v20 =	vadd.f32 v18, v4;
	v16 =	vadd.f32 v54, v16;
	v59 =	vld [tilespmem:s12+$0xE800];
	s4 =	sor.u32 s15, s16  }
0x1d4: {  	s22 =	sadd.s32 $0x70, s22;
	v18 =	vsub.f32 v39, v41;
	v21 =	vadd.f32 v55, v0;
	v60 =	vld [tilespmem:s12+$0x15C00];
	s15 =	sor.u32 s30, s4  }
0x1d5: {  	v1 =	vsub.f32 v5, v6  }
0x1d6: {  	v0 =	vld [tilespmem:s15+$0xE800];
	v4 =	vsub.f32 v7, v9;
	v6 =	vsub.f32 v8, v10  }
0x1d7: {  	v5 =	vld [tilespmem:s15+$0x15C00];
	s11 =	sor.u32 s0, s4;
	v7 =	vsub.f32 v11, v12;
	v9 =	vsub.f32 v13, v14  }
0x1d8: {  	v10 =	vsub.f32 v19, v23;
	v12 =	vsub.f32 v22, v24;
	v8 =	vld [tilespmem:s11+$0xE800]  }
0x1d9: {  	s12 =	sor.u32 s21, s4;
	v13 =	vsub.f32 v25, v26;
	v19 =	vsub.f32 v27, v28;
	v11 =	vld [tilespmem:s11+$0x15C00]  }
0x1da: {  	v22 =	vsub.f32 v30, v33;
	v24 =	vsub.f32 v29, v31;
	s16 =	sadd.s32 $0x160, s5;
	v61 =	vld [tilespmem:s12+$0xE800]  }
0x1db: {  	s15 =	sor.u32 s31, s4;
	v25 =	vsub.f32 v32, v34;
	v27 =	vsub.f32 v35, v38;
	v62 =	vld [tilespmem:s12+$0x15C00];
	s17 =	sshll.u32 s16, $0x3  }
0x1dc: {  	v41 =	vsub.f32 v40, v43;
	v44 =	vsub.f32 v42, v44;
	v63 =	vld [tilespmem:s15+$0xE800];
	s4 =	sand.u32 $0x70, s16;
	s11 =	sand.u32 $0xFC00, s17  }
0x1dd: {  	v46 =	vsub.f32 v45, v46;
	v48 =	vsub.f32 v47, v48;
	v43 =	vld [tilespmem:s15+$0x15C00];
	s4 =	sor.u32 s4, s11  }
0x1de: {  	v54 =	vsub.f32 v49, v51;
	v55 =	vsub.f32 v50, v52;
	s18 =	sor.u32 s0, s4  }
0x1df: {  	v56 =	vsub.f32 v53, v56;
	s12 =	sadd.s32 $0x170, s5;
	v36 =	vsub.f32 v57, v58;
	v29 =	vld [tilespmem:s18+$0xE800]  }
0x1e0: {  	s23 =	sshll.u32 s12, $0x3;
	v37 =	vsub.f32 v59, v60;
	s11 =	sor.u32 s30, s4;
	v0 =	vsub.f32 v0, v5;
	v34 =	vld [tilespmem:s18+$0x15C00]  }
0x1e1: {  	s16 =	sand.u32 $0x70, s12;
	s17 =	sand.u32 $0xFC00, s23;
	v5 =	vsub.f32 v8, v11;
	v60 =	vsub.f32 v61, v62;
	v62 =	vld [tilespmem:s11+$0xE800]  }
0x1e2: {  	s22 =	sor.u32 s21, s4;
	v61 =	vsub.f32 v63, v43;
	v63 =	vld [tilespmem:s11+$0x15C00];
	s11 =	sor.u32 s16, s17;
	v0 =	vadd.f32 v0, v15  }
0x1e3: {  	v35 =	vld [tilespmem:s22+$0xE800];
	s23 =	sor.u32 s0, s11;
	v5 =	vadd.f32 v5, v20;
	v8 =	vadd.f32 v60, v16  }
0x1e4: {  	v11 =	vadd.f32 v61, v21;
	v43 =	vld [tilespmem:s23+$0xE800];
	v0 =	vadd.f32 v55, v0  }
0x1e5: {  	s4 =	sor.u32 s31, s4;
	v45 =	vld [tilespmem:s23+$0x15C00];
	v5 =	vadd.f32 v56, v5;
	v8 =	vadd.f32 v36, v8  }
0x1e6: {  	v38 =	vld [tilespmem:s4+$0x15C00];
	v11 =	vadd.f32 v37, v11;
	v49 =	vsub.f32 v29, v34  }
0x1e7: {  	v36 =	vld [tilespmem:s22+$0x15C00];
	s22 =	ssub.s32 s10, s5;
	v0 =	vadd.f32 v44, v0;
	v5 =	vadd.f32 v46, v5  }
0x1e8: {  	v37 =	vld [tilespmem:s4+$0xE800];
	s10 =	sadd.s32 $0x13C, s22;
	v8 =	vadd.f32 v48, v8;
	v11 =	vadd.f32 v54, v11  }
0x1e9: {  	s18 =	sor.u32 s30, s11;
	s5 =	sadd.s32 $0x12C, s22;
	v44 =	vadd.s32 s10, v3;
	v46 =	vsub.f32 v62, v63;
	v0 =	vadd.f32 v24, v0  }
0x1ea: {  	v39 =	vld [tilespmem:s18+$0xE800];
	v50 =	vadd.s32 s5, v3;
	v56 =	vsub.f32 v43, v45;
	v5 =	vadd.f32 v25, v5  }
0x1eb: {  	v40 =	vld [tilespmem:s18+$0x15C00];
	s10 =	sor.u32 s21, s11;
	vm0 =	vgt.s32 v44, $0x0;
	v8 =	vadd.f32 v27, v8;
	v11 =	vadd.f32 v41, v11  }
0x1ec: {  	v47 =	vld [tilespmem:s10+$0xE800];
	vm15 =	vgt.s32 v50, $0x0;
	v0 =	vadd.f32 v12, v0;
	v53 =	vsub.f32 v35, v36  }
0x1ed: {  	v51 =	vld [tilespmem:s10+$0x15C00];
	v48 =	vsel vm0, $0x3F800000, v2;
	v58 =	vsub.f32 v37, v38;
	v5 =	vadd.f32 v13, v5  }
0x1ee: {  	v54 =	vsel vm15, $0x3F800000, v2;
	v8 =	vadd.f32 v19, v8;
	v0 =	vadd.f32 v6, v0  }
0x1ef: {  	s11 =	sor.u32 s31, s11;
	v15 =	vmul.f32 v48, v49;
	v11 =	vadd.f32 v22, v11;
	v5 =	vadd.f32 v7, v5  }
0x1f0: {  	v52 =	vld [tilespmem:s11+$0xE800];
	v6 =	vsub.f32 v39, v40;
	v7 =	vmul.f32 v48, v46;
	v0 =	vadd.f32 v17, v0  }
0x1f1: {  	v55 =	vld [tilespmem:s11+$0x15C00];
	v59 =	vmul.f32 v54, v56;
	v41 =	vadd.f32 v9, v8;
	v5 =	vadd.f32 v18, v5  }
0x1f2: {  	v60 =	vsub.f32 v47, v51;
	v6 =	vmul.f32 v54, v6;
	v0 =	vadd.f32 v7, v0  }
0x1f3: {  	v57 =	vmul.f32 v48, v53;
	v1 =	vadd.f32 v1, v41;
	v5 =	vadd.f32 v15, v5  }
0x1f4: {  	v42 =	vadd.f32 v10, v11;
	v0 =	vadd.f32 v6, v0  }
0x1f5: {  	v62 =	vmul.f32 v54, v60;
	v1 =	vadd.f32 v57, v1;
	v5 =	vadd.f32 v59, v5  }
0x1f6: {  	v61 =	vmul.f32 v48, v58;
	v63 =	vsub.f32 v52, v55;
	v4 =	vadd.f32 v4, v42;
	(xrf2) =	vadd.scan.msk.f32 $0xffff, v0  }
0x1f7: {  	v1 =	vadd.f32 v62, v1;
	(xrf2) =	vadd.scan.msk.f32 $0xffff, v5  }
0x1f8: {  	v0 =	vadd.f32 v61, v4;
	v4 =	vmul.f32 v54, v63  }
0x1f9: {  	(xrf2) =	vadd.scan.msk.f32 $0xffff, v1  }
0x1fa: {  	v0 =	vadd.f32 v4, v0;
	_ =	sdelay $0x1  }
0x1fb: {  	(xrf2) =	vadd.scan.msk.f32 $0xffff, v0;
	_ =	sdelay $0x3  }
0x1fc: {  	v0, _, _ =	vpop (xrf2)  }
0x1fd: {  	(v2sf) =	vpush v0, $0xF;
	v0, _, _ =	vpop (xrf2)  }
0x1fe: {  	(v2sf) =	vpush v0, $0xF  }
0x1ff: {  	v0, _, _ =	vpop (xrf2)  }
0x200: {  	(v2sf) =	vpush v0, $0xF;
	_ =	sdelay $0x1  }
0x201: {  	v0, _, _ =	vpop (xrf2)  }
0x202: {  	(v2sf) =	vpush v0, $0xF;
	_ =	sdelay $0x8  }
0x203: {  	s12 =	spop (v2sf)  }
0x204: {  	s4 =	smul.f32 s12, s12;
	s15 =	spop (v2sf)  }
0x205: {  	s16 =	smul.f32 s15, s15  }
0x206: {  	s8 =	sadd.s32 $0x1, s8;
	s17 =	spop (v2sf);
	s2 =	sadd.f32 s4, s2  }
0x207: {  	p1 =	sne.s32 s8, $0x9;
	s18 =	smul.f32 s17, s17  }
.Ltmp6:
0x208: {  	s2 =	sadd.f32 s16, s2;
	(pc) =	sbr.rel @p1 .LBB2_14-.Ltmp6, $4  }
0x209: {  	s22 =	spop (v2sf)  }
0x20a: {  	s23 =	smul.f32 s22, s22;
	s2 =	sadd.f32 s18, s2  }
0x20b: {  	_ = 	snop  }
0x20c: {  	s9 =	sadd.s32 $0x16D, s9;
	v0 =	vlaneseq.u32;
	s2 =	sadd.f32 s23, s2  }
.Ltmp7:
0x20d: {  	(pc) =	sbr.rel @p0 .LBB2_11-.Ltmp7, $2  }
0x20e: {  	_ =	sdelay $0x2  }
0x20f: {  	s0 =	simm.s32 $0x1;
	p1 =	por $0x0, $0x0  }
0x210: {  	p0 =	slt.u32 s26, $0x7A;
	s0 =	simm.f32 $1.000000000e+00  }
0x211: {  	s0 =	simm.s32 @!p0 $0x0;
	p0 =	sne.s32 s25, $0x4  }
.Ltmp8:
0x212: {  	s2 =	sadd.f32 s2, s28;
	(pc) =	sbr.rel @p0 .LBB2_2-.Ltmp8, $3  }
0x213: {  	_ = 	snop  }
0x214: {  	s0 =	smul.f32 s2, s0;
	_ =	sdelay $0x1  }
0x215: {  	s24 =	sadd.f32 s0, s24  }
0x216: {  	_ =	swait.ge [sflag:s13], $0x7400  }
0x217: {  	[sflag:s13] =	ssyncset.done $0x0  }
0x218: {  	[sflag:s13] =	ssyncadd.s32 $0xFFFF8C00  }
0x219: {  	_ =	swait.ge [sflag:s14], $0x7400  }
0x21a: {  	[sflag:s14] =	ssyncset.done $0x0  }
0x21b: {  	v1 =	vimm.f32 $0.0e+00;
	[sflag:s14] =	ssyncadd.s32 $0xFFFF8C00  }
0x21c: {  	v0 =	vld [tilespmem:$0x1FFF0];
	[tilespmem:$0x1D080] =	vst v1  }
0x21d: {  	[tilespmem:$0x1D100] =	vst v1  }
0x21e: {  	[tilespmem:$0x1D180] =	vst v1  }
0x21f: {  	[tilespmem:$0x1D200] =	vst v1  }
0x220: {  	[tilespmem:$0x1D280] =	vst v1  }
0x221: {  	[tilespmem:$0x1D300] =	vst v1;
	v0 =	vmul.f32 s24, v0  }
0x222: {  	s9 =	simm.s32 $0x0;
	[tilespmem:$0x1D380] =	vst v1  }
0x223: {  	s2 =	simm.s32 $0x1D000;
	s30 =	simm.s32 $0x5;
	s0 =	rddreg [dreg:$0x8];
	[tilespmem:$0x1D000] =	vst v0  }
0x224: {  	[hbm4b:s0+s9] =	stream.linear.scatter [tilespmem:s2], [sflag:$0x5], $0x400, $0x38;
	[tilespmem:$0x1D400] =	vst v63  }
0x225: {  	_ =	swait.ge [sflag:s30], $0x400  }
0x226: {  	s4 =	rddreg [dreg:$0xa]  }
0x227: {  	s31 =	rddreg [dreg:$0x9];
	s4 =	sadd.s32 $0x1, s4  }
0x228: {  	p0 =	sne.s32 s4, s31  }
.Ltmp9:
0x229: {  	_ = 	snop;
	(pc) =	sbr.rel @p0 .LBB2_1-.Ltmp9, $3  }
0x22a: {  	_ =	sdelay $0x1  }
0x22b: {  	[sflag:s30] =	ssyncset.done $0x0  }
0x22c: {  	v0 =	vlaneseq.u32;
	[sflag:s30] =	ssyncadd.s32 $0xFFFFFC00  }
0x22d: {  	_ =	sfence.sel $0x180000  }
0x22e: {  	[bflag:$0x0] =	sbarrier.arrive $0xFFFF  }
0x22f: {  	_ =	strace $0x90000047  }
0x230: {  	s0 =	stileid.u32;
	[bflag:$0x2] =	sbarrier.arrive $0xFFFF  }
0x231: {  	p0 =	sne.s32 s0, $0x0;
	s0 =	rddreg [dreg:$0x3]  }
0x232: {  	s0 =	sadd.s32 @!p0 $0x100000, s0  }
0x233: {  	[sflag:s0] =	ssyncadd.tile.s32 @!p0 $0x1;
	_ =	shalt  }
.Lfunc_end2:
_tile_overlayer_lowered:
.L_overlay_start_2:
0x234: {  	(tag) =	ssettag $0x2  }
0x235: {  	s0 =	rddreg [dreg:$0x0];
	s2 =	stileid.u32  }
0x236: {  	s1 =	rddreg [dreg:$0x1];
	p0 =	sne.s32 s2, $0x0  }
0x237: {  	s3 =	rddreg [dreg:$0x2];
	[bflag:$0x3] =	sbarrier.arrive $0xFFFF;
	s2 =	simm.s32 @!p0 $0x1C05  }
0x238: {  	[timem:s3], [sflag:s2] =	dma.local @!p0 [hbm:s0], s1  }
0x239: {  	s0 =	simm.s32 @!p0 $0x5  }
0x23a: {  	_ =	swait.ge @!p0 [sflag:s0], s1  }
0x23b: {  	s1 =	ssub.s32 @!p0 $0x0, s1;
	[sflag:s0] =	ssyncset.done @!p0 $0x0  }
0x23c: {  	[sflag:s0] =	ssyncadd.s32 @!p0 s1  }
0x23d: {  	[bflag:$0x3] =	sbarrier.arrive $0xFFFF  }
0x23e: {  	_ =	shalt  }

</sc_bundles>
